<compile_context>
chip_gen: v7x
topology: tpu7x:2x2x1
jax: 0.10.2.dev20260603
libtpu: 0.0.44.dev20260713+nightly
codegen_flags: <defaults>
</compile_context>

<pallas_src>
import jax
import jax.numpy as jnp
from jax import lax
from jax.experimental import pallas as pl
from jax.experimental.pallas import tpu as pltpu
from jax.experimental.pallas import tpu_sc as plsc

N_FEATURES = 26
VOCAB = 100001
EMBED = 32
BATCH = 4096
SEQ = 20

N = BATCH * SEQ
NC, NS, L = 2, 16, 16
NW = NC * NS
PER_W = N // NW
B = 16
ROWS = B * N_FEATURES
N_CHUNKS = PER_W // B
GROUPS = (N_FEATURES * VOCAB + 2) // 4
WR = ROWS // 4


def _embed_body(idx_hbm, offs_hbm, table_hbm, out_hbm,
                offs_v, sub0, sub1, idx0, idx1, g0, g1,
                isem0, isem1, gsem0, gsem1, wsem0, wsem1):
  wid = lax.axis_index("s") * NC + lax.axis_index("c")
  row0_w = wid * (PER_W * N_FEATURES)
  wrow0_w = wid * (PER_W * N_FEATURES // 4)

  pltpu.sync_copy(offs_hbm, offs_v)

  def idx_load(g, idx_v, isem):
    pltpu.async_copy(idx_hbm.at[pl.ds(row0_w + g * ROWS, ROWS)], idx_v, isem)

  def idx_wait(g, idx_v, isem):
    pltpu.make_async_copy(
        idx_hbm.at[pl.ds(row0_w + g * ROWS, ROWS)], idx_v, isem).wait()

  def offset_add(idx_v, sub_v):
    def vec_body(j, carry):
      sl = pl.ds(j * L, L)
      t = idx_v[sl] + offs_v[sl]
      sub_v[sl] = lax.bitwise_and(t, 3)
      idx_v[sl] = lax.shift_right_logical(t, 2)
      return carry
    lax.fori_loop(0, ROWS // L, vec_body, 0, unroll=8)

  def extract(g_v, sub_v):
    iota = lax.iota(jnp.int32, L)

    def blk(t, carry):
      q = t * L
      sub16 = sub_v[pl.ds(q, L)]
      row_r = q + iota
      col_base = sub16 * EMBED
      wflat = (q + iota) * EMBED

      def e_body(e, carry2):
        v = plsc.load_gather(g_v, [row_r, col_base + e])
        wf = wflat + e
        plsc.store_scatter(
            g_v, [lax.shift_right_logical(wf, 7), lax.bitwise_and(wf, 127)], v)
        return carry2

      lax.fori_loop(0, EMBED, e_body, 0, unroll=True)
      return carry

    lax.fori_loop(0, ROWS // L, blk, 0)

  KS = 13
  SUB = ROWS // KS

  def gather_fire(idx_v, g_v, gsem):
    pltpu.async_copy(table_hbm.at[idx_v], g_v, gsem)

  def gather_wait(idx_v, g_v, gsem):
    pltpu.make_async_copy(table_hbm.at[idx_v], g_v, gsem).wait()

  def write_fire(g, g_v, wsem):
    pltpu.async_copy(g_v.at[pl.ds(0, WR)],
                     out_hbm.at[pl.ds(wrow0_w + g * WR, WR)], wsem)

  def write_wait(g, g_v, wsem):
    pltpu.make_async_copy(g_v.at[pl.ds(0, WR)],
                          out_hbm.at[pl.ds(wrow0_w + g * WR, WR)], wsem).wait()

  bufs = ((idx0, sub0, g0, isem0, gsem0, wsem0),
          (idx1, sub1, g1, isem1, gsem1, wsem1))

  idx_load(0, idx0, isem0)
  idx_load(1, idx1, isem1)

  def chunk_body(h, carry):
    for par in (0, 1):
      idx_v, sub_v, g_v, isem, gsem, wsem = bufs[par]
      idx_p, sub_p, g_p, isem_p, gsem_p, wsem_p = bufs[1 - par]
      g = h * 2 + par

      @pl.when(g >= 2)
      def _():
        write_wait(g - 2, g_v, wsem)

      idx_wait(g, idx_v, isem)
      offset_add(idx_v, sub_v)
      gather_fire(idx_v, g_v, gsem)

      @pl.when(g >= 1)
      def _():
        gather_wait(idx_p, g_p, gsem_p)

        @pl.when(g + 1 < N_CHUNKS)
        def _():
          idx_load(g + 1, idx_p, isem_p)

        extract(g_p, sub_p)
        write_fire(g - 1, g_p, wsem_p)
    return carry

  lax.fori_loop(0, N_CHUNKS // 2, chunk_body, 0)

  lastp = (N_CHUNKS - 1) & 1
  idx_l, sub_l, g_l, isem_l, gsem_l, wsem_l = bufs[lastp]
  gather_wait(idx_l, g_l, gsem_l)
  extract(g_l, sub_l)
  write_fire(N_CHUNKS - 1, g_l, wsem_l)
  write_wait(N_CHUNKS - 2, g0 if lastp else g1,
             wsem0 if lastp else wsem1)
  write_wait(N_CHUNKS - 1, g_l, wsem_l)


@jax.jit
def kernel(features, tables):
  idx = features.reshape(N_FEATURES, N).T.reshape(N * N_FEATURES)
  offs = jnp.tile(jnp.arange(N_FEATURES, dtype=jnp.int32) * VOCAB, B)
  flat = tables.reshape(N_FEATURES * VOCAB * EMBED)
  flat = jnp.concatenate([flat, jnp.zeros(64, jnp.float32)])
  table = flat.reshape(GROUPS, 128)
  mesh = plsc.VectorSubcoreMesh(core_axis_name="c", subcore_axis_name="s")
  out = pl.kernel(
      _embed_body,
      out_type=jax.ShapeDtypeStruct((N * N_FEATURES // 4, 128), jnp.float32),
      mesh=mesh,
      scratch_types=[
          pltpu.VMEM((ROWS,), jnp.int32),
          pltpu.VMEM((ROWS,), jnp.int32),
          pltpu.VMEM((ROWS,), jnp.int32),
          pltpu.VMEM((ROWS,), jnp.int32),
          pltpu.VMEM((ROWS,), jnp.int32),
          pltpu.VMEM((ROWS, 128), jnp.float32),
          pltpu.VMEM((ROWS, 128), jnp.float32),
          pltpu.SemaphoreType.DMA,
          pltpu.SemaphoreType.DMA,
          pltpu.SemaphoreType.DMA,
          pltpu.SemaphoreType.DMA,
          pltpu.SemaphoreType.DMA,
          pltpu.SemaphoreType.DMA,
      ],
      compiler_params=pltpu.CompilerParams(needs_layout_passes=False),
  )(idx, offs, table)
  return out.reshape(BATCH, SEQ, N_FEATURES * EMBED)

# --- scband reference (transcript-rebuilt; emitter-appended) ---
"""Pipeline reference for scband-credits-embedder-5145370820905 (READ-ONLY COPY).

The authoritative reference and input builder live on the scoring server;
editing this copy changes nothing except your own understanding.
"""

import jax, jax.numpy as jnp
import numpy as np

N_FEATURES = 26
VOCAB = 100001  # cardinality 100000 + 1 for add_missing
EMBED = 32
BATCH = 4096
SEQ = 20

def setup_inputs(seed: int = 0) -> dict:
    key = jax.random.key(seed)
    k1, k2 = jax.random.split(key)
    # features is a stacked tensor [n_fields, B, L]; forward indexes features[i] per field
    features = jax.random.randint(k1, (N_FEATURES, BATCH, SEQ), 0, 100000, dtype=jnp.int32)
    tables = jax.random.normal(k2, (N_FEATURES, VOCAB, EMBED), dtype=jnp.float32)
    # nn.Embedding padding_idx=0 initializes the padding row to zeros
    tables = tables.at[:, 0, :].set(0.0)
    return {"features": features, "tables": tables}

def reference(features, tables):
    # embeddings[i] = table_i[features[i]]; concat along last dim
    embs = [jnp.take(tables[i], features[i], axis=0) for i in range(N_FEATURES)]
    return jnp.concatenate(embs, axis=-1)

if __name__ == "__main__":
    import jax
    _d = setup_inputs()
    print(jax.jit(kernel)(*tuple(_d.values())))

</pallas_src>

<mosaic_0001>
#map = affine_map<(d0, d1) -> (0)>
#map1 = affine_map<(d0, d1) -> (0, 0)>
module attributes {stable_mosaic.version = 14 : i64} {
  func.func @_embed_body(%arg0: i32, %arg1: i32, %arg2: memref<2129920xi32, #tpu.memory_space<hbm>>, %arg3: memref<416xi32, #tpu.memory_space<hbm>>, %arg4: memref<650007x128xf32, #tpu.memory_space<hbm>>, %arg5: memref<532480x128xf32, #tpu.memory_space<hbm>>, %arg6: memref<416xi32, #tpu.memory_space<vmem>>, %arg7: memref<416xi32, #tpu.memory_space<vmem>>, %arg8: memref<416xi32, #tpu.memory_space<vmem>>, %arg9: memref<416xi32, #tpu.memory_space<vmem>>, %arg10: memref<416xi32, #tpu.memory_space<vmem>>, %arg11: memref<416x128xf32, #tpu.memory_space<vmem>>, %arg12: memref<416x128xf32, #tpu.memory_space<vmem>>, %arg13: memref<!tpu.dma_semaphore, #tpu.memory_space<semaphore_mem>>, %arg14: memref<!tpu.dma_semaphore, #tpu.memory_space<semaphore_mem>>, %arg15: memref<!tpu.dma_semaphore, #tpu.memory_space<semaphore_mem>>, %arg16: memref<!tpu.dma_semaphore, #tpu.memory_space<semaphore_mem>>, %arg17: memref<!tpu.dma_semaphore, #tpu.memory_space<semaphore_mem>>, %arg18: memref<!tpu.dma_semaphore, #tpu.memory_space<semaphore_mem>>) attributes {dimension_semantics = [#tpu.dimension_semantics<core_parallel>, #tpu.dimension_semantics<subcore_parallel>], iteration_bounds = array<i64: 2, 16>, scalar_prefetch = 0 : i64, scratch_operands = 13 : i64, tpu.core_type = #tpu.core_type<sc_vector_subcore>, window_params = [{transform_indices = #map}, {transform_indices = #map}, {transform_indices = #map1}, {transform_indices = #map1}]} {
    %mul3A = arith.constant 2 : i32
    %mul3A_0 = arith.muli %arg1, %mul3A : i32
    %add3A = arith.addi %mul3A_0, %arg0 : i32
    %mul3A_1 = arith.constant 66560 : i32
    %mul3A_2 = arith.muli %add3A, %mul3A_1 : i32
    %mul3A_3 = arith.constant 16640 : i32
    %mul3A_4 = arith.muli %add3A, %mul3A_3 : i32
    "tpu.region"() ({
      %run_scoped3A = tpu.sem_alloc : memref<!tpu.dma_semaphore, #tpu.memory_space<semaphore_mem>>
      tpu.enqueue_dma source(%arg3 : memref<416xi32, #tpu.memory_space<hbm>>) target(%arg6 : memref<416xi32, #tpu.memory_space<vmem>>) target_semaphore(%run_scoped3A : memref<!tpu.dma_semaphore, #tpu.memory_space<semaphore_mem>>)
      tpu.wait_dma2 semaphore(%run_scoped3A : memref<!tpu.dma_semaphore, #tpu.memory_space<semaphore_mem>>) src(%arg3 : memref<416xi32, #tpu.memory_space<hbm>>) dst(%arg6 : memref<416xi32, #tpu.memory_space<vmem>>)
      tpu.yield
    }) : () -> ()
    %add3A_5 = arith.constant 0 : i32
    %add3A_6 = arith.addi %mul3A_2, %add3A_5 : i32
    %dma_start3A = tpu.memref_slice %arg2[%add3A_6] : memref<2129920xi32, #tpu.memory_space<hbm>> -> memref<416xi32, #tpu.memory_space<hbm>>
    %dma_start3A_7 = tpu.memref_slice %arg2[%add3A_6] : memref<2129920xi32, #tpu.memory_space<hbm>> -> memref<416xi32, #tpu.memory_space<hbm>>
    tpu.enqueue_dma source(%dma_start3A_7 : memref<416xi32, #tpu.memory_space<hbm>>) target(%arg9 : memref<416xi32, #tpu.memory_space<vmem>>) target_semaphore(%arg13 : memref<!tpu.dma_semaphore, #tpu.memory_space<semaphore_mem>>)
    %add3A_8 = arith.constant 416 : i32
    %add3A_9 = arith.addi %mul3A_2, %add3A_8 : i32
    %dma_start3A_10 = tpu.memref_slice %arg2[%add3A_9] : memref<2129920xi32, #tpu.memory_space<hbm>> -> memref<416xi32, #tpu.memory_space<hbm>>
    %dma_start3A_11 = tpu.memref_slice %arg2[%add3A_9] : memref<2129920xi32, #tpu.memory_space<hbm>> -> memref<416xi32, #tpu.memory_space<hbm>>
    tpu.enqueue_dma source(%dma_start3A_11 : memref<416xi32, #tpu.memory_space<hbm>>) target(%arg10 : memref<416xi32, #tpu.memory_space<vmem>>) target_semaphore(%arg14 : memref<!tpu.dma_semaphore, #tpu.memory_space<semaphore_mem>>)
    %scan3A = arith.constant 0 : i32
    %scan3A_12 = arith.constant 0 : i32
    %scan3A_13 = arith.constant 80 : i32
    %scan3A_14 = arith.addi %scan3A_12, %scan3A_13 : i32
    %scan3A_15 = arith.constant 1 : i32
    scf.for %scan3A_61 = %scan3A_12 to %scan3A_14 step %scan3A_15  : i32 {
      %mul3A_62 = arith.constant 2 : i32
      %mul3A_63 = arith.muli %scan3A_61, %mul3A_62 : i32
      %add3A_64 = arith.constant 0 : i32
      %add3A_65 = arith.addi %mul3A_63, %add3A_64 : i32
      %ge3A = arith.constant 2 : i32
      %ge3A_66 = arith.cmpi sge, %add3A_65, %ge3A : i32
      %convert_element_type3A = arith.extui %ge3A_66 : i1 to i32
      %cond3A = arith.constant 0 : i32
      %cond3A_67 = arith.cmpi ne, %convert_element_type3A, %cond3A : i32
      scf.if %cond3A_67 {
        %sub3A = arith.constant 2 : i32
        %sub3A_187 = arith.subi %add3A_65, %sub3A : i32
        %mul3A_188 = arith.constant 104 : i32
        %mul3A_189 = arith.muli %sub3A_187, %mul3A_188 : i32
        %add3A_190 = arith.addi %mul3A_4, %mul3A_189 : i32
        %dma_wait3A_191 = arith.constant 0 : i32
        %dma_wait3A_192 = arith.constant 0 : i32
        %dma_wait3A_193 = tpu.memref_slice %arg11[%dma_wait3A_191, %dma_wait3A_192] : memref<416x128xf32, #tpu.memory_space<vmem>> -> memref<104x128xf32, #tpu.memory_space<vmem>>
        %dma_wait3A_194 = arith.constant 0 : i32
        %dma_wait3A_195 = tpu.memref_slice %arg5[%add3A_190, %dma_wait3A_194] : memref<532480x128xf32, #tpu.memory_space<hbm>> -> memref<104x128xf32, #tpu.memory_space<hbm>>
        %dma_wait3A_196 = arith.constant 0 : i32
        %dma_wait3A_197 = tpu.memref_slice %arg5[%add3A_190, %dma_wait3A_196] : memref<532480x128xf32, #tpu.memory_space<hbm>> -> memref<104x128xf32, #tpu.memory_space<hbm>>
        %dma_wait3A_198 = arith.constant 0 : i32
        %dma_wait3A_199 = arith.constant 0 : i32
        %dma_wait3A_200 = tpu.memref_slice %arg11[%dma_wait3A_198, %dma_wait3A_199] : memref<416x128xf32, #tpu.memory_space<vmem>> -> memref<104x128xf32, #tpu.memory_space<vmem>>
        tpu.wait_dma2 semaphore(%arg17 : memref<!tpu.dma_semaphore, #tpu.memory_space<semaphore_mem>>) src(%dma_wait3A_200 : memref<104x128xf32, #tpu.memory_space<vmem>>) dst(%dma_wait3A_197 : memref<104x128xf32, #tpu.memory_space<hbm>>)
      } else {
      }
      %mul3A_68 = arith.constant 416 : i32
      %mul3A_69 = arith.muli %add3A_65, %mul3A_68 : i32
      %add3A_70 = arith.addi %mul3A_2, %mul3A_69 : i32
      %dma_wait3A_71 = tpu.memref_slice %arg2[%add3A_70] : memref<2129920xi32, #tpu.memory_space<hbm>> -> memref<416xi32, #tpu.memory_space<hbm>>
      %dma_wait3A_72 = tpu.memref_slice %arg2[%add3A_70] : memref<2129920xi32, #tpu.memory_space<hbm>> -> memref<416xi32, #tpu.memory_space<hbm>>
      tpu.wait_dma2 semaphore(%arg13 : memref<!tpu.dma_semaphore, #tpu.memory_space<semaphore_mem>>) src(%dma_wait3A_72 : memref<416xi32, #tpu.memory_space<hbm>>) dst(%arg9 : memref<416xi32, #tpu.memory_space<vmem>>)
      %scan3A_73 = arith.constant 0 : i32
      %scan3A_74 = arith.constant 0 : i32
      %scan3A_75 = arith.constant 24 : i32
      %scan3A_76 = arith.addi %scan3A_74, %scan3A_75 : i32
      %scan3A_77 = arith.constant 8 : i32
      scf.for %scan3A_187 = %scan3A_74 to %scan3A_76 step %scan3A_77  : i32 {
        %mul3A_188 = arith.constant 16 : i32
        %mul3A_189 = arith.muli %scan3A_187, %mul3A_188 : i32
        %get3A_190 = arith.index_cast %mul3A_189 : i32 to index
        %get3A_191 = tpu.vector_load %arg9[%get3A_190] {strides = array<i32>} : memref<416xi32, #tpu.memory_space<vmem>>, vector<16xi32>,
        %get3A_192 = arith.index_cast %mul3A_189 : i32 to index
        %get3A_193 = tpu.vector_load %arg6[%get3A_192] {strides = array<i32>} : memref<416xi32, #tpu.memory_space<vmem>>, vector<16xi32>,
        %add3A_194 = arith.addi %get3A_191, %get3A_193 : vector<16xi32>
        %and3A_195 = arith.constant 3 : i32
        %and3A_196 = vector.broadcast %and3A_195 : i32 to vector<16xi32>
        %and3A_197 = arith.andi %add3A_194, %and3A_196 : vector<16xi32>
        %swap3A_198 = arith.index_cast %mul3A_189 : i32 to index
        %swap3A_199 = tpu.vector_load %arg7[%swap3A_198] {strides = array<i32>} : memref<416xi32, #tpu.memory_space<vmem>>, vector<16xi32>,
        tpu.vector_store %arg7[%swap3A_198], %and3A_197 {strides = array<i32>} : memref<416xi32, #tpu.memory_space<vmem>>, vector<16xi32>,
        %shift_right_logical3A_200 = arith.constant 2 : i32
        %shift_right_logical3A_201 = vector.broadcast %shift_right_logical3A_200 : i32 to vector<16xi32>
        %shift_right_logical3A_202 = arith.shrui %add3A_194, %shift_right_logical3A_201 : vector<16xi32>
        %swap3A_203 = arith.index_cast %mul3A_189 : i32 to index
        %swap3A_204 = tpu.vector_load %arg9[%swap3A_203] {strides = array<i32>} : memref<416xi32, #tpu.memory_space<vmem>>, vector<16xi32>,
        tpu.vector_store %arg9[%swap3A_203], %shift_right_logical3A_202 {strides = array<i32>} : memref<416xi32, #tpu.memory_space<vmem>>, vector<16xi32>,
        %scan3A_205 = arith.constant 1 : i32
        %scan3A_206 = arith.addi %scan3A_187, %scan3A_205 : i32
        %mul3A_207 = arith.constant 16 : i32
        %mul3A_208 = arith.muli %scan3A_206, %mul3A_207 : i32
        %get3A_209 = arith.index_cast %mul3A_208 : i32 to index
        %get3A_210 = tpu.vector_load %arg9[%get3A_209] {strides = array<i32>} : memref<416xi32, #tpu.memory_space<vmem>>, vector<16xi32>,
        %get3A_211 = arith.index_cast %mul3A_208 : i32 to index
        %get3A_212 = tpu.vector_load %arg6[%get3A_211] {strides = array<i32>} : memref<416xi32, #tpu.memory_space<vmem>>, vector<16xi32>,
        %add3A_213 = arith.addi %get3A_210, %get3A_212 : vector<16xi32>
        %and3A_214 = arith.constant 3 : i32
        %and3A_215 = vector.broadcast %and3A_214 : i32 to vector<16xi32>
        %and3A_216 = arith.andi %add3A_213, %and3A_215 : vector<16xi32>
        %swap3A_217 = arith.index_cast %mul3A_208 : i32 to index
        %swap3A_218 = tpu.vector_load %arg7[%swap3A_217] {strides = array<i32>} : memref<416xi32, #tpu.memory_space<vmem>>, vector<16xi32>,
        tpu.vector_store %arg7[%swap3A_217], %and3A_216 {strides = array<i32>} : memref<416xi32, #tpu.memory_space<vmem>>, vector<16xi32>,
        %shift_right_logical3A_219 = arith.constant 2 : i32
        %shift_right_logical3A_220 = vector.broadcast %shift_right_logical3A_219 : i32 to vector<16xi32>
        %shift_right_logical3A_221 = arith.shrui %add3A_213, %shift_right_logical3A_220 : vector<16xi32>
        %swap3A_222 = arith.index_cast %mul3A_208 : i32 to index
        %swap3A_223 = tpu.vector_load %arg9[%swap3A_222] {strides = array<i32>} : memref<416xi32, #tpu.memory_space<vmem>>, vector<16xi32>,
        tpu.vector_store %arg9[%swap3A_222], %shift_right_logical3A_221 {strides = array<i32>} : memref<416xi32, #tpu.memory_space<vmem>>, vector<16xi32>,
        %scan3A_224 = arith.constant 2 : i32
        %scan3A_225 = arith.addi %scan3A_187, %scan3A_224 : i32
        %mul3A_226 = arith.constant 16 : i32
        %mul3A_227 = arith.muli %scan3A_225, %mul3A_226 : i32
        %get3A_228 = arith.index_cast %mul3A_227 : i32 to index
        %get3A_229 = tpu.vector_load %arg9[%get3A_228] {strides = array<i32>} : memref<416xi32, #tpu.memory_space<vmem>>, vector<16xi32>,
        %get3A_230 = arith.index_cast %mul3A_227 : i32 to index
        %get3A_231 = tpu.vector_load %arg6[%get3A_230] {strides = array<i32>} : memref<416xi32, #tpu.memory_space<vmem>>, vector<16xi32>,
        %add3A_232 = arith.addi %get3A_229, %get3A_231 : vector<16xi32>
        %and3A_233 = arith.constant 3 : i32
        %and3A_234 = vector.broadcast %and3A_233 : i32 to vector<16xi32>
        %and3A_235 = arith.andi %add3A_232, %and3A_234 : vector<16xi32>
        %swap3A_236 = arith.index_cast %mul3A_227 : i32 to index
        %swap3A_237 = tpu.vector_load %arg7[%swap3A_236] {strides = array<i32>} : memref<416xi32, #tpu.memory_space<vmem>>, vector<16xi32>,
        tpu.vector_store %arg7[%swap3A_236], %and3A_235 {strides = array<i32>} : memref<416xi32, #tpu.memory_space<vmem>>, vector<16xi32>,
        %shift_right_logical3A_238 = arith.constant 2 : i32
        %shift_right_logical3A_239 = vector.broadcast %shift_right_logical3A_238 : i32 to vector<16xi32>
        %shift_right_logical3A_240 = arith.shrui %add3A_232, %shift_right_logical3A_239 : vector<16xi32>
        %swap3A_241 = arith.index_cast %mul3A_227 : i32 to index
        %swap3A_242 = tpu.vector_load %arg9[%swap3A_241] {strides = array<i32>} : memref<416xi32, #tpu.memory_space<vmem>>, vector<16xi32>,
        tpu.vector_store %arg9[%swap3A_241], %shift_right_logical3A_240 {strides = array<i32>} : memref<416xi32, #tpu.memory_space<vmem>>, vector<16xi32>,
        %scan3A_243 = arith.constant 3 : i32
        %scan3A_244 = arith.addi %scan3A_187, %scan3A_243 : i32
        %mul3A_245 = arith.constant 16 : i32
        %mul3A_246 = arith.muli %scan3A_244, %mul3A_245 : i32
        %get3A_247 = arith.index_cast %mul3A_246 : i32 to index
        %get3A_248 = tpu.vector_load %arg9[%get3A_247] {strides = array<i32>} : memref<416xi32, #tpu.memory_space<vmem>>, vector<16xi32>,
        %get3A_249 = arith.index_cast %mul3A_246 : i32 to index
        %get3A_250 = tpu.vector_load %arg6[%get3A_249] {strides = array<i32>} : memref<416xi32, #tpu.memory_space<vmem>>, vector<16xi32>,
        %add3A_251 = arith.addi %get3A_248, %get3A_250 : vector<16xi32>
        %and3A_252 = arith.constant 3 : i32
        %and3A_253 = vector.broadcast %and3A_252 : i32 to vector<16xi32>
        %and3A_254 = arith.andi %add3A_251, %and3A_253 : vector<16xi32>
        %swap3A_255 = arith.index_cast %mul3A_246 : i32 to index
        %swap3A_256 = tpu.vector_load %arg7[%swap3A_255] {strides = array<i32>} : memref<416xi32, #tpu.memory_space<vmem>>, vector<16xi32>,
        tpu.vector_store %arg7[%swap3A_255], %and3A_254 {strides = array<i32>} : memref<416xi32, #tpu.memory_space<vmem>>, vector<16xi32>,
        %shift_right_logical3A_257 = arith.constant 2 : i32
        %shift_right_logical3A_258 = vector.broadcast %shift_right_logical3A_257 : i32 to vector<16xi32>
        %shift_right_logical3A_259 = arith.shrui %add3A_251, %shift_right_logical3A_258 : vector<16xi32>
        %swap3A_260 = arith.index_cast %mul3A_246 : i32 to index
        %swap3A_261 = tpu.vector_load %arg9[%swap3A_260] {strides = array<i32>} : memref<416xi32, #tpu.memory_space<vmem>>, vector<16xi32>,
        tpu.vector_store %arg9[%swap3A_260], %shift_right_logical3A_259 {strides = array<i32>} : memref<416xi32, #tpu.memory_space<vmem>>, vector<16xi32>,
        %scan3A_262 = arith.constant 4 : i32
        %scan3A_263 = arith.addi %scan3A_187, %scan3A_262 : i32
        %mul3A_264 = arith.constant 16 : i32
        %mul3A_265 = arith.muli %scan3A_263, %mul3A_264 : i32
        %get3A_266 = arith.index_cast %mul3A_265 : i32 to index
        %get3A_267 = tpu.vector_load %arg9[%get3A_266] {strides = array<i32>} : memref<416xi32, #tpu.memory_space<vmem>>, vector<16xi32>,
        %get3A_268 = arith.index_cast %mul3A_265 : i32 to index
        %get3A_269 = tpu.vector_load %arg6[%get3A_268] {strides = array<i32>} : memref<416xi32, #tpu.memory_space<vmem>>, vector<16xi32>,
        %add3A_270 = arith.addi %get3A_267, %get3A_269 : vector<16xi32>
        %and3A_271 = arith.constant 3 : i32
        %and3A_272 = vector.broadcast %and3A_271 : i32 to vector<16xi32>
        %and3A_273 = arith.andi %add3A_270, %and3A_272 : vector<16xi32>
        %swap3A_274 = arith.index_cast %mul3A_265 : i32 to index
        %swap3A_275 = tpu.vector_load %arg7[%swap3A_274] {strides = array<i32>} : memref<416xi32, #tpu.memory_space<vmem>>, vector<16xi32>,
        tpu.vector_store %arg7[%swap3A_274], %and3A_273 {strides = array<i32>} : memref<416xi32, #tpu.memory_space<vmem>>, vector<16xi32>,
        %shift_right_logical3A_276 = arith.constant 2 : i32
        %shift_right_logical3A_277 = vector.broadcast %shift_right_logical3A_276 : i32 to vector<16xi32>
        %shift_right_logical3A_278 = arith.shrui %add3A_270, %shift_right_logical3A_277 : vector<16xi32>
        %swap3A_279 = arith.index_cast %mul3A_265 : i32 to index
        %swap3A_280 = tpu.vector_load %arg9[%swap3A_279] {strides = array<i32>} : memref<416xi32, #tpu.memory_space<vmem>>, vector<16xi32>,
        tpu.vector_store %arg9[%swap3A_279], %shift_right_logical3A_278 {strides = array<i32>} : memref<416xi32, #tpu.memory_space<vmem>>, vector<16xi32>,
        %scan3A_281 = arith.constant 5 : i32
        %scan3A_282 = arith.addi %scan3A_187, %scan3A_281 : i32
        %mul3A_283 = arith.constant 16 : i32
        %mul3A_284 = arith.muli %scan3A_282, %mul3A_283 : i32
        %get3A_285 = arith.index_cast %mul3A_284 : i32 to index
        %get3A_286 = tpu.vector_load %arg9[%get3A_285] {strides = array<i32>} : memref<416xi32, #tpu.memory_space<vmem>>, vector<16xi32>,
        %get3A_287 = arith.index_cast %mul3A_284 : i32 to index
        %get3A_288 = tpu.vector_load %arg6[%get3A_287] {strides = array<i32>} : memref<416xi32, #tpu.memory_space<vmem>>, vector<16xi32>,
        %add3A_289 = arith.addi %get3A_286, %get3A_288 : vector<16xi32>
        %and3A_290 = arith.constant 3 : i32
        %and3A_291 = vector.broadcast %and3A_290 : i32 to vector<16xi32>
        %and3A_292 = arith.andi %add3A_289, %and3A_291 : vector<16xi32>
        %swap3A_293 = arith.index_cast %mul3A_284 : i32 to index
        %swap3A_294 = tpu.vector_load %arg7[%swap3A_293] {strides = array<i32>} : memref<416xi32, #tpu.memory_space<vmem>>, vector<16xi32>,
        tpu.vector_store %arg7[%swap3A_293], %and3A_292 {strides = array<i32>} : memref<416xi32, #tpu.memory_space<vmem>>, vector<16xi32>,
        %shift_right_logical3A_295 = arith.constant 2 : i32
        %shift_right_logical3A_296 = vector.broadcast %shift_right_logical3A_295 : i32 to vector<16xi32>
        %shift_right_logical3A_297 = arith.shrui %add3A_289, %shift_right_logical3A_296 : vector<16xi32>
        %swap3A_298 = arith.index_cast %mul3A_284 : i32 to index
        %swap3A_299 = tpu.vector_load %arg9[%swap3A_298] {strides = array<i32>} : memref<416xi32, #tpu.memory_space<vmem>>, vector<16xi32>,
        tpu.vector_store %arg9[%swap3A_298], %shift_right_logical3A_297 {strides = array<i32>} : memref<416xi32, #tpu.memory_space<vmem>>, vector<16xi32>,
        %scan3A_300 = arith.constant 6 : i32
        %scan3A_301 = arith.addi %scan3A_187, %scan3A_300 : i32
        %mul3A_302 = arith.constant 16 : i32
        %mul3A_303 = arith.muli %scan3A_301, %mul3A_302 : i32
        %get3A_304 = arith.index_cast %mul3A_303 : i32 to index
        %get3A_305 = tpu.vector_load %arg9[%get3A_304] {strides = array<i32>} : memref<416xi32, #tpu.memory_space<vmem>>, vector<16xi32>,
        %get3A_306 = arith.index_cast %mul3A_303 : i32 to index
        %get3A_307 = tpu.vector_load %arg6[%get3A_306] {strides = array<i32>} : memref<416xi32, #tpu.memory_space<vmem>>, vector<16xi32>,
        %add3A_308 = arith.addi %get3A_305, %get3A_307 : vector<16xi32>
        %and3A_309 = arith.constant 3 : i32
        %and3A_310 = vector.broadcast %and3A_309 : i32 to vector<16xi32>
        %and3A_311 = arith.andi %add3A_308, %and3A_310 : vector<16xi32>
        %swap3A_312 = arith.index_cast %mul3A_303 : i32 to index
        %swap3A_313 = tpu.vector_load %arg7[%swap3A_312] {strides = array<i32>} : memref<416xi32, #tpu.memory_space<vmem>>, vector<16xi32>,
        tpu.vector_store %arg7[%swap3A_312], %and3A_311 {strides = array<i32>} : memref<416xi32, #tpu.memory_space<vmem>>, vector<16xi32>,
        %shift_right_logical3A_314 = arith.constant 2 : i32
        %shift_right_logical3A_315 = vector.broadcast %shift_right_logical3A_314 : i32 to vector<16xi32>
        %shift_right_logical3A_316 = arith.shrui %add3A_308, %shift_right_logical3A_315 : vector<16xi32>
        %swap3A_317 = arith.index_cast %mul3A_303 : i32 to index
        %swap3A_318 = tpu.vector_load %arg9[%swap3A_317] {strides = array<i32>} : memref<416xi32, #tpu.memory_space<vmem>>, vector<16xi32>,
        tpu.vector_store %arg9[%swap3A_317], %shift_right_logical3A_316 {strides = array<i32>} : memref<416xi32, #tpu.memory_space<vmem>>, vector<16xi32>,
        %scan3A_319 = arith.constant 7 : i32
        %scan3A_320 = arith.addi %scan3A_187, %scan3A_319 : i32
        %mul3A_321 = arith.constant 16 : i32
        %mul3A_322 = arith.muli %scan3A_320, %mul3A_321 : i32
        %get3A_323 = arith.index_cast %mul3A_322 : i32 to index
        %get3A_324 = tpu.vector_load %arg9[%get3A_323] {strides = array<i32>} : memref<416xi32, #tpu.memory_space<vmem>>, vector<16xi32>,
        %get3A_325 = arith.index_cast %mul3A_322 : i32 to index
        %get3A_326 = tpu.vector_load %arg6[%get3A_325] {strides = array<i32>} : memref<416xi32, #tpu.memory_space<vmem>>, vector<16xi32>,
        %add3A_327 = arith.addi %get3A_324, %get3A_326 : vector<16xi32>
        %and3A_328 = arith.constant 3 : i32
        %and3A_329 = vector.broadcast %and3A_328 : i32 to vector<16xi32>
        %and3A_330 = arith.andi %add3A_327, %and3A_329 : vector<16xi32>
        %swap3A_331 = arith.index_cast %mul3A_322 : i32 to index
        %swap3A_332 = tpu.vector_load %arg7[%swap3A_331] {strides = array<i32>} : memref<416xi32, #tpu.memory_space<vmem>>, vector<16xi32>,
        tpu.vector_store %arg7[%swap3A_331], %and3A_330 {strides = array<i32>} : memref<416xi32, #tpu.memory_space<vmem>>, vector<16xi32>,
        %shift_right_logical3A_333 = arith.constant 2 : i32
        %shift_right_logical3A_334 = vector.broadcast %shift_right_logical3A_333 : i32 to vector<16xi32>
        %shift_right_logical3A_335 = arith.shrui %add3A_327, %shift_right_logical3A_334 : vector<16xi32>
        %swap3A_336 = arith.index_cast %mul3A_322 : i32 to index
        %swap3A_337 = tpu.vector_load %arg9[%swap3A_336] {strides = array<i32>} : memref<416xi32, #tpu.memory_space<vmem>>, vector<16xi32>,
        tpu.vector_store %arg9[%swap3A_336], %shift_right_logical3A_335 {strides = array<i32>} : memref<416xi32, #tpu.memory_space<vmem>>, vector<16xi32>,
      }
      %scan3A_78 = arith.constant 24 : i32
      %scan3A_79 = arith.addi %scan3A_74, %scan3A_78 : i32
      %mul3A_80 = arith.constant 16 : i32
      %mul3A_81 = arith.muli %scan3A_79, %mul3A_80 : i32
      %get3A = arith.index_cast %mul3A_81 : i32 to index
      %get3A_82 = tpu.vector_load %arg9[%get3A] {strides = array<i32>} : memref<416xi32, #tpu.memory_space<vmem>>, vector<16xi32>,
      %get3A_83 = arith.index_cast %mul3A_81 : i32 to index
      %get3A_84 = tpu.vector_load %arg6[%get3A_83] {strides = array<i32>} : memref<416xi32, #tpu.memory_space<vmem>>, vector<16xi32>,
      %add3A_85 = arith.addi %get3A_82, %get3A_84 : vector<16xi32>
      %and3A = arith.constant 3 : i32
      %and3A_86 = vector.broadcast %and3A : i32 to vector<16xi32>
      %and3A_87 = arith.andi %add3A_85, %and3A_86 : vector<16xi32>
      %swap3A = arith.index_cast %mul3A_81 : i32 to index
      %swap3A_88 = tpu.vector_load %arg7[%swap3A] {strides = array<i32>} : memref<416xi32, #tpu.memory_space<vmem>>, vector<16xi32>,
      tpu.vector_store %arg7[%swap3A], %and3A_87 {strides = array<i32>} : memref<416xi32, #tpu.memory_space<vmem>>, vector<16xi32>,
      %shift_right_logical3A = arith.constant 2 : i32
      %shift_right_logical3A_89 = vector.broadcast %shift_right_logical3A : i32 to vector<16xi32>
      %shift_right_logical3A_90 = arith.shrui %add3A_85, %shift_right_logical3A_89 : vector<16xi32>
      %swap3A_91 = arith.index_cast %mul3A_81 : i32 to index
      %swap3A_92 = tpu.vector_load %arg9[%swap3A_91] {strides = array<i32>} : memref<416xi32, #tpu.memory_space<vmem>>, vector<16xi32>,
      tpu.vector_store %arg9[%swap3A_91], %shift_right_logical3A_90 {strides = array<i32>} : memref<416xi32, #tpu.memory_space<vmem>>, vector<16xi32>,
      %scan3A_93 = arith.constant 25 : i32
      %scan3A_94 = arith.addi %scan3A_74, %scan3A_93 : i32
      %mul3A_95 = arith.constant 16 : i32
      %mul3A_96 = arith.muli %scan3A_94, %mul3A_95 : i32
      %get3A_97 = arith.index_cast %mul3A_96 : i32 to index
      %get3A_98 = tpu.vector_load %arg9[%get3A_97] {strides = array<i32>} : memref<416xi32, #tpu.memory_space<vmem>>, vector<16xi32>,
      %get3A_99 = arith.index_cast %mul3A_96 : i32 to index
      %get3A_100 = tpu.vector_load %arg6[%get3A_99] {strides = array<i32>} : memref<416xi32, #tpu.memory_space<vmem>>, vector<16xi32>,
      %add3A_101 = arith.addi %get3A_98, %get3A_100 : vector<16xi32>
      %and3A_102 = arith.constant 3 : i32
      %and3A_103 = vector.broadcast %and3A_102 : i32 to vector<16xi32>
      %and3A_104 = arith.andi %add3A_101, %and3A_103 : vector<16xi32>
      %swap3A_105 = arith.index_cast %mul3A_96 : i32 to index
      %swap3A_106 = tpu.vector_load %arg7[%swap3A_105] {strides = array<i32>} : memref<416xi32, #tpu.memory_space<vmem>>, vector<16xi32>,
      tpu.vector_store %arg7[%swap3A_105], %and3A_104 {strides = array<i32>} : memref<416xi32, #tpu.memory_space<vmem>>, vector<16xi32>,
      %shift_right_logical3A_107 = arith.constant 2 : i32
      %shift_right_logical3A_108 = vector.broadcast %shift_right_logical3A_107 : i32 to vector<16xi32>
      %shift_right_logical3A_109 = arith.shrui %add3A_101, %shift_right_logical3A_108 : vector<16xi32>
      %swap3A_110 = arith.index_cast %mul3A_96 : i32 to index
      %swap3A_111 = tpu.vector_load %arg9[%swap3A_110] {strides = array<i32>} : memref<416xi32, #tpu.memory_space<vmem>>, vector<16xi32>,
      tpu.vector_store %arg9[%swap3A_110], %shift_right_logical3A_109 {strides = array<i32>} : memref<416xi32, #tpu.memory_space<vmem>>, vector<16xi32>,
      %scan3A_112 = arith.constant 26 : i32
      %dma_start3A_113 = arith.constant 0 : i32
      %dma_start3A_114 = arith.constant 0 : i32
      %dma_start3A_115 = tpu.memref_slice %arg4[%dma_start3A_113, %dma_start3A_114] : memref<650007x128xf32, #tpu.memory_space<hbm>> -> memref<650007x128xf32, #tpu.memory_space<hbm>>
      tpu.enqueue_indirect_dma source(%dma_start3A_115 : memref<650007x128xf32, #tpu.memory_space<hbm>>) target(%arg11 : memref<416x128xf32, #tpu.memory_space<vmem>>) offsets(%arg9 : memref<416xi32, #tpu.memory_space<vmem>>) semaphore(%arg15 : memref<!tpu.dma_semaphore, #tpu.memory_space<semaphore_mem>>)
      %ge3A_116 = arith.constant 1 : i32
      %ge3A_117 = arith.cmpi sge, %add3A_65, %ge3A_116 : i32
      %convert_element_type3A_118 = arith.extui %ge3A_117 : i1 to i32
      %cond3A_119 = arith.constant 0 : i32
      %cond3A_120 = arith.cmpi ne, %convert_element_type3A_118, %cond3A_119 : i32
      scf.if %cond3A_120 {
        %dma_wait3A_187 = arith.constant 0 : i32
        %dma_wait3A_188 = arith.constant 0 : i32
        %dma_wait3A_189 = tpu.memref_slice %arg4[%dma_wait3A_187, %dma_wait3A_188] : memref<650007x128xf32, #tpu.memory_space<hbm>> -> memref<650007x128xf32, #tpu.memory_space<hbm>>
        tpu.wait_indirect_dma semaphore(%arg16 : memref<!tpu.dma_semaphore, #tpu.memory_space<semaphore_mem>>) src(%dma_wait3A_189 : memref<650007x128xf32, #tpu.memory_space<hbm>>) dst(%arg12 : memref<416x128xf32, #tpu.memory_space<vmem>>)
        %add3A_190 = arith.constant 1 : i32
        %add3A_191 = arith.addi %add3A_65, %add3A_190 : i32
        %lt3A = arith.constant 160 : i32
        %lt3A_192 = arith.cmpi slt, %add3A_191, %lt3A : i32
        %convert_element_type3A_193 = arith.extui %lt3A_192 : i1 to i32
        %cond3A_194 = arith.constant 0 : i32
        %cond3A_195 = arith.cmpi ne, %convert_element_type3A_193, %cond3A_194 : i32
        scf.if %cond3A_195 {
          %add3A_217 = arith.constant 1 : i32
          %add3A_218 = arith.addi %add3A_65, %add3A_217 : i32
          %mul3A_219 = arith.constant 416 : i32
          %mul3A_220 = arith.muli %add3A_218, %mul3A_219 : i32
          %add3A_221 = arith.addi %mul3A_2, %mul3A_220 : i32
          %dma_start3A_222 = tpu.memref_slice %arg2[%add3A_221] : memref<2129920xi32, #tpu.memory_space<hbm>> -> memref<416xi32, #tpu.memory_space<hbm>>
          %dma_start3A_223 = tpu.memref_slice %arg2[%add3A_221] : memref<2129920xi32, #tpu.memory_space<hbm>> -> memref<416xi32, #tpu.memory_space<hbm>>
          tpu.enqueue_dma source(%dma_start3A_223 : memref<416xi32, #tpu.memory_space<hbm>>) target(%arg10 : memref<416xi32, #tpu.memory_space<vmem>>) target_semaphore(%arg14 : memref<!tpu.dma_semaphore, #tpu.memory_space<semaphore_mem>>)
        } else {
        }
        %iota3A_196 = tpu.iota {dimensions = array<i32: 0>} : vector<16xi32>
        %scan3A_197 = arith.constant 0 : i32
        %scan3A_198 = arith.constant 0 : i32
        %scan3A_199 = arith.constant 26 : i32
        %scan3A_200 = arith.addi %scan3A_198, %scan3A_199 : i32
        %scan3A_201 = arith.constant 1 : i32
        scf.for %scan3A_217 = %scan3A_198 to %scan3A_200 step %scan3A_201  : i32 {
          %mul3A_218 = arith.constant 16 : i32
          %mul3A_219 = arith.muli %scan3A_217, %mul3A_218 : i32
          %get3A_220 = arith.index_cast %mul3A_219 : i32 to index
          %get3A_221 = tpu.vector_load %arg8[%get3A_220] {strides = array<i32>} : memref<416xi32, #tpu.memory_space<vmem>>, vector<16xi32>,
          %add3A_222 = vector.broadcast %mul3A_219 : i32 to vector<16xi32>
          %add3A_223 = arith.addi %add3A_222, %iota3A_196 : vector<16xi32>
          %mul3A_224 = arith.constant 32 : i32
          %mul3A_225 = vector.broadcast %mul3A_224 : i32 to vector<16xi32>
          %mul3A_226 = arith.muli %get3A_221, %mul3A_225 : vector<16xi32>
          %add3A_227 = vector.broadcast %mul3A_219 : i32 to vector<16xi32>
          %add3A_228 = arith.addi %add3A_227, %iota3A_196 : vector<16xi32>
          %mul3A_229 = arith.constant 32 : i32
          %mul3A_230 = vector.broadcast %mul3A_229 : i32 to vector<16xi32>
          %mul3A_231 = arith.muli %add3A_228, %mul3A_230 : vector<16xi32>
          %scan3A_232 = arith.constant 0 : i32
          %scan3A_233 = arith.constant 0 : i32
          %add3A_234 = vector.broadcast %scan3A_233 : i32 to vector<16xi32>
          %add3A_235 = arith.addi %mul3A_226, %add3A_234 : vector<16xi32>
          %gather3A = tpu.vector_load_idx %arg12[%add3A_223, %add3A_235] : memref<416x128xf32, #tpu.memory_space<vmem>>[vector<16xi32>, vector<16xi32>], vector<16xf32>,
          %add3A_236 = vector.broadcast %scan3A_233 : i32 to vector<16xi32>
          %add3A_237 = arith.addi %mul3A_231, %add3A_236 : vector<16xi32>
          %shift_right_logical3A_238 = arith.constant 7 : i32
          %shift_right_logical3A_239 = vector.broadcast %shift_right_logical3A_238 : i32 to vector<16xi32>
          %shift_right_logical3A_240 = arith.shrui %add3A_237, %shift_right_logical3A_239 : vector<16xi32>
          %and3A_241 = arith.constant 127 : i32
          %and3A_242 = vector.broadcast %and3A_241 : i32 to vector<16xi32>
          %and3A_243 = arith.andi %add3A_237, %and3A_242 : vector<16xi32>
          tpu.vector_store_idx %arg12[%shift_right_logical3A_240, %and3A_243], %gather3A : memref<416x128xf32, #tpu.memory_space<vmem>>[vector<16xi32>, vector<16xi32>], vector<16xf32>,
          %scan3A_244 = arith.constant 1 : i32
          %add3A_245 = vector.broadcast %scan3A_244 : i32 to vector<16xi32>
          %add3A_246 = arith.addi %mul3A_226, %add3A_245 : vector<16xi32>
          %gather3A_247 = tpu.vector_load_idx %arg12[%add3A_223, %add3A_246] : memref<416x128xf32, #tpu.memory_space<vmem>>[vector<16xi32>, vector<16xi32>], vector<16xf32>,
          %add3A_248 = vector.broadcast %scan3A_244 : i32 to vector<16xi32>
          %add3A_249 = arith.addi %mul3A_231, %add3A_248 : vector<16xi32>
          %shift_right_logical3A_250 = arith.constant 7 : i32
          %shift_right_logical3A_251 = vector.broadcast %shift_right_logical3A_250 : i32 to vector<16xi32>
          %shift_right_logical3A_252 = arith.shrui %add3A_249, %shift_right_logical3A_251 : vector<16xi32>
          %and3A_253 = arith.constant 127 : i32
          %and3A_254 = vector.broadcast %and3A_253 : i32 to vector<16xi32>
          %and3A_255 = arith.andi %add3A_249, %and3A_254 : vector<16xi32>
          tpu.vector_store_idx %arg12[%shift_right_logical3A_252, %and3A_255], %gather3A_247 : memref<416x128xf32, #tpu.memory_space<vmem>>[vector<16xi32>, vector<16xi32>], vector<16xf32>,
          %scan3A_256 = arith.constant 2 : i32
          %add3A_257 = vector.broadcast %scan3A_256 : i32 to vector<16xi32>
          %add3A_258 = arith.addi %mul3A_226, %add3A_257 : vector<16xi32>
          %gather3A_259 = tpu.vector_load_idx %arg12[%add3A_223, %add3A_258] : memref<416x128xf32, #tpu.memory_space<vmem>>[vector<16xi32>, vector<16xi32>], vector<16xf32>,
          %add3A_260 = vector.broadcast %scan3A_256 : i32 to vector<16xi32>
          %add3A_261 = arith.addi %mul3A_231, %add3A_260 : vector<16xi32>
          %shift_right_logical3A_262 = arith.constant 7 : i32
          %shift_right_logical3A_263 = vector.broadcast %shift_right_logical3A_262 : i32 to vector<16xi32>
          %shift_right_logical3A_264 = arith.shrui %add3A_261, %shift_right_logical3A_263 : vector<16xi32>
          %and3A_265 = arith.constant 127 : i32
          %and3A_266 = vector.broadcast %and3A_265 : i32 to vector<16xi32>
          %and3A_267 = arith.andi %add3A_261, %and3A_266 : vector<16xi32>
          tpu.vector_store_idx %arg12[%shift_right_logical3A_264, %and3A_267], %gather3A_259 : memref<416x128xf32, #tpu.memory_space<vmem>>[vector<16xi32>, vector<16xi32>], vector<16xf32>,
          %scan3A_268 = arith.constant 3 : i32
          %add3A_269 = vector.broadcast %scan3A_268 : i32 to vector<16xi32>
          %add3A_270 = arith.addi %mul3A_226, %add3A_269 : vector<16xi32>
          %gather3A_271 = tpu.vector_load_idx %arg12[%add3A_223, %add3A_270] : memref<416x128xf32, #tpu.memory_space<vmem>>[vector<16xi32>, vector<16xi32>], vector<16xf32>,
          %add3A_272 = vector.broadcast %scan3A_268 : i32 to vector<16xi32>
          %add3A_273 = arith.addi %mul3A_231, %add3A_272 : vector<16xi32>
          %shift_right_logical3A_274 = arith.constant 7 : i32
          %shift_right_logical3A_275 = vector.broadcast %shift_right_logical3A_274 : i32 to vector<16xi32>
          %shift_right_logical3A_276 = arith.shrui %add3A_273, %shift_right_logical3A_275 : vector<16xi32>
          %and3A_277 = arith.constant 127 : i32
          %and3A_278 = vector.broadcast %and3A_277 : i32 to vector<16xi32>
          %and3A_279 = arith.andi %add3A_273, %and3A_278 : vector<16xi32>
          tpu.vector_store_idx %arg12[%shift_right_logical3A_276, %and3A_279], %gather3A_271 : memref<416x128xf32, #tpu.memory_space<vmem>>[vector<16xi32>, vector<16xi32>], vector<16xf32>,
          %scan3A_280 = arith.constant 4 : i32
          %add3A_281 = vector.broadcast %scan3A_280 : i32 to vector<16xi32>
          %add3A_282 = arith.addi %mul3A_226, %add3A_281 : vector<16xi32>
          %gather3A_283 = tpu.vector_load_idx %arg12[%add3A_223, %add3A_282] : memref<416x128xf32, #tpu.memory_space<vmem>>[vector<16xi32>, vector<16xi32>], vector<16xf32>,
          %add3A_284 = vector.broadcast %scan3A_280 : i32 to vector<16xi32>
          %add3A_285 = arith.addi %mul3A_231, %add3A_284 : vector<16xi32>
          %shift_right_logical3A_286 = arith.constant 7 : i32
          %shift_right_logical3A_287 = vector.broadcast %shift_right_logical3A_286 : i32 to vector<16xi32>
          %shift_right_logical3A_288 = arith.shrui %add3A_285, %shift_right_logical3A_287 : vector<16xi32>
          %and3A_289 = arith.constant 127 : i32
          %and3A_290 = vector.broadcast %and3A_289 : i32 to vector<16xi32>
          %and3A_291 = arith.andi %add3A_285, %and3A_290 : vector<16xi32>
          tpu.vector_store_idx %arg12[%shift_right_logical3A_288, %and3A_291], %gather3A_283 : memref<416x128xf32, #tpu.memory_space<vmem>>[vector<16xi32>, vector<16xi32>], vector<16xf32>,
          %scan3A_292 = arith.constant 5 : i32
          %add3A_293 = vector.broadcast %scan3A_292 : i32 to vector<16xi32>
          %add3A_294 = arith.addi %mul3A_226, %add3A_293 : vector<16xi32>
          %gather3A_295 = tpu.vector_load_idx %arg12[%add3A_223, %add3A_294] : memref<416x128xf32, #tpu.memory_space<vmem>>[vector<16xi32>, vector<16xi32>], vector<16xf32>,
          %add3A_296 = vector.broadcast %scan3A_292 : i32 to vector<16xi32>
          %add3A_297 = arith.addi %mul3A_231, %add3A_296 : vector<16xi32>
          %shift_right_logical3A_298 = arith.constant 7 : i32
          %shift_right_logical3A_299 = vector.broadcast %shift_right_logical3A_298 : i32 to vector<16xi32>
          %shift_right_logical3A_300 = arith.shrui %add3A_297, %shift_right_logical3A_299 : vector<16xi32>
          %and3A_301 = arith.constant 127 : i32
          %and3A_302 = vector.broadcast %and3A_301 : i32 to vector<16xi32>
          %and3A_303 = arith.andi %add3A_297, %and3A_302 : vector<16xi32>
          tpu.vector_store_idx %arg12[%shift_right_logical3A_300, %and3A_303], %gather3A_295 : memref<416x128xf32, #tpu.memory_space<vmem>>[vector<16xi32>, vector<16xi32>], vector<16xf32>,
          %scan3A_304 = arith.constant 6 : i32
          %add3A_305 = vector.broadcast %scan3A_304 : i32 to vector<16xi32>
          %add3A_306 = arith.addi %mul3A_226, %add3A_305 : vector<16xi32>
          %gather3A_307 = tpu.vector_load_idx %arg12[%add3A_223, %add3A_306] : memref<416x128xf32, #tpu.memory_space<vmem>>[vector<16xi32>, vector<16xi32>], vector<16xf32>,
          %add3A_308 = vector.broadcast %scan3A_304 : i32 to vector<16xi32>
          %add3A_309 = arith.addi %mul3A_231, %add3A_308 : vector<16xi32>
          %shift_right_logical3A_310 = arith.constant 7 : i32
          %shift_right_logical3A_311 = vector.broadcast %shift_right_logical3A_310 : i32 to vector<16xi32>
          %shift_right_logical3A_312 = arith.shrui %add3A_309, %shift_right_logical3A_311 : vector<16xi32>
          %and3A_313 = arith.constant 127 : i32
          %and3A_314 = vector.broadcast %and3A_313 : i32 to vector<16xi32>
          %and3A_315 = arith.andi %add3A_309, %and3A_314 : vector<16xi32>
          tpu.vector_store_idx %arg12[%shift_right_logical3A_312, %and3A_315], %gather3A_307 : memref<416x128xf32, #tpu.memory_space<vmem>>[vector<16xi32>, vector<16xi32>], vector<16xf32>,
          %scan3A_316 = arith.constant 7 : i32
          %add3A_317 = vector.broadcast %scan3A_316 : i32 to vector<16xi32>
          %add3A_318 = arith.addi %mul3A_226, %add3A_317 : vector<16xi32>
          %gather3A_319 = tpu.vector_load_idx %arg12[%add3A_223, %add3A_318] : memref<416x128xf32, #tpu.memory_space<vmem>>[vector<16xi32>, vector<16xi32>], vector<16xf32>,
          %add3A_320 = vector.broadcast %scan3A_316 : i32 to vector<16xi32>
          %add3A_321 = arith.addi %mul3A_231, %add3A_320 : vector<16xi32>
          %shift_right_logical3A_322 = arith.constant 7 : i32
          %shift_right_logical3A_323 = vector.broadcast %shift_right_logical3A_322 : i32 to vector<16xi32>
          %shift_right_logical3A_324 = arith.shrui %add3A_321, %shift_right_logical3A_323 : vector<16xi32>
          %and3A_325 = arith.constant 127 : i32
          %and3A_326 = vector.broadcast %and3A_325 : i32 to vector<16xi32>
          %and3A_327 = arith.andi %add3A_321, %and3A_326 : vector<16xi32>
          tpu.vector_store_idx %arg12[%shift_right_logical3A_324, %and3A_327], %gather3A_319 : memref<416x128xf32, #tpu.memory_space<vmem>>[vector<16xi32>, vector<16xi32>], vector<16xf32>,
          %scan3A_328 = arith.constant 8 : i32
          %add3A_329 = vector.broadcast %scan3A_328 : i32 to vector<16xi32>
          %add3A_330 = arith.addi %mul3A_226, %add3A_329 : vector<16xi32>
          %gather3A_331 = tpu.vector_load_idx %arg12[%add3A_223, %add3A_330] : memref<416x128xf32, #tpu.memory_space<vmem>>[vector<16xi32>, vector<16xi32>], vector<16xf32>,
          %add3A_332 = vector.broadcast %scan3A_328 : i32 to vector<16xi32>
          %add3A_333 = arith.addi %mul3A_231, %add3A_332 : vector<16xi32>
          %shift_right_logical3A_334 = arith.constant 7 : i32
          %shift_right_logical3A_335 = vector.broadcast %shift_right_logical3A_334 : i32 to vector<16xi32>
          %shift_right_logical3A_336 = arith.shrui %add3A_333, %shift_right_logical3A_335 : vector<16xi32>
          %and3A_337 = arith.constant 127 : i32
          %and3A_338 = vector.broadcast %and3A_337 : i32 to vector<16xi32>
          %and3A_339 = arith.andi %add3A_333, %and3A_338 : vector<16xi32>
          tpu.vector_store_idx %arg12[%shift_right_logical3A_336, %and3A_339], %gather3A_331 : memref<416x128xf32, #tpu.memory_space<vmem>>[vector<16xi32>, vector<16xi32>], vector<16xf32>,
          %scan3A_340 = arith.constant 9 : i32
          %add3A_341 = vector.broadcast %scan3A_340 : i32 to vector<16xi32>
          %add3A_342 = arith.addi %mul3A_226, %add3A_341 : vector<16xi32>
          %gather3A_343 = tpu.vector_load_idx %arg12[%add3A_223, %add3A_342] : memref<416x128xf32, #tpu.memory_space<vmem>>[vector<16xi32>, vector<16xi32>], vector<16xf32>,
          %add3A_344 = vector.broadcast %scan3A_340 : i32 to vector<16xi32>
          %add3A_345 = arith.addi %mul3A_231, %add3A_344 : vector<16xi32>
          %shift_right_logical3A_346 = arith.constant 7 : i32
          %shift_right_logical3A_347 = vector.broadcast %shift_right_logical3A_346 : i32 to vector<16xi32>
          %shift_right_logical3A_348 = arith.shrui %add3A_345, %shift_right_logical3A_347 : vector<16xi32>
          %and3A_349 = arith.constant 127 : i32
          %and3A_350 = vector.broadcast %and3A_349 : i32 to vector<16xi32>
          %and3A_351 = arith.andi %add3A_345, %and3A_350 : vector<16xi32>
          tpu.vector_store_idx %arg12[%shift_right_logical3A_348, %and3A_351], %gather3A_343 : memref<416x128xf32, #tpu.memory_space<vmem>>[vector<16xi32>, vector<16xi32>], vector<16xf32>,
          %scan3A_352 = arith.constant 10 : i32
          %add3A_353 = vector.broadcast %scan3A_352 : i32 to vector<16xi32>
          %add3A_354 = arith.addi %mul3A_226, %add3A_353 : vector<16xi32>
          %gather3A_355 = tpu.vector_load_idx %arg12[%add3A_223, %add3A_354] : memref<416x128xf32, #tpu.memory_space<vmem>>[vector<16xi32>, vector<16xi32>], vector<16xf32>,
          %add3A_356 = vector.broadcast %scan3A_352 : i32 to vector<16xi32>
          %add3A_357 = arith.addi %mul3A_231, %add3A_356 : vector<16xi32>
          %shift_right_logical3A_358 = arith.constant 7 : i32
          %shift_right_logical3A_359 = vector.broadcast %shift_right_logical3A_358 : i32 to vector<16xi32>
          %shift_right_logical3A_360 = arith.shrui %add3A_357, %shift_right_logical3A_359 : vector<16xi32>
          %and3A_361 = arith.constant 127 : i32
          %and3A_362 = vector.broadcast %and3A_361 : i32 to vector<16xi32>
          %and3A_363 = arith.andi %add3A_357, %and3A_362 : vector<16xi32>
          tpu.vector_store_idx %arg12[%shift_right_logical3A_360, %and3A_363], %gather3A_355 : memref<416x128xf32, #tpu.memory_space<vmem>>[vector<16xi32>, vector<16xi32>], vector<16xf32>,
          %scan3A_364 = arith.constant 11 : i32
          %add3A_365 = vector.broadcast %scan3A_364 : i32 to vector<16xi32>
          %add3A_366 = arith.addi %mul3A_226, %add3A_365 : vector<16xi32>
          %gather3A_367 = tpu.vector_load_idx %arg12[%add3A_223, %add3A_366] : memref<416x128xf32, #tpu.memory_space<vmem>>[vector<16xi32>, vector<16xi32>], vector<16xf32>,
          %add3A_368 = vector.broadcast %scan3A_364 : i32 to vector<16xi32>
          %add3A_369 = arith.addi %mul3A_231, %add3A_368 : vector<16xi32>
          %shift_right_logical3A_370 = arith.constant 7 : i32
          %shift_right_logical3A_371 = vector.broadcast %shift_right_logical3A_370 : i32 to vector<16xi32>
          %shift_right_logical3A_372 = arith.shrui %add3A_369, %shift_right_logical3A_371 : vector<16xi32>
          %and3A_373 = arith.constant 127 : i32
          %and3A_374 = vector.broadcast %and3A_373 : i32 to vector<16xi32>
          %and3A_375 = arith.andi %add3A_369, %and3A_374 : vector<16xi32>
          tpu.vector_store_idx %arg12[%shift_right_logical3A_372, %and3A_375], %gather3A_367 : memref<416x128xf32, #tpu.memory_space<vmem>>[vector<16xi32>, vector<16xi32>], vector<16xf32>,
          %scan3A_376 = arith.constant 12 : i32
          %add3A_377 = vector.broadcast %scan3A_376 : i32 to vector<16xi32>
          %add3A_378 = arith.addi %mul3A_226, %add3A_377 : vector<16xi32>
          %gather3A_379 = tpu.vector_load_idx %arg12[%add3A_223, %add3A_378] : memref<416x128xf32, #tpu.memory_space<vmem>>[vector<16xi32>, vector<16xi32>], vector<16xf32>,
          %add3A_380 = vector.broadcast %scan3A_376 : i32 to vector<16xi32>
          %add3A_381 = arith.addi %mul3A_231, %add3A_380 : vector<16xi32>
          %shift_right_logical3A_382 = arith.constant 7 : i32
          %shift_right_logical3A_383 = vector.broadcast %shift_right_logical3A_382 : i32 to vector<16xi32>
          %shift_right_logical3A_384 = arith.shrui %add3A_381, %shift_right_logical3A_383 : vector<16xi32>
          %and3A_385 = arith.constant 127 : i32
          %and3A_386 = vector.broadcast %and3A_385 : i32 to vector<16xi32>
          %and3A_387 = arith.andi %add3A_381, %and3A_386 : vector<16xi32>
          tpu.vector_store_idx %arg12[%shift_right_logical3A_384, %and3A_387], %gather3A_379 : memref<416x128xf32, #tpu.memory_space<vmem>>[vector<16xi32>, vector<16xi32>], vector<16xf32>,
          %scan3A_388 = arith.constant 13 : i32
          %add3A_389 = vector.broadcast %scan3A_388 : i32 to vector<16xi32>
          %add3A_390 = arith.addi %mul3A_226, %add3A_389 : vector<16xi32>
          %gather3A_391 = tpu.vector_load_idx %arg12[%add3A_223, %add3A_390] : memref<416x128xf32, #tpu.memory_space<vmem>>[vector<16xi32>, vector<16xi32>], vector<16xf32>,
          %add3A_392 = vector.broadcast %scan3A_388 : i32 to vector<16xi32>
          %add3A_393 = arith.addi %mul3A_231, %add3A_392 : vector<16xi32>
          %shift_right_logical3A_394 = arith.constant 7 : i32
          %shift_right_logical3A_395 = vector.broadcast %shift_right_logical3A_394 : i32 to vector<16xi32>
          %shift_right_logical3A_396 = arith.shrui %add3A_393, %shift_right_logical3A_395 : vector<16xi32>
          %and3A_397 = arith.constant 127 : i32
          %and3A_398 = vector.broadcast %and3A_397 : i32 to vector<16xi32>
          %and3A_399 = arith.andi %add3A_393, %and3A_398 : vector<16xi32>
          tpu.vector_store_idx %arg12[%shift_right_logical3A_396, %and3A_399], %gather3A_391 : memref<416x128xf32, #tpu.memory_space<vmem>>[vector<16xi32>, vector<16xi32>], vector<16xf32>,
          %scan3A_400 = arith.constant 14 : i32
          %add3A_401 = vector.broadcast %scan3A_400 : i32 to vector<16xi32>
          %add3A_402 = arith.addi %mul3A_226, %add3A_401 : vector<16xi32>
          %gather3A_403 = tpu.vector_load_idx %arg12[%add3A_223, %add3A_402] : memref<416x128xf32, #tpu.memory_space<vmem>>[vector<16xi32>, vector<16xi32>], vector<16xf32>,
          %add3A_404 = vector.broadcast %scan3A_400 : i32 to vector<16xi32>
          %add3A_405 = arith.addi %mul3A_231, %add3A_404 : vector<16xi32>
          %shift_right_logical3A_406 = arith.constant 7 : i32
          %shift_right_logical3A_407 = vector.broadcast %shift_right_logical3A_406 : i32 to vector<16xi32>
          %shift_right_logical3A_408 = arith.shrui %add3A_405, %shift_right_logical3A_407 : vector<16xi32>
          %and3A_409 = arith.constant 127 : i32
          %and3A_410 = vector.broadcast %and3A_409 : i32 to vector<16xi32>
          %and3A_411 = arith.andi %add3A_405, %and3A_410 : vector<16xi32>
          tpu.vector_store_idx %arg12[%shift_right_logical3A_408, %and3A_411], %gather3A_403 : memref<416x128xf32, #tpu.memory_space<vmem>>[vector<16xi32>, vector<16xi32>], vector<16xf32>,
          %scan3A_412 = arith.constant 15 : i32
          %add3A_413 = vector.broadcast %scan3A_412 : i32 to vector<16xi32>
          %add3A_414 = arith.addi %mul3A_226, %add3A_413 : vector<16xi32>
          %gather3A_415 = tpu.vector_load_idx %arg12[%add3A_223, %add3A_414] : memref<416x128xf32, #tpu.memory_space<vmem>>[vector<16xi32>, vector<16xi32>], vector<16xf32>,
          %add3A_416 = vector.broadcast %scan3A_412 : i32 to vector<16xi32>
          %add3A_417 = arith.addi %mul3A_231, %add3A_416 : vector<16xi32>
          %shift_right_logical3A_418 = arith.constant 7 : i32
          %shift_right_logical3A_419 = vector.broadcast %shift_right_logical3A_418 : i32 to vector<16xi32>
          %shift_right_logical3A_420 = arith.shrui %add3A_417, %shift_right_logical3A_419 : vector<16xi32>
          %and3A_421 = arith.constant 127 : i32
          %and3A_422 = vector.broadcast %and3A_421 : i32 to vector<16xi32>
          %and3A_423 = arith.andi %add3A_417, %and3A_422 : vector<16xi32>
          tpu.vector_store_idx %arg12[%shift_right_logical3A_420, %and3A_423], %gather3A_415 : memref<416x128xf32, #tpu.memory_space<vmem>>[vector<16xi32>, vector<16xi32>], vector<16xf32>,
          %scan3A_424 = arith.constant 16 : i32
          %add3A_425 = vector.broadcast %scan3A_424 : i32 to vector<16xi32>
          %add3A_426 = arith.addi %mul3A_226, %add3A_425 : vector<16xi32>
          %gather3A_427 = tpu.vector_load_idx %arg12[%add3A_223, %add3A_426] : memref<416x128xf32, #tpu.memory_space<vmem>>[vector<16xi32>, vector<16xi32>], vector<16xf32>,
          %add3A_428 = vector.broadcast %scan3A_424 : i32 to vector<16xi32>
          %add3A_429 = arith.addi %mul3A_231, %add3A_428 : vector<16xi32>
          %shift_right_logical3A_430 = arith.constant 7 : i32
          %shift_right_logical3A_431 = vector.broadcast %shift_right_logical3A_430 : i32 to vector<16xi32>
          %shift_right_logical3A_432 = arith.shrui %add3A_429, %shift_right_logical3A_431 : vector<16xi32>
          %and3A_433 = arith.constant 127 : i32
          %and3A_434 = vector.broadcast %and3A_433 : i32 to vector<16xi32>
          %and3A_435 = arith.andi %add3A_429, %and3A_434 : vector<16xi32>
          tpu.vector_store_idx %arg12[%shift_right_logical3A_432, %and3A_435], %gather3A_427 : memref<416x128xf32, #tpu.memory_space<vmem>>[vector<16xi32>, vector<16xi32>], vector<16xf32>,
          %scan3A_436 = arith.constant 17 : i32
          %add3A_437 = vector.broadcast %scan3A_436 : i32 to vector<16xi32>
          %add3A_438 = arith.addi %mul3A_226, %add3A_437 : vector<16xi32>
          %gather3A_439 = tpu.vector_load_idx %arg12[%add3A_223, %add3A_438] : memref<416x128xf32, #tpu.memory_space<vmem>>[vector<16xi32>, vector<16xi32>], vector<16xf32>,
          %add3A_440 = vector.broadcast %scan3A_436 : i32 to vector<16xi32>
          %add3A_441 = arith.addi %mul3A_231, %add3A_440 : vector<16xi32>
          %shift_right_logical3A_442 = arith.constant 7 : i32
          %shift_right_logical3A_443 = vector.broadcast %shift_right_logical3A_442 : i32 to vector<16xi32>
          %shift_right_logical3A_444 = arith.shrui %add3A_441, %shift_right_logical3A_443 : vector<16xi32>
          %and3A_445 = arith.constant 127 : i32
          %and3A_446 = vector.broadcast %and3A_445 : i32 to vector<16xi32>
          %and3A_447 = arith.andi %add3A_441, %and3A_446 : vector<16xi32>
          tpu.vector_store_idx %arg12[%shift_right_logical3A_444, %and3A_447], %gather3A_439 : memref<416x128xf32, #tpu.memory_space<vmem>>[vector<16xi32>, vector<16xi32>], vector<16xf32>,
          %scan3A_448 = arith.constant 18 : i32
          %add3A_449 = vector.broadcast %scan3A_448 : i32 to vector<16xi32>
          %add3A_450 = arith.addi %mul3A_226, %add3A_449 : vector<16xi32>
          %gather3A_451 = tpu.vector_load_idx %arg12[%add3A_223, %add3A_450] : memref<416x128xf32, #tpu.memory_space<vmem>>[vector<16xi32>, vector<16xi32>], vector<16xf32>,
          %add3A_452 = vector.broadcast %scan3A_448 : i32 to vector<16xi32>
          %add3A_453 = arith.addi %mul3A_231, %add3A_452 : vector<16xi32>
          %shift_right_logical3A_454 = arith.constant 7 : i32
          %shift_right_logical3A_455 = vector.broadcast %shift_right_logical3A_454 : i32 to vector<16xi32>
          %shift_right_logical3A_456 = arith.shrui %add3A_453, %shift_right_logical3A_455 : vector<16xi32>
          %and3A_457 = arith.constant 127 : i32
          %and3A_458 = vector.broadcast %and3A_457 : i32 to vector<16xi32>
          %and3A_459 = arith.andi %add3A_453, %and3A_458 : vector<16xi32>
          tpu.vector_store_idx %arg12[%shift_right_logical3A_456, %and3A_459], %gather3A_451 : memref<416x128xf32, #tpu.memory_space<vmem>>[vector<16xi32>, vector<16xi32>], vector<16xf32>,
          %scan3A_460 = arith.constant 19 : i32
          %add3A_461 = vector.broadcast %scan3A_460 : i32 to vector<16xi32>
          %add3A_462 = arith.addi %mul3A_226, %add3A_461 : vector<16xi32>
          %gather3A_463 = tpu.vector_load_idx %arg12[%add3A_223, %add3A_462] : memref<416x128xf32, #tpu.memory_space<vmem>>[vector<16xi32>, vector<16xi32>], vector<16xf32>,
          %add3A_464 = vector.broadcast %scan3A_460 : i32 to vector<16xi32>
          %add3A_465 = arith.addi %mul3A_231, %add3A_464 : vector<16xi32>
          %shift_right_logical3A_466 = arith.constant 7 : i32
          %shift_right_logical3A_467 = vector.broadcast %shift_right_logical3A_466 : i32 to vector<16xi32>
          %shift_right_logical3A_468 = arith.shrui %add3A_465, %shift_right_logical3A_467 : vector<16xi32>
          %and3A_469 = arith.constant 127 : i32
          %and3A_470 = vector.broadcast %and3A_469 : i32 to vector<16xi32>
          %and3A_471 = arith.andi %add3A_465, %and3A_470 : vector<16xi32>
          tpu.vector_store_idx %arg12[%shift_right_logical3A_468, %and3A_471], %gather3A_463 : memref<416x128xf32, #tpu.memory_space<vmem>>[vector<16xi32>, vector<16xi32>], vector<16xf32>,
          %scan3A_472 = arith.constant 20 : i32
          %add3A_473 = vector.broadcast %scan3A_472 : i32 to vector<16xi32>
          %add3A_474 = arith.addi %mul3A_226, %add3A_473 : vector<16xi32>
          %gather3A_475 = tpu.vector_load_idx %arg12[%add3A_223, %add3A_474] : memref<416x128xf32, #tpu.memory_space<vmem>>[vector<16xi32>, vector<16xi32>], vector<16xf32>,
          %add3A_476 = vector.broadcast %scan3A_472 : i32 to vector<16xi32>
          %add3A_477 = arith.addi %mul3A_231, %add3A_476 : vector<16xi32>
          %shift_right_logical3A_478 = arith.constant 7 : i32
          %shift_right_logical3A_479 = vector.broadcast %shift_right_logical3A_478 : i32 to vector<16xi32>
          %shift_right_logical3A_480 = arith.shrui %add3A_477, %shift_right_logical3A_479 : vector<16xi32>
          %and3A_481 = arith.constant 127 : i32
          %and3A_482 = vector.broadcast %and3A_481 : i32 to vector<16xi32>
          %and3A_483 = arith.andi %add3A_477, %and3A_482 : vector<16xi32>
          tpu.vector_store_idx %arg12[%shift_right_logical3A_480, %and3A_483], %gather3A_475 : memref<416x128xf32, #tpu.memory_space<vmem>>[vector<16xi32>, vector<16xi32>], vector<16xf32>,
          %scan3A_484 = arith.constant 21 : i32
          %add3A_485 = vector.broadcast %scan3A_484 : i32 to vector<16xi32>
          %add3A_486 = arith.addi %mul3A_226, %add3A_485 : vector<16xi32>
          %gather3A_487 = tpu.vector_load_idx %arg12[%add3A_223, %add3A_486] : memref<416x128xf32, #tpu.memory_space<vmem>>[vector<16xi32>, vector<16xi32>], vector<16xf32>,
          %add3A_488 = vector.broadcast %scan3A_484 : i32 to vector<16xi32>
          %add3A_489 = arith.addi %mul3A_231, %add3A_488 : vector<16xi32>
          %shift_right_logical3A_490 = arith.constant 7 : i32
          %shift_right_logical3A_491 = vector.broadcast %shift_right_logical3A_490 : i32 to vector<16xi32>
          %shift_right_logical3A_492 = arith.shrui %add3A_489, %shift_right_logical3A_491 : vector<16xi32>
          %and3A_493 = arith.constant 127 : i32
          %and3A_494 = vector.broadcast %and3A_493 : i32 to vector<16xi32>
          %and3A_495 = arith.andi %add3A_489, %and3A_494 : vector<16xi32>
          tpu.vector_store_idx %arg12[%shift_right_logical3A_492, %and3A_495], %gather3A_487 : memref<416x128xf32, #tpu.memory_space<vmem>>[vector<16xi32>, vector<16xi32>], vector<16xf32>,
          %scan3A_496 = arith.constant 22 : i32
          %add3A_497 = vector.broadcast %scan3A_496 : i32 to vector<16xi32>
          %add3A_498 = arith.addi %mul3A_226, %add3A_497 : vector<16xi32>
          %gather3A_499 = tpu.vector_load_idx %arg12[%add3A_223, %add3A_498] : memref<416x128xf32, #tpu.memory_space<vmem>>[vector<16xi32>, vector<16xi32>], vector<16xf32>,
          %add3A_500 = vector.broadcast %scan3A_496 : i32 to vector<16xi32>
          %add3A_501 = arith.addi %mul3A_231, %add3A_500 : vector<16xi32>
          %shift_right_logical3A_502 = arith.constant 7 : i32
          %shift_right_logical3A_503 = vector.broadcast %shift_right_logical3A_502 : i32 to vector<16xi32>
          %shift_right_logical3A_504 = arith.shrui %add3A_501, %shift_right_logical3A_503 : vector<16xi32>
          %and3A_505 = arith.constant 127 : i32
          %and3A_506 = vector.broadcast %and3A_505 : i32 to vector<16xi32>
          %and3A_507 = arith.andi %add3A_501, %and3A_506 : vector<16xi32>
          tpu.vector_store_idx %arg12[%shift_right_logical3A_504, %and3A_507], %gather3A_499 : memref<416x128xf32, #tpu.memory_space<vmem>>[vector<16xi32>, vector<16xi32>], vector<16xf32>,
          %scan3A_508 = arith.constant 23 : i32
          %add3A_509 = vector.broadcast %scan3A_508 : i32 to vector<16xi32>
          %add3A_510 = arith.addi %mul3A_226, %add3A_509 : vector<16xi32>
          %gather3A_511 = tpu.vector_load_idx %arg12[%add3A_223, %add3A_510] : memref<416x128xf32, #tpu.memory_space<vmem>>[vector<16xi32>, vector<16xi32>], vector<16xf32>,
          %add3A_512 = vector.broadcast %scan3A_508 : i32 to vector<16xi32>
          %add3A_513 = arith.addi %mul3A_231, %add3A_512 : vector<16xi32>
          %shift_right_logical3A_514 = arith.constant 7 : i32
          %shift_right_logical3A_515 = vector.broadcast %shift_right_logical3A_514 : i32 to vector<16xi32>
          %shift_right_logical3A_516 = arith.shrui %add3A_513, %shift_right_logical3A_515 : vector<16xi32>
          %and3A_517 = arith.constant 127 : i32
          %and3A_518 = vector.broadcast %and3A_517 : i32 to vector<16xi32>
          %and3A_519 = arith.andi %add3A_513, %and3A_518 : vector<16xi32>
          tpu.vector_store_idx %arg12[%shift_right_logical3A_516, %and3A_519], %gather3A_511 : memref<416x128xf32, #tpu.memory_space<vmem>>[vector<16xi32>, vector<16xi32>], vector<16xf32>,
          %scan3A_520 = arith.constant 24 : i32
          %add3A_521 = vector.broadcast %scan3A_520 : i32 to vector<16xi32>
          %add3A_522 = arith.addi %mul3A_226, %add3A_521 : vector<16xi32>
          %gather3A_523 = tpu.vector_load_idx %arg12[%add3A_223, %add3A_522] : memref<416x128xf32, #tpu.memory_space<vmem>>[vector<16xi32>, vector<16xi32>], vector<16xf32>,
          %add3A_524 = vector.broadcast %scan3A_520 : i32 to vector<16xi32>
          %add3A_525 = arith.addi %mul3A_231, %add3A_524 : vector<16xi32>
          %shift_right_logical3A_526 = arith.constant 7 : i32
          %shift_right_logical3A_527 = vector.broadcast %shift_right_logical3A_526 : i32 to vector<16xi32>
          %shift_right_logical3A_528 = arith.shrui %add3A_525, %shift_right_logical3A_527 : vector<16xi32>
          %and3A_529 = arith.constant 127 : i32
          %and3A_530 = vector.broadcast %and3A_529 : i32 to vector<16xi32>
          %and3A_531 = arith.andi %add3A_525, %and3A_530 : vector<16xi32>
          tpu.vector_store_idx %arg12[%shift_right_logical3A_528, %and3A_531], %gather3A_523 : memref<416x128xf32, #tpu.memory_space<vmem>>[vector<16xi32>, vector<16xi32>], vector<16xf32>,
          %scan3A_532 = arith.constant 25 : i32
          %add3A_533 = vector.broadcast %scan3A_532 : i32 to vector<16xi32>
          %add3A_534 = arith.addi %mul3A_226, %add3A_533 : vector<16xi32>
          %gather3A_535 = tpu.vector_load_idx %arg12[%add3A_223, %add3A_534] : memref<416x128xf32, #tpu.memory_space<vmem>>[vector<16xi32>, vector<16xi32>], vector<16xf32>,
          %add3A_536 = vector.broadcast %scan3A_532 : i32 to vector<16xi32>
          %add3A_537 = arith.addi %mul3A_231, %add3A_536 : vector<16xi32>
          %shift_right_logical3A_538 = arith.constant 7 : i32
          %shift_right_logical3A_539 = vector.broadcast %shift_right_logical3A_538 : i32 to vector<16xi32>
          %shift_right_logical3A_540 = arith.shrui %add3A_537, %shift_right_logical3A_539 : vector<16xi32>
          %and3A_541 = arith.constant 127 : i32
          %and3A_542 = vector.broadcast %and3A_541 : i32 to vector<16xi32>
          %and3A_543 = arith.andi %add3A_537, %and3A_542 : vector<16xi32>
          tpu.vector_store_idx %arg12[%shift_right_logical3A_540, %and3A_543], %gather3A_535 : memref<416x128xf32, #tpu.memory_space<vmem>>[vector<16xi32>, vector<16xi32>], vector<16xf32>,
          %scan3A_544 = arith.constant 26 : i32
          %add3A_545 = vector.broadcast %scan3A_544 : i32 to vector<16xi32>
          %add3A_546 = arith.addi %mul3A_226, %add3A_545 : vector<16xi32>
          %gather3A_547 = tpu.vector_load_idx %arg12[%add3A_223, %add3A_546] : memref<416x128xf32, #tpu.memory_space<vmem>>[vector<16xi32>, vector<16xi32>], vector<16xf32>,
          %add3A_548 = vector.broadcast %scan3A_544 : i32 to vector<16xi32>
          %add3A_549 = arith.addi %mul3A_231, %add3A_548 : vector<16xi32>
          %shift_right_logical3A_550 = arith.constant 7 : i32
          %shift_right_logical3A_551 = vector.broadcast %shift_right_logical3A_550 : i32 to vector<16xi32>
          %shift_right_logical3A_552 = arith.shrui %add3A_549, %shift_right_logical3A_551 : vector<16xi32>
          %and3A_553 = arith.constant 127 : i32
          %and3A_554 = vector.broadcast %and3A_553 : i32 to vector<16xi32>
          %and3A_555 = arith.andi %add3A_549, %and3A_554 : vector<16xi32>
          tpu.vector_store_idx %arg12[%shift_right_logical3A_552, %and3A_555], %gather3A_547 : memref<416x128xf32, #tpu.memory_space<vmem>>[vector<16xi32>, vector<16xi32>], vector<16xf32>,
          %scan3A_556 = arith.constant 27 : i32
          %add3A_557 = vector.broadcast %scan3A_556 : i32 to vector<16xi32>
          %add3A_558 = arith.addi %mul3A_226, %add3A_557 : vector<16xi32>
          %gather3A_559 = tpu.vector_load_idx %arg12[%add3A_223, %add3A_558] : memref<416x128xf32, #tpu.memory_space<vmem>>[vector<16xi32>, vector<16xi32>], vector<16xf32>,
          %add3A_560 = vector.broadcast %scan3A_556 : i32 to vector<16xi32>
          %add3A_561 = arith.addi %mul3A_231, %add3A_560 : vector<16xi32>
          %shift_right_logical3A_562 = arith.constant 7 : i32
          %shift_right_logical3A_563 = vector.broadcast %shift_right_logical3A_562 : i32 to vector<16xi32>
          %shift_right_logical3A_564 = arith.shrui %add3A_561, %shift_right_logical3A_563 : vector<16xi32>
          %and3A_565 = arith.constant 127 : i32
          %and3A_566 = vector.broadcast %and3A_565 : i32 to vector<16xi32>
          %and3A_567 = arith.andi %add3A_561, %and3A_566 : vector<16xi32>
          tpu.vector_store_idx %arg12[%shift_right_logical3A_564, %and3A_567], %gather3A_559 : memref<416x128xf32, #tpu.memory_space<vmem>>[vector<16xi32>, vector<16xi32>], vector<16xf32>,
          %scan3A_568 = arith.constant 28 : i32
          %add3A_569 = vector.broadcast %scan3A_568 : i32 to vector<16xi32>
          %add3A_570 = arith.addi %mul3A_226, %add3A_569 : vector<16xi32>
          %gather3A_571 = tpu.vector_load_idx %arg12[%add3A_223, %add3A_570] : memref<416x128xf32, #tpu.memory_space<vmem>>[vector<16xi32>, vector<16xi32>], vector<16xf32>,
          %add3A_572 = vector.broadcast %scan3A_568 : i32 to vector<16xi32>
          %add3A_573 = arith.addi %mul3A_231, %add3A_572 : vector<16xi32>
          %shift_right_logical3A_574 = arith.constant 7 : i32
          %shift_right_logical3A_575 = vector.broadcast %shift_right_logical3A_574 : i32 to vector<16xi32>
          %shift_right_logical3A_576 = arith.shrui %add3A_573, %shift_right_logical3A_575 : vector<16xi32>
          %and3A_577 = arith.constant 127 : i32
          %and3A_578 = vector.broadcast %and3A_577 : i32 to vector<16xi32>
          %and3A_579 = arith.andi %add3A_573, %and3A_578 : vector<16xi32>
          tpu.vector_store_idx %arg12[%shift_right_logical3A_576, %and3A_579], %gather3A_571 : memref<416x128xf32, #tpu.memory_space<vmem>>[vector<16xi32>, vector<16xi32>], vector<16xf32>,
          %scan3A_580 = arith.constant 29 : i32
          %add3A_581 = vector.broadcast %scan3A_580 : i32 to vector<16xi32>
          %add3A_582 = arith.addi %mul3A_226, %add3A_581 : vector<16xi32>
          %gather3A_583 = tpu.vector_load_idx %arg12[%add3A_223, %add3A_582] : memref<416x128xf32, #tpu.memory_space<vmem>>[vector<16xi32>, vector<16xi32>], vector<16xf32>,
          %add3A_584 = vector.broadcast %scan3A_580 : i32 to vector<16xi32>
          %add3A_585 = arith.addi %mul3A_231, %add3A_584 : vector<16xi32>
          %shift_right_logical3A_586 = arith.constant 7 : i32
          %shift_right_logical3A_587 = vector.broadcast %shift_right_logical3A_586 : i32 to vector<16xi32>
          %shift_right_logical3A_588 = arith.shrui %add3A_585, %shift_right_logical3A_587 : vector<16xi32>
          %and3A_589 = arith.constant 127 : i32
          %and3A_590 = vector.broadcast %and3A_589 : i32 to vector<16xi32>
          %and3A_591 = arith.andi %add3A_585, %and3A_590 : vector<16xi32>
          tpu.vector_store_idx %arg12[%shift_right_logical3A_588, %and3A_591], %gather3A_583 : memref<416x128xf32, #tpu.memory_space<vmem>>[vector<16xi32>, vector<16xi32>], vector<16xf32>,
          %scan3A_592 = arith.constant 30 : i32
          %add3A_593 = vector.broadcast %scan3A_592 : i32 to vector<16xi32>
          %add3A_594 = arith.addi %mul3A_226, %add3A_593 : vector<16xi32>
          %gather3A_595 = tpu.vector_load_idx %arg12[%add3A_223, %add3A_594] : memref<416x128xf32, #tpu.memory_space<vmem>>[vector<16xi32>, vector<16xi32>], vector<16xf32>,
          %add3A_596 = vector.broadcast %scan3A_592 : i32 to vector<16xi32>
          %add3A_597 = arith.addi %mul3A_231, %add3A_596 : vector<16xi32>
          %shift_right_logical3A_598 = arith.constant 7 : i32
          %shift_right_logical3A_599 = vector.broadcast %shift_right_logical3A_598 : i32 to vector<16xi32>
          %shift_right_logical3A_600 = arith.shrui %add3A_597, %shift_right_logical3A_599 : vector<16xi32>
          %and3A_601 = arith.constant 127 : i32
          %and3A_602 = vector.broadcast %and3A_601 : i32 to vector<16xi32>
          %and3A_603 = arith.andi %add3A_597, %and3A_602 : vector<16xi32>
          tpu.vector_store_idx %arg12[%shift_right_logical3A_600, %and3A_603], %gather3A_595 : memref<416x128xf32, #tpu.memory_space<vmem>>[vector<16xi32>, vector<16xi32>], vector<16xf32>,
          %scan3A_604 = arith.constant 31 : i32
          %add3A_605 = vector.broadcast %scan3A_604 : i32 to vector<16xi32>
          %add3A_606 = arith.addi %mul3A_226, %add3A_605 : vector<16xi32>
          %gather3A_607 = tpu.vector_load_idx %arg12[%add3A_223, %add3A_606] : memref<416x128xf32, #tpu.memory_space<vmem>>[vector<16xi32>, vector<16xi32>], vector<16xf32>,
          %add3A_608 = vector.broadcast %scan3A_604 : i32 to vector<16xi32>
          %add3A_609 = arith.addi %mul3A_231, %add3A_608 : vector<16xi32>
          %shift_right_logical3A_610 = arith.constant 7 : i32
          %shift_right_logical3A_611 = vector.broadcast %shift_right_logical3A_610 : i32 to vector<16xi32>
          %shift_right_logical3A_612 = arith.shrui %add3A_609, %shift_right_logical3A_611 : vector<16xi32>
          %and3A_613 = arith.constant 127 : i32
          %and3A_614 = vector.broadcast %and3A_613 : i32 to vector<16xi32>
          %and3A_615 = arith.andi %add3A_609, %and3A_614 : vector<16xi32>
          tpu.vector_store_idx %arg12[%shift_right_logical3A_612, %and3A_615], %gather3A_607 : memref<416x128xf32, #tpu.memory_space<vmem>>[vector<16xi32>, vector<16xi32>], vector<16xf32>,
          %scan3A_616 = arith.constant 32 : i32
        }
        %scan3A_202 = arith.constant 26 : i32
        %sub3A = arith.constant 1 : i32
        %sub3A_203 = arith.subi %add3A_65, %sub3A : i32
        %mul3A_204 = arith.constant 104 : i32
        %mul3A_205 = arith.muli %sub3A_203, %mul3A_204 : i32
        %add3A_206 = arith.addi %mul3A_4, %mul3A_205 : i32
        %dma_start3A_207 = arith.constant 0 : i32
        %dma_start3A_208 = arith.constant 0 : i32
        %dma_start3A_209 = tpu.memref_slice %arg12[%dma_start3A_207, %dma_start3A_208] : memref<416x128xf32, #tpu.memory_space<vmem>> -> memref<104x128xf32, #tpu.memory_space<vmem>>
        %dma_start3A_210 = arith.constant 0 : i32
        %dma_start3A_211 = tpu.memref_slice %arg5[%add3A_206, %dma_start3A_210] : memref<532480x128xf32, #tpu.memory_space<hbm>> -> memref<104x128xf32, #tpu.memory_space<hbm>>
        %dma_start3A_212 = arith.constant 0 : i32
        %dma_start3A_213 = tpu.memref_slice %arg5[%add3A_206, %dma_start3A_212] : memref<532480x128xf32, #tpu.memory_space<hbm>> -> memref<104x128xf32, #tpu.memory_space<hbm>>
        %dma_start3A_214 = arith.constant 0 : i32
        %dma_start3A_215 = arith.constant 0 : i32
        %dma_start3A_216 = tpu.memref_slice %arg12[%dma_start3A_214, %dma_start3A_215] : memref<416x128xf32, #tpu.memory_space<vmem>> -> memref<104x128xf32, #tpu.memory_space<vmem>>
        tpu.enqueue_dma source(%dma_start3A_216 : memref<104x128xf32, #tpu.memory_space<vmem>>) target(%dma_start3A_213 : memref<104x128xf32, #tpu.memory_space<hbm>>) target_semaphore(%arg18 : memref<!tpu.dma_semaphore, #tpu.memory_space<semaphore_mem>>)
      } else {
      }
      %mul3A_121 = arith.constant 2 : i32
      %mul3A_122 = arith.muli %scan3A_61, %mul3A_121 : i32
      %add3A_123 = arith.constant 1 : i32
      %add3A_124 = arith.addi %mul3A_122, %add3A_123 : i32
      %ge3A_125 = arith.constant 2 : i32
      %ge3A_126 = arith.cmpi sge, %add3A_124, %ge3A_125 : i32
      %convert_element_type3A_127 = arith.extui %ge3A_126 : i1 to i32
      %cond3A_128 = arith.constant 0 : i32
      %cond3A_129 = arith.cmpi ne, %convert_element_type3A_127, %cond3A_128 : i32
      scf.if %cond3A_129 {
        %sub3A = arith.constant 2 : i32
        %sub3A_187 = arith.subi %add3A_124, %sub3A : i32
        %mul3A_188 = arith.constant 104 : i32
        %mul3A_189 = arith.muli %sub3A_187, %mul3A_188 : i32
        %add3A_190 = arith.addi %mul3A_4, %mul3A_189 : i32
        %dma_wait3A_191 = arith.constant 0 : i32
        %dma_wait3A_192 = arith.constant 0 : i32
        %dma_wait3A_193 = tpu.memref_slice %arg12[%dma_wait3A_191, %dma_wait3A_192] : memref<416x128xf32, #tpu.memory_space<vmem>> -> memref<104x128xf32, #tpu.memory_space<vmem>>
        %dma_wait3A_194 = arith.constant 0 : i32
        %dma_wait3A_195 = tpu.memref_slice %arg5[%add3A_190, %dma_wait3A_194] : memref<532480x128xf32, #tpu.memory_space<hbm>> -> memref<104x128xf32, #tpu.memory_space<hbm>>
        %dma_wait3A_196 = arith.constant 0 : i32
        %dma_wait3A_197 = tpu.memref_slice %arg5[%add3A_190, %dma_wait3A_196] : memref<532480x128xf32, #tpu.memory_space<hbm>> -> memref<104x128xf32, #tpu.memory_space<hbm>>
        %dma_wait3A_198 = arith.constant 0 : i32
        %dma_wait3A_199 = arith.constant 0 : i32
        %dma_wait3A_200 = tpu.memref_slice %arg12[%dma_wait3A_198, %dma_wait3A_199] : memref<416x128xf32, #tpu.memory_space<vmem>> -> memref<104x128xf32, #tpu.memory_space<vmem>>
        tpu.wait_dma2 semaphore(%arg18 : memref<!tpu.dma_semaphore, #tpu.memory_space<semaphore_mem>>) src(%dma_wait3A_200 : memref<104x128xf32, #tpu.memory_space<vmem>>) dst(%dma_wait3A_197 : memref<104x128xf32, #tpu.memory_space<hbm>>)
      } else {
      }
      %mul3A_130 = arith.constant 416 : i32
      %mul3A_131 = arith.muli %add3A_124, %mul3A_130 : i32
      %add3A_132 = arith.addi %mul3A_2, %mul3A_131 : i32
      %dma_wait3A_133 = tpu.memref_slice %arg2[%add3A_132] : memref<2129920xi32, #tpu.memory_space<hbm>> -> memref<416xi32, #tpu.memory_space<hbm>>
      %dma_wait3A_134 = tpu.memref_slice %arg2[%add3A_132] : memref<2129920xi32, #tpu.memory_space<hbm>> -> memref<416xi32, #tpu.memory_space<hbm>>
      tpu.wait_dma2 semaphore(%arg14 : memref<!tpu.dma_semaphore, #tpu.memory_space<semaphore_mem>>) src(%dma_wait3A_134 : memref<416xi32, #tpu.memory_space<hbm>>) dst(%arg10 : memref<416xi32, #tpu.memory_space<vmem>>)
      %scan3A_135 = arith.constant 0 : i32
      %scan3A_136 = arith.constant 0 : i32
      %scan3A_137 = arith.constant 24 : i32
      %scan3A_138 = arith.addi %scan3A_136, %scan3A_137 : i32
      %scan3A_139 = arith.constant 8 : i32
      scf.for %scan3A_187 = %scan3A_136 to %scan3A_138 step %scan3A_139  : i32 {
        %mul3A_188 = arith.constant 16 : i32
        %mul3A_189 = arith.muli %scan3A_187, %mul3A_188 : i32
        %get3A_190 = arith.index_cast %mul3A_189 : i32 to index
        %get3A_191 = tpu.vector_load %arg10[%get3A_190] {strides = array<i32>} : memref<416xi32, #tpu.memory_space<vmem>>, vector<16xi32>,
        %get3A_192 = arith.index_cast %mul3A_189 : i32 to index
        %get3A_193 = tpu.vector_load %arg6[%get3A_192] {strides = array<i32>} : memref<416xi32, #tpu.memory_space<vmem>>, vector<16xi32>,
        %add3A_194 = arith.addi %get3A_191, %get3A_193 : vector<16xi32>
        %and3A_195 = arith.constant 3 : i32
        %and3A_196 = vector.broadcast %and3A_195 : i32 to vector<16xi32>
        %and3A_197 = arith.andi %add3A_194, %and3A_196 : vector<16xi32>
        %swap3A_198 = arith.index_cast %mul3A_189 : i32 to index
        %swap3A_199 = tpu.vector_load %arg8[%swap3A_198] {strides = array<i32>} : memref<416xi32, #tpu.memory_space<vmem>>, vector<16xi32>,
        tpu.vector_store %arg8[%swap3A_198], %and3A_197 {strides = array<i32>} : memref<416xi32, #tpu.memory_space<vmem>>, vector<16xi32>,
        %shift_right_logical3A_200 = arith.constant 2 : i32
        %shift_right_logical3A_201 = vector.broadcast %shift_right_logical3A_200 : i32 to vector<16xi32>
        %shift_right_logical3A_202 = arith.shrui %add3A_194, %shift_right_logical3A_201 : vector<16xi32>
        %swap3A_203 = arith.index_cast %mul3A_189 : i32 to index
        %swap3A_204 = tpu.vector_load %arg10[%swap3A_203] {strides = array<i32>} : memref<416xi32, #tpu.memory_space<vmem>>, vector<16xi32>,
        tpu.vector_store %arg10[%swap3A_203], %shift_right_logical3A_202 {strides = array<i32>} : memref<416xi32, #tpu.memory_space<vmem>>, vector<16xi32>,
        %scan3A_205 = arith.constant 1 : i32
        %scan3A_206 = arith.addi %scan3A_187, %scan3A_205 : i32
        %mul3A_207 = arith.constant 16 : i32
        %mul3A_208 = arith.muli %scan3A_206, %mul3A_207 : i32
        %get3A_209 = arith.index_cast %mul3A_208 : i32 to index
        %get3A_210 = tpu.vector_load %arg10[%get3A_209] {strides = array<i32>} : memref<416xi32, #tpu.memory_space<vmem>>, vector<16xi32>,
        %get3A_211 = arith.index_cast %mul3A_208 : i32 to index
        %get3A_212 = tpu.vector_load %arg6[%get3A_211] {strides = array<i32>} : memref<416xi32, #tpu.memory_space<vmem>>, vector<16xi32>,
        %add3A_213 = arith.addi %get3A_210, %get3A_212 : vector<16xi32>
        %and3A_214 = arith.constant 3 : i32
        %and3A_215 = vector.broadcast %and3A_214 : i32 to vector<16xi32>
        %and3A_216 = arith.andi %add3A_213, %and3A_215 : vector<16xi32>
        %swap3A_217 = arith.index_cast %mul3A_208 : i32 to index
        %swap3A_218 = tpu.vector_load %arg8[%swap3A_217] {strides = array<i32>} : memref<416xi32, #tpu.memory_space<vmem>>, vector<16xi32>,
        tpu.vector_store %arg8[%swap3A_217], %and3A_216 {strides = array<i32>} : memref<416xi32, #tpu.memory_space<vmem>>, vector<16xi32>,
        %shift_right_logical3A_219 = arith.constant 2 : i32
        %shift_right_logical3A_220 = vector.broadcast %shift_right_logical3A_219 : i32 to vector<16xi32>
        %shift_right_logical3A_221 = arith.shrui %add3A_213, %shift_right_logical3A_220 : vector<16xi32>
        %swap3A_222 = arith.index_cast %mul3A_208 : i32 to index
        %swap3A_223 = tpu.vector_load %arg10[%swap3A_222] {strides = array<i32>} : memref<416xi32, #tpu.memory_space<vmem>>, vector<16xi32>,
        tpu.vector_store %arg10[%swap3A_222], %shift_right_logical3A_221 {strides = array<i32>} : memref<416xi32, #tpu.memory_space<vmem>>, vector<16xi32>,
        %scan3A_224 = arith.constant 2 : i32
        %scan3A_225 = arith.addi %scan3A_187, %scan3A_224 : i32
        %mul3A_226 = arith.constant 16 : i32
        %mul3A_227 = arith.muli %scan3A_225, %mul3A_226 : i32
        %get3A_228 = arith.index_cast %mul3A_227 : i32 to index
        %get3A_229 = tpu.vector_load %arg10[%get3A_228] {strides = array<i32>} : memref<416xi32, #tpu.memory_space<vmem>>, vector<16xi32>,
        %get3A_230 = arith.index_cast %mul3A_227 : i32 to index
        %get3A_231 = tpu.vector_load %arg6[%get3A_230] {strides = array<i32>} : memref<416xi32, #tpu.memory_space<vmem>>, vector<16xi32>,
        %add3A_232 = arith.addi %get3A_229, %get3A_231 : vector<16xi32>
        %and3A_233 = arith.constant 3 : i32
        %and3A_234 = vector.broadcast %and3A_233 : i32 to vector<16xi32>
        %and3A_235 = arith.andi %add3A_232, %and3A_234 : vector<16xi32>
        %swap3A_236 = arith.index_cast %mul3A_227 : i32 to index
        %swap3A_237 = tpu.vector_load %arg8[%swap3A_236] {strides = array<i32>} : memref<416xi32, #tpu.memory_space<vmem>>, vector<16xi32>,
        tpu.vector_store %arg8[%swap3A_236], %and3A_235 {strides = array<i32>} : memref<416xi32, #tpu.memory_space<vmem>>, vector<16xi32>,
        %shift_right_logical3A_238 = arith.constant 2 : i32
        %shift_right_logical3A_239 = vector.broadcast %shift_right_logical3A_238 : i32 to vector<16xi32>
        %shift_right_logical3A_240 = arith.shrui %add3A_232, %shift_right_logical3A_239 : vector<16xi32>
        %swap3A_241 = arith.index_cast %mul3A_227 : i32 to index
        %swap3A_242 = tpu.vector_load %arg10[%swap3A_241] {strides = array<i32>} : memref<416xi32, #tpu.memory_space<vmem>>, vector<16xi32>,
        tpu.vector_store %arg10[%swap3A_241], %shift_right_logical3A_240 {strides = array<i32>} : memref<416xi32, #tpu.memory_space<vmem>>, vector<16xi32>,
        %scan3A_243 = arith.constant 3 : i32
        %scan3A_244 = arith.addi %scan3A_187, %scan3A_243 : i32
        %mul3A_245 = arith.constant 16 : i32
        %mul3A_246 = arith.muli %scan3A_244, %mul3A_245 : i32
        %get3A_247 = arith.index_cast %mul3A_246 : i32 to index
        %get3A_248 = tpu.vector_load %arg10[%get3A_247] {strides = array<i32>} : memref<416xi32, #tpu.memory_space<vmem>>, vector<16xi32>,
        %get3A_249 = arith.index_cast %mul3A_246 : i32 to index
        %get3A_250 = tpu.vector_load %arg6[%get3A_249] {strides = array<i32>} : memref<416xi32, #tpu.memory_space<vmem>>, vector<16xi32>,
        %add3A_251 = arith.addi %get3A_248, %get3A_250 : vector<16xi32>
        %and3A_252 = arith.constant 3 : i32
        %and3A_253 = vector.broadcast %and3A_252 : i32 to vector<16xi32>
        %and3A_254 = arith.andi %add3A_251, %and3A_253 : vector<16xi32>
        %swap3A_255 = arith.index_cast %mul3A_246 : i32 to index
        %swap3A_256 = tpu.vector_load %arg8[%swap3A_255] {strides = array<i32>} : memref<416xi32, #tpu.memory_space<vmem>>, vector<16xi32>,
        tpu.vector_store %arg8[%swap3A_255], %and3A_254 {strides = array<i32>} : memref<416xi32, #tpu.memory_space<vmem>>, vector<16xi32>,
        %shift_right_logical3A_257 = arith.constant 2 : i32
        %shift_right_logical3A_258 = vector.broadcast %shift_right_logical3A_257 : i32 to vector<16xi32>
        %shift_right_logical3A_259 = arith.shrui %add3A_251, %shift_right_logical3A_258 : vector<16xi32>
        %swap3A_260 = arith.index_cast %mul3A_246 : i32 to index
        %swap3A_261 = tpu.vector_load %arg10[%swap3A_260] {strides = array<i32>} : memref<416xi32, #tpu.memory_space<vmem>>, vector<16xi32>,
        tpu.vector_store %arg10[%swap3A_260], %shift_right_logical3A_259 {strides = array<i32>} : memref<416xi32, #tpu.memory_space<vmem>>, vector<16xi32>,
        %scan3A_262 = arith.constant 4 : i32
        %scan3A_263 = arith.addi %scan3A_187, %scan3A_262 : i32
        %mul3A_264 = arith.constant 16 : i32
        %mul3A_265 = arith.muli %scan3A_263, %mul3A_264 : i32
        %get3A_266 = arith.index_cast %mul3A_265 : i32 to index
        %get3A_267 = tpu.vector_load %arg10[%get3A_266] {strides = array<i32>} : memref<416xi32, #tpu.memory_space<vmem>>, vector<16xi32>,
        %get3A_268 = arith.index_cast %mul3A_265 : i32 to index
        %get3A_269 = tpu.vector_load %arg6[%get3A_268] {strides = array<i32>} : memref<416xi32, #tpu.memory_space<vmem>>, vector<16xi32>,
        %add3A_270 = arith.addi %get3A_267, %get3A_269 : vector<16xi32>
        %and3A_271 = arith.constant 3 : i32
        %and3A_272 = vector.broadcast %and3A_271 : i32 to vector<16xi32>
        %and3A_273 = arith.andi %add3A_270, %and3A_272 : vector<16xi32>
        %swap3A_274 = arith.index_cast %mul3A_265 : i32 to index
        %swap3A_275 = tpu.vector_load %arg8[%swap3A_274] {strides = array<i32>} : memref<416xi32, #tpu.memory_space<vmem>>, vector<16xi32>,
        tpu.vector_store %arg8[%swap3A_274], %and3A_273 {strides = array<i32>} : memref<416xi32, #tpu.memory_space<vmem>>, vector<16xi32>,
        %shift_right_logical3A_276 = arith.constant 2 : i32
        %shift_right_logical3A_277 = vector.broadcast %shift_right_logical3A_276 : i32 to vector<16xi32>
        %shift_right_logical3A_278 = arith.shrui %add3A_270, %shift_right_logical3A_277 : vector<16xi32>
        %swap3A_279 = arith.index_cast %mul3A_265 : i32 to index
        %swap3A_280 = tpu.vector_load %arg10[%swap3A_279] {strides = array<i32>} : memref<416xi32, #tpu.memory_space<vmem>>, vector<16xi32>,
        tpu.vector_store %arg10[%swap3A_279], %shift_right_logical3A_278 {strides = array<i32>} : memref<416xi32, #tpu.memory_space<vmem>>, vector<16xi32>,
        %scan3A_281 = arith.constant 5 : i32
        %scan3A_282 = arith.addi %scan3A_187, %scan3A_281 : i32
        %mul3A_283 = arith.constant 16 : i32
        %mul3A_284 = arith.muli %scan3A_282, %mul3A_283 : i32
        %get3A_285 = arith.index_cast %mul3A_284 : i32 to index
        %get3A_286 = tpu.vector_load %arg10[%get3A_285] {strides = array<i32>} : memref<416xi32, #tpu.memory_space<vmem>>, vector<16xi32>,
        %get3A_287 = arith.index_cast %mul3A_284 : i32 to index
        %get3A_288 = tpu.vector_load %arg6[%get3A_287] {strides = array<i32>} : memref<416xi32, #tpu.memory_space<vmem>>, vector<16xi32>,
        %add3A_289 = arith.addi %get3A_286, %get3A_288 : vector<16xi32>
        %and3A_290 = arith.constant 3 : i32
        %and3A_291 = vector.broadcast %and3A_290 : i32 to vector<16xi32>
        %and3A_292 = arith.andi %add3A_289, %and3A_291 : vector<16xi32>
        %swap3A_293 = arith.index_cast %mul3A_284 : i32 to index
        %swap3A_294 = tpu.vector_load %arg8[%swap3A_293] {strides = array<i32>} : memref<416xi32, #tpu.memory_space<vmem>>, vector<16xi32>,
        tpu.vector_store %arg8[%swap3A_293], %and3A_292 {strides = array<i32>} : memref<416xi32, #tpu.memory_space<vmem>>, vector<16xi32>,
        %shift_right_logical3A_295 = arith.constant 2 : i32
        %shift_right_logical3A_296 = vector.broadcast %shift_right_logical3A_295 : i32 to vector<16xi32>
        %shift_right_logical3A_297 = arith.shrui %add3A_289, %shift_right_logical3A_296 : vector<16xi32>
        %swap3A_298 = arith.index_cast %mul3A_284 : i32 to index
        %swap3A_299 = tpu.vector_load %arg10[%swap3A_298] {strides = array<i32>} : memref<416xi32, #tpu.memory_space<vmem>>, vector<16xi32>,
        tpu.vector_store %arg10[%swap3A_298], %shift_right_logical3A_297 {strides = array<i32>} : memref<416xi32, #tpu.memory_space<vmem>>, vector<16xi32>,
        %scan3A_300 = arith.constant 6 : i32
        %scan3A_301 = arith.addi %scan3A_187, %scan3A_300 : i32
        %mul3A_302 = arith.constant 16 : i32
        %mul3A_303 = arith.muli %scan3A_301, %mul3A_302 : i32
        %get3A_304 = arith.index_cast %mul3A_303 : i32 to index
        %get3A_305 = tpu.vector_load %arg10[%get3A_304] {strides = array<i32>} : memref<416xi32, #tpu.memory_space<vmem>>, vector<16xi32>,
        %get3A_306 = arith.index_cast %mul3A_303 : i32 to index
        %get3A_307 = tpu.vector_load %arg6[%get3A_306] {strides = array<i32>} : memref<416xi32, #tpu.memory_space<vmem>>, vector<16xi32>,
        %add3A_308 = arith.addi %get3A_305, %get3A_307 : vector<16xi32>
        %and3A_309 = arith.constant 3 : i32
        %and3A_310 = vector.broadcast %and3A_309 : i32 to vector<16xi32>
        %and3A_311 = arith.andi %add3A_308, %and3A_310 : vector<16xi32>
        %swap3A_312 = arith.index_cast %mul3A_303 : i32 to index
        %swap3A_313 = tpu.vector_load %arg8[%swap3A_312] {strides = array<i32>} : memref<416xi32, #tpu.memory_space<vmem>>, vector<16xi32>,
        tpu.vector_store %arg8[%swap3A_312], %and3A_311 {strides = array<i32>} : memref<416xi32, #tpu.memory_space<vmem>>, vector<16xi32>,
        %shift_right_logical3A_314 = arith.constant 2 : i32
        %shift_right_logical3A_315 = vector.broadcast %shift_right_logical3A_314 : i32 to vector<16xi32>
        %shift_right_logical3A_316 = arith.shrui %add3A_308, %shift_right_logical3A_315 : vector<16xi32>
        %swap3A_317 = arith.index_cast %mul3A_303 : i32 to index
        %swap3A_318 = tpu.vector_load %arg10[%swap3A_317] {strides = array<i32>} : memref<416xi32, #tpu.memory_space<vmem>>, vector<16xi32>,
        tpu.vector_store %arg10[%swap3A_317], %shift_right_logical3A_316 {strides = array<i32>} : memref<416xi32, #tpu.memory_space<vmem>>, vector<16xi32>,
        %scan3A_319 = arith.constant 7 : i32
        %scan3A_320 = arith.addi %scan3A_187, %scan3A_319 : i32
        %mul3A_321 = arith.constant 16 : i32
        %mul3A_322 = arith.muli %scan3A_320, %mul3A_321 : i32
        %get3A_323 = arith.index_cast %mul3A_322 : i32 to index
        %get3A_324 = tpu.vector_load %arg10[%get3A_323] {strides = array<i32>} : memref<416xi32, #tpu.memory_space<vmem>>, vector<16xi32>,
        %get3A_325 = arith.index_cast %mul3A_322 : i32 to index
        %get3A_326 = tpu.vector_load %arg6[%get3A_325] {strides = array<i32>} : memref<416xi32, #tpu.memory_space<vmem>>, vector<16xi32>,
        %add3A_327 = arith.addi %get3A_324, %get3A_326 : vector<16xi32>
        %and3A_328 = arith.constant 3 : i32
        %and3A_329 = vector.broadcast %and3A_328 : i32 to vector<16xi32>
        %and3A_330 = arith.andi %add3A_327, %and3A_329 : vector<16xi32>
        %swap3A_331 = arith.index_cast %mul3A_322 : i32 to index
        %swap3A_332 = tpu.vector_load %arg8[%swap3A_331] {strides = array<i32>} : memref<416xi32, #tpu.memory_space<vmem>>, vector<16xi32>,
        tpu.vector_store %arg8[%swap3A_331], %and3A_330 {strides = array<i32>} : memref<416xi32, #tpu.memory_space<vmem>>, vector<16xi32>,
        %shift_right_logical3A_333 = arith.constant 2 : i32
        %shift_right_logical3A_334 = vector.broadcast %shift_right_logical3A_333 : i32 to vector<16xi32>
        %shift_right_logical3A_335 = arith.shrui %add3A_327, %shift_right_logical3A_334 : vector<16xi32>
        %swap3A_336 = arith.index_cast %mul3A_322 : i32 to index
        %swap3A_337 = tpu.vector_load %arg10[%swap3A_336] {strides = array<i32>} : memref<416xi32, #tpu.memory_space<vmem>>, vector<16xi32>,
        tpu.vector_store %arg10[%swap3A_336], %shift_right_logical3A_335 {strides = array<i32>} : memref<416xi32, #tpu.memory_space<vmem>>, vector<16xi32>,
      }
      %scan3A_140 = arith.constant 24 : i32
      %scan3A_141 = arith.addi %scan3A_136, %scan3A_140 : i32
      %mul3A_142 = arith.constant 16 : i32
      %mul3A_143 = arith.muli %scan3A_141, %mul3A_142 : i32
      %get3A_144 = arith.index_cast %mul3A_143 : i32 to index
      %get3A_145 = tpu.vector_load %arg10[%get3A_144] {strides = array<i32>} : memref<416xi32, #tpu.memory_space<vmem>>, vector<16xi32>,
      %get3A_146 = arith.index_cast %mul3A_143 : i32 to index
      %get3A_147 = tpu.vector_load %arg6[%get3A_146] {strides = array<i32>} : memref<416xi32, #tpu.memory_space<vmem>>, vector<16xi32>,
      %add3A_148 = arith.addi %get3A_145, %get3A_147 : vector<16xi32>
      %and3A_149 = arith.constant 3 : i32
      %and3A_150 = vector.broadcast %and3A_149 : i32 to vector<16xi32>
      %and3A_151 = arith.andi %add3A_148, %and3A_150 : vector<16xi32>
      %swap3A_152 = arith.index_cast %mul3A_143 : i32 to index
      %swap3A_153 = tpu.vector_load %arg8[%swap3A_152] {strides = array<i32>} : memref<416xi32, #tpu.memory_space<vmem>>, vector<16xi32>,
      tpu.vector_store %arg8[%swap3A_152], %and3A_151 {strides = array<i32>} : memref<416xi32, #tpu.memory_space<vmem>>, vector<16xi32>,
      %shift_right_logical3A_154 = arith.constant 2 : i32
      %shift_right_logical3A_155 = vector.broadcast %shift_right_logical3A_154 : i32 to vector<16xi32>
      %shift_right_logical3A_156 = arith.shrui %add3A_148, %shift_right_logical3A_155 : vector<16xi32>
      %swap3A_157 = arith.index_cast %mul3A_143 : i32 to index
      %swap3A_158 = tpu.vector_load %arg10[%swap3A_157] {strides = array<i32>} : memref<416xi32, #tpu.memory_space<vmem>>, vector<16xi32>,
      tpu.vector_store %arg10[%swap3A_157], %shift_right_logical3A_156 {strides = array<i32>} : memref<416xi32, #tpu.memory_space<vmem>>, vector<16xi32>,
      %scan3A_159 = arith.constant 25 : i32
      %scan3A_160 = arith.addi %scan3A_136, %scan3A_159 : i32
      %mul3A_161 = arith.constant 16 : i32
      %mul3A_162 = arith.muli %scan3A_160, %mul3A_161 : i32
      %get3A_163 = arith.index_cast %mul3A_162 : i32 to index
      %get3A_164 = tpu.vector_load %arg10[%get3A_163] {strides = array<i32>} : memref<416xi32, #tpu.memory_space<vmem>>, vector<16xi32>,
      %get3A_165 = arith.index_cast %mul3A_162 : i32 to index
      %get3A_166 = tpu.vector_load %arg6[%get3A_165] {strides = array<i32>} : memref<416xi32, #tpu.memory_space<vmem>>, vector<16xi32>,
      %add3A_167 = arith.addi %get3A_164, %get3A_166 : vector<16xi32>
      %and3A_168 = arith.constant 3 : i32
      %and3A_169 = vector.broadcast %and3A_168 : i32 to vector<16xi32>
      %and3A_170 = arith.andi %add3A_167, %and3A_169 : vector<16xi32>
      %swap3A_171 = arith.index_cast %mul3A_162 : i32 to index
      %swap3A_172 = tpu.vector_load %arg8[%swap3A_171] {strides = array<i32>} : memref<416xi32, #tpu.memory_space<vmem>>, vector<16xi32>,
      tpu.vector_store %arg8[%swap3A_171], %and3A_170 {strides = array<i32>} : memref<416xi32, #tpu.memory_space<vmem>>, vector<16xi32>,
      %shift_right_logical3A_173 = arith.constant 2 : i32
      %shift_right_logical3A_174 = vector.broadcast %shift_right_logical3A_173 : i32 to vector<16xi32>
      %shift_right_logical3A_175 = arith.shrui %add3A_167, %shift_right_logical3A_174 : vector<16xi32>
      %swap3A_176 = arith.index_cast %mul3A_162 : i32 to index
      %swap3A_177 = tpu.vector_load %arg10[%swap3A_176] {strides = array<i32>} : memref<416xi32, #tpu.memory_space<vmem>>, vector<16xi32>,
      tpu.vector_store %arg10[%swap3A_176], %shift_right_logical3A_175 {strides = array<i32>} : memref<416xi32, #tpu.memory_space<vmem>>, vector<16xi32>,
      %scan3A_178 = arith.constant 26 : i32
      %dma_start3A_179 = arith.constant 0 : i32
      %dma_start3A_180 = arith.constant 0 : i32
      %dma_start3A_181 = tpu.memref_slice %arg4[%dma_start3A_179, %dma_start3A_180] : memref<650007x128xf32, #tpu.memory_space<hbm>> -> memref<650007x128xf32, #tpu.memory_space<hbm>>
      tpu.enqueue_indirect_dma source(%dma_start3A_181 : memref<650007x128xf32, #tpu.memory_space<hbm>>) target(%arg12 : memref<416x128xf32, #tpu.memory_space<vmem>>) offsets(%arg10 : memref<416xi32, #tpu.memory_space<vmem>>) semaphore(%arg16 : memref<!tpu.dma_semaphore, #tpu.memory_space<semaphore_mem>>)
      %ge3A_182 = arith.constant 1 : i32
      %ge3A_183 = arith.cmpi sge, %add3A_124, %ge3A_182 : i32
      %convert_element_type3A_184 = arith.extui %ge3A_183 : i1 to i32
      %cond3A_185 = arith.constant 0 : i32
      %cond3A_186 = arith.cmpi ne, %convert_element_type3A_184, %cond3A_185 : i32
      scf.if %cond3A_186 {
        %dma_wait3A_187 = arith.constant 0 : i32
        %dma_wait3A_188 = arith.constant 0 : i32
        %dma_wait3A_189 = tpu.memref_slice %arg4[%dma_wait3A_187, %dma_wait3A_188] : memref<650007x128xf32, #tpu.memory_space<hbm>> -> memref<650007x128xf32, #tpu.memory_space<hbm>>
        tpu.wait_indirect_dma semaphore(%arg15 : memref<!tpu.dma_semaphore, #tpu.memory_space<semaphore_mem>>) src(%dma_wait3A_189 : memref<650007x128xf32, #tpu.memory_space<hbm>>) dst(%arg11 : memref<416x128xf32, #tpu.memory_space<vmem>>)
        %add3A_190 = arith.constant 1 : i32
        %add3A_191 = arith.addi %add3A_124, %add3A_190 : i32
        %lt3A = arith.constant 160 : i32
        %lt3A_192 = arith.cmpi slt, %add3A_191, %lt3A : i32
        %convert_element_type3A_193 = arith.extui %lt3A_192 : i1 to i32
        %cond3A_194 = arith.constant 0 : i32
        %cond3A_195 = arith.cmpi ne, %convert_element_type3A_193, %cond3A_194 : i32
        scf.if %cond3A_195 {
          %add3A_217 = arith.constant 1 : i32
          %add3A_218 = arith.addi %add3A_124, %add3A_217 : i32
          %mul3A_219 = arith.constant 416 : i32
          %mul3A_220 = arith.muli %add3A_218, %mul3A_219 : i32
          %add3A_221 = arith.addi %mul3A_2, %mul3A_220 : i32
          %dma_start3A_222 = tpu.memref_slice %arg2[%add3A_221] : memref<2129920xi32, #tpu.memory_space<hbm>> -> memref<416xi32, #tpu.memory_space<hbm>>
          %dma_start3A_223 = tpu.memref_slice %arg2[%add3A_221] : memref<2129920xi32, #tpu.memory_space<hbm>> -> memref<416xi32, #tpu.memory_space<hbm>>
          tpu.enqueue_dma source(%dma_start3A_223 : memref<416xi32, #tpu.memory_space<hbm>>) target(%arg9 : memref<416xi32, #tpu.memory_space<vmem>>) target_semaphore(%arg13 : memref<!tpu.dma_semaphore, #tpu.memory_space<semaphore_mem>>)
        } else {
        }
        %iota3A_196 = tpu.iota {dimensions = array<i32: 0>} : vector<16xi32>
        %scan3A_197 = arith.constant 0 : i32
        %scan3A_198 = arith.constant 0 : i32
        %scan3A_199 = arith.constant 26 : i32
        %scan3A_200 = arith.addi %scan3A_198, %scan3A_199 : i32
        %scan3A_201 = arith.constant 1 : i32
        scf.for %scan3A_217 = %scan3A_198 to %scan3A_200 step %scan3A_201  : i32 {
          %mul3A_218 = arith.constant 16 : i32
          %mul3A_219 = arith.muli %scan3A_217, %mul3A_218 : i32
          %get3A_220 = arith.index_cast %mul3A_219 : i32 to index
          %get3A_221 = tpu.vector_load %arg7[%get3A_220] {strides = array<i32>} : memref<416xi32, #tpu.memory_space<vmem>>, vector<16xi32>,
          %add3A_222 = vector.broadcast %mul3A_219 : i32 to vector<16xi32>
          %add3A_223 = arith.addi %add3A_222, %iota3A_196 : vector<16xi32>
          %mul3A_224 = arith.constant 32 : i32
          %mul3A_225 = vector.broadcast %mul3A_224 : i32 to vector<16xi32>
          %mul3A_226 = arith.muli %get3A_221, %mul3A_225 : vector<16xi32>
          %add3A_227 = vector.broadcast %mul3A_219 : i32 to vector<16xi32>
          %add3A_228 = arith.addi %add3A_227, %iota3A_196 : vector<16xi32>
          %mul3A_229 = arith.constant 32 : i32
          %mul3A_230 = vector.broadcast %mul3A_229 : i32 to vector<16xi32>
          %mul3A_231 = arith.muli %add3A_228, %mul3A_230 : vector<16xi32>
          %scan3A_232 = arith.constant 0 : i32
          %scan3A_233 = arith.constant 0 : i32
          %add3A_234 = vector.broadcast %scan3A_233 : i32 to vector<16xi32>
          %add3A_235 = arith.addi %mul3A_226, %add3A_234 : vector<16xi32>
          %gather3A = tpu.vector_load_idx %arg11[%add3A_223, %add3A_235] : memref<416x128xf32, #tpu.memory_space<vmem>>[vector<16xi32>, vector<16xi32>], vector<16xf32>,
          %add3A_236 = vector.broadcast %scan3A_233 : i32 to vector<16xi32>
          %add3A_237 = arith.addi %mul3A_231, %add3A_236 : vector<16xi32>
          %shift_right_logical3A_238 = arith.constant 7 : i32
          %shift_right_logical3A_239 = vector.broadcast %shift_right_logical3A_238 : i32 to vector<16xi32>
          %shift_right_logical3A_240 = arith.shrui %add3A_237, %shift_right_logical3A_239 : vector<16xi32>
          %and3A_241 = arith.constant 127 : i32
          %and3A_242 = vector.broadcast %and3A_241 : i32 to vector<16xi32>
          %and3A_243 = arith.andi %add3A_237, %and3A_242 : vector<16xi32>
          tpu.vector_store_idx %arg11[%shift_right_logical3A_240, %and3A_243], %gather3A : memref<416x128xf32, #tpu.memory_space<vmem>>[vector<16xi32>, vector<16xi32>], vector<16xf32>,
          %scan3A_244 = arith.constant 1 : i32
          %add3A_245 = vector.broadcast %scan3A_244 : i32 to vector<16xi32>
          %add3A_246 = arith.addi %mul3A_226, %add3A_245 : vector<16xi32>
          %gather3A_247 = tpu.vector_load_idx %arg11[%add3A_223, %add3A_246] : memref<416x128xf32, #tpu.memory_space<vmem>>[vector<16xi32>, vector<16xi32>], vector<16xf32>,
          %add3A_248 = vector.broadcast %scan3A_244 : i32 to vector<16xi32>
          %add3A_249 = arith.addi %mul3A_231, %add3A_248 : vector<16xi32>
          %shift_right_logical3A_250 = arith.constant 7 : i32
          %shift_right_logical3A_251 = vector.broadcast %shift_right_logical3A_250 : i32 to vector<16xi32>
          %shift_right_logical3A_252 = arith.shrui %add3A_249, %shift_right_logical3A_251 : vector<16xi32>
          %and3A_253 = arith.constant 127 : i32
          %and3A_254 = vector.broadcast %and3A_253 : i32 to vector<16xi32>
          %and3A_255 = arith.andi %add3A_249, %and3A_254 : vector<16xi32>
          tpu.vector_store_idx %arg11[%shift_right_logical3A_252, %and3A_255], %gather3A_247 : memref<416x128xf32, #tpu.memory_space<vmem>>[vector<16xi32>, vector<16xi32>], vector<16xf32>,
          %scan3A_256 = arith.constant 2 : i32
          %add3A_257 = vector.broadcast %scan3A_256 : i32 to vector<16xi32>
          %add3A_258 = arith.addi %mul3A_226, %add3A_257 : vector<16xi32>
          %gather3A_259 = tpu.vector_load_idx %arg11[%add3A_223, %add3A_258] : memref<416x128xf32, #tpu.memory_space<vmem>>[vector<16xi32>, vector<16xi32>], vector<16xf32>,
          %add3A_260 = vector.broadcast %scan3A_256 : i32 to vector<16xi32>
          %add3A_261 = arith.addi %mul3A_231, %add3A_260 : vector<16xi32>
          %shift_right_logical3A_262 = arith.constant 7 : i32
          %shift_right_logical3A_263 = vector.broadcast %shift_right_logical3A_262 : i32 to vector<16xi32>
          %shift_right_logical3A_264 = arith.shrui %add3A_261, %shift_right_logical3A_263 : vector<16xi32>
          %and3A_265 = arith.constant 127 : i32
          %and3A_266 = vector.broadcast %and3A_265 : i32 to vector<16xi32>
          %and3A_267 = arith.andi %add3A_261, %and3A_266 : vector<16xi32>
          tpu.vector_store_idx %arg11[%shift_right_logical3A_264, %and3A_267], %gather3A_259 : memref<416x128xf32, #tpu.memory_space<vmem>>[vector<16xi32>, vector<16xi32>], vector<16xf32>,
          %scan3A_268 = arith.constant 3 : i32
          %add3A_269 = vector.broadcast %scan3A_268 : i32 to vector<16xi32>
          %add3A_270 = arith.addi %mul3A_226, %add3A_269 : vector<16xi32>
          %gather3A_271 = tpu.vector_load_idx %arg11[%add3A_223, %add3A_270] : memref<416x128xf32, #tpu.memory_space<vmem>>[vector<16xi32>, vector<16xi32>], vector<16xf32>,
          %add3A_272 = vector.broadcast %scan3A_268 : i32 to vector<16xi32>
          %add3A_273 = arith.addi %mul3A_231, %add3A_272 : vector<16xi32>
          %shift_right_logical3A_274 = arith.constant 7 : i32
          %shift_right_logical3A_275 = vector.broadcast %shift_right_logical3A_274 : i32 to vector<16xi32>
          %shift_right_logical3A_276 = arith.shrui %add3A_273, %shift_right_logical3A_275 : vector<16xi32>
          %and3A_277 = arith.constant 127 : i32
          %and3A_278 = vector.broadcast %and3A_277 : i32 to vector<16xi32>
          %and3A_279 = arith.andi %add3A_273, %and3A_278 : vector<16xi32>
          tpu.vector_store_idx %arg11[%shift_right_logical3A_276, %and3A_279], %gather3A_271 : memref<416x128xf32, #tpu.memory_space<vmem>>[vector<16xi32>, vector<16xi32>], vector<16xf32>,
          %scan3A_280 = arith.constant 4 : i32
          %add3A_281 = vector.broadcast %scan3A_280 : i32 to vector<16xi32>
          %add3A_282 = arith.addi %mul3A_226, %add3A_281 : vector<16xi32>
          %gather3A_283 = tpu.vector_load_idx %arg11[%add3A_223, %add3A_282] : memref<416x128xf32, #tpu.memory_space<vmem>>[vector<16xi32>, vector<16xi32>], vector<16xf32>,
          %add3A_284 = vector.broadcast %scan3A_280 : i32 to vector<16xi32>
          %add3A_285 = arith.addi %mul3A_231, %add3A_284 : vector<16xi32>
          %shift_right_logical3A_286 = arith.constant 7 : i32
          %shift_right_logical3A_287 = vector.broadcast %shift_right_logical3A_286 : i32 to vector<16xi32>
          %shift_right_logical3A_288 = arith.shrui %add3A_285, %shift_right_logical3A_287 : vector<16xi32>
          %and3A_289 = arith.constant 127 : i32
          %and3A_290 = vector.broadcast %and3A_289 : i32 to vector<16xi32>
          %and3A_291 = arith.andi %add3A_285, %and3A_290 : vector<16xi32>
          tpu.vector_store_idx %arg11[%shift_right_logical3A_288, %and3A_291], %gather3A_283 : memref<416x128xf32, #tpu.memory_space<vmem>>[vector<16xi32>, vector<16xi32>], vector<16xf32>,
          %scan3A_292 = arith.constant 5 : i32
          %add3A_293 = vector.broadcast %scan3A_292 : i32 to vector<16xi32>
          %add3A_294 = arith.addi %mul3A_226, %add3A_293 : vector<16xi32>
          %gather3A_295 = tpu.vector_load_idx %arg11[%add3A_223, %add3A_294] : memref<416x128xf32, #tpu.memory_space<vmem>>[vector<16xi32>, vector<16xi32>], vector<16xf32>,
          %add3A_296 = vector.broadcast %scan3A_292 : i32 to vector<16xi32>
          %add3A_297 = arith.addi %mul3A_231, %add3A_296 : vector<16xi32>
          %shift_right_logical3A_298 = arith.constant 7 : i32
          %shift_right_logical3A_299 = vector.broadcast %shift_right_logical3A_298 : i32 to vector<16xi32>
          %shift_right_logical3A_300 = arith.shrui %add3A_297, %shift_right_logical3A_299 : vector<16xi32>
          %and3A_301 = arith.constant 127 : i32
          %and3A_302 = vector.broadcast %and3A_301 : i32 to vector<16xi32>
          %and3A_303 = arith.andi %add3A_297, %and3A_302 : vector<16xi32>
          tpu.vector_store_idx %arg11[%shift_right_logical3A_300, %and3A_303], %gather3A_295 : memref<416x128xf32, #tpu.memory_space<vmem>>[vector<16xi32>, vector<16xi32>], vector<16xf32>,
          %scan3A_304 = arith.constant 6 : i32
          %add3A_305 = vector.broadcast %scan3A_304 : i32 to vector<16xi32>
          %add3A_306 = arith.addi %mul3A_226, %add3A_305 : vector<16xi32>
          %gather3A_307 = tpu.vector_load_idx %arg11[%add3A_223, %add3A_306] : memref<416x128xf32, #tpu.memory_space<vmem>>[vector<16xi32>, vector<16xi32>], vector<16xf32>,
          %add3A_308 = vector.broadcast %scan3A_304 : i32 to vector<16xi32>
          %add3A_309 = arith.addi %mul3A_231, %add3A_308 : vector<16xi32>
          %shift_right_logical3A_310 = arith.constant 7 : i32
          %shift_right_logical3A_311 = vector.broadcast %shift_right_logical3A_310 : i32 to vector<16xi32>
          %shift_right_logical3A_312 = arith.shrui %add3A_309, %shift_right_logical3A_311 : vector<16xi32>
          %and3A_313 = arith.constant 127 : i32
          %and3A_314 = vector.broadcast %and3A_313 : i32 to vector<16xi32>
          %and3A_315 = arith.andi %add3A_309, %and3A_314 : vector<16xi32>
          tpu.vector_store_idx %arg11[%shift_right_logical3A_312, %and3A_315], %gather3A_307 : memref<416x128xf32, #tpu.memory_space<vmem>>[vector<16xi32>, vector<16xi32>], vector<16xf32>,
          %scan3A_316 = arith.constant 7 : i32
          %add3A_317 = vector.broadcast %scan3A_316 : i32 to vector<16xi32>
          %add3A_318 = arith.addi %mul3A_226, %add3A_317 : vector<16xi32>
          %gather3A_319 = tpu.vector_load_idx %arg11[%add3A_223, %add3A_318] : memref<416x128xf32, #tpu.memory_space<vmem>>[vector<16xi32>, vector<16xi32>], vector<16xf32>,
          %add3A_320 = vector.broadcast %scan3A_316 : i32 to vector<16xi32>
          %add3A_321 = arith.addi %mul3A_231, %add3A_320 : vector<16xi32>
          %shift_right_logical3A_322 = arith.constant 7 : i32
          %shift_right_logical3A_323 = vector.broadcast %shift_right_logical3A_322 : i32 to vector<16xi32>
          %shift_right_logical3A_324 = arith.shrui %add3A_321, %shift_right_logical3A_323 : vector<16xi32>
          %and3A_325 = arith.constant 127 : i32
          %and3A_326 = vector.broadcast %and3A_325 : i32 to vector<16xi32>
          %and3A_327 = arith.andi %add3A_321, %and3A_326 : vector<16xi32>
          tpu.vector_store_idx %arg11[%shift_right_logical3A_324, %and3A_327], %gather3A_319 : memref<416x128xf32, #tpu.memory_space<vmem>>[vector<16xi32>, vector<16xi32>], vector<16xf32>,
          %scan3A_328 = arith.constant 8 : i32
          %add3A_329 = vector.broadcast %scan3A_328 : i32 to vector<16xi32>
          %add3A_330 = arith.addi %mul3A_226, %add3A_329 : vector<16xi32>
          %gather3A_331 = tpu.vector_load_idx %arg11[%add3A_223, %add3A_330] : memref<416x128xf32, #tpu.memory_space<vmem>>[vector<16xi32>, vector<16xi32>], vector<16xf32>,
          %add3A_332 = vector.broadcast %scan3A_328 : i32 to vector<16xi32>
          %add3A_333 = arith.addi %mul3A_231, %add3A_332 : vector<16xi32>
          %shift_right_logical3A_334 = arith.constant 7 : i32
          %shift_right_logical3A_335 = vector.broadcast %shift_right_logical3A_334 : i32 to vector<16xi32>
          %shift_right_logical3A_336 = arith.shrui %add3A_333, %shift_right_logical3A_335 : vector<16xi32>
          %and3A_337 = arith.constant 127 : i32
          %and3A_338 = vector.broadcast %and3A_337 : i32 to vector<16xi32>
          %and3A_339 = arith.andi %add3A_333, %and3A_338 : vector<16xi32>
          tpu.vector_store_idx %arg11[%shift_right_logical3A_336, %and3A_339], %gather3A_331 : memref<416x128xf32, #tpu.memory_space<vmem>>[vector<16xi32>, vector<16xi32>], vector<16xf32>,
          %scan3A_340 = arith.constant 9 : i32
          %add3A_341 = vector.broadcast %scan3A_340 : i32 to vector<16xi32>
          %add3A_342 = arith.addi %mul3A_226, %add3A_341 : vector<16xi32>
          %gather3A_343 = tpu.vector_load_idx %arg11[%add3A_223, %add3A_342] : memref<416x128xf32, #tpu.memory_space<vmem>>[vector<16xi32>, vector<16xi32>], vector<16xf32>,
          %add3A_344 = vector.broadcast %scan3A_340 : i32 to vector<16xi32>
          %add3A_345 = arith.addi %mul3A_231, %add3A_344 : vector<16xi32>
          %shift_right_logical3A_346 = arith.constant 7 : i32
          %shift_right_logical3A_347 = vector.broadcast %shift_right_logical3A_346 : i32 to vector<16xi32>
          %shift_right_logical3A_348 = arith.shrui %add3A_345, %shift_right_logical3A_347 : vector<16xi32>
          %and3A_349 = arith.constant 127 : i32
          %and3A_350 = vector.broadcast %and3A_349 : i32 to vector<16xi32>
          %and3A_351 = arith.andi %add3A_345, %and3A_350 : vector<16xi32>
          tpu.vector_store_idx %arg11[%shift_right_logical3A_348, %and3A_351], %gather3A_343 : memref<416x128xf32, #tpu.memory_space<vmem>>[vector<16xi32>, vector<16xi32>], vector<16xf32>,
          %scan3A_352 = arith.constant 10 : i32
          %add3A_353 = vector.broadcast %scan3A_352 : i32 to vector<16xi32>
          %add3A_354 = arith.addi %mul3A_226, %add3A_353 : vector<16xi32>
          %gather3A_355 = tpu.vector_load_idx %arg11[%add3A_223, %add3A_354] : memref<416x128xf32, #tpu.memory_space<vmem>>[vector<16xi32>, vector<16xi32>], vector<16xf32>,
          %add3A_356 = vector.broadcast %scan3A_352 : i32 to vector<16xi32>
          %add3A_357 = arith.addi %mul3A_231, %add3A_356 : vector<16xi32>
          %shift_right_logical3A_358 = arith.constant 7 : i32
          %shift_right_logical3A_359 = vector.broadcast %shift_right_logical3A_358 : i32 to vector<16xi32>
          %shift_right_logical3A_360 = arith.shrui %add3A_357, %shift_right_logical3A_359 : vector<16xi32>
          %and3A_361 = arith.constant 127 : i32
          %and3A_362 = vector.broadcast %and3A_361 : i32 to vector<16xi32>
          %and3A_363 = arith.andi %add3A_357, %and3A_362 : vector<16xi32>
          tpu.vector_store_idx %arg11[%shift_right_logical3A_360, %and3A_363], %gather3A_355 : memref<416x128xf32, #tpu.memory_space<vmem>>[vector<16xi32>, vector<16xi32>], vector<16xf32>,
          %scan3A_364 = arith.constant 11 : i32
          %add3A_365 = vector.broadcast %scan3A_364 : i32 to vector<16xi32>
          %add3A_366 = arith.addi %mul3A_226, %add3A_365 : vector<16xi32>
          %gather3A_367 = tpu.vector_load_idx %arg11[%add3A_223, %add3A_366] : memref<416x128xf32, #tpu.memory_space<vmem>>[vector<16xi32>, vector<16xi32>], vector<16xf32>,
          %add3A_368 = vector.broadcast %scan3A_364 : i32 to vector<16xi32>
          %add3A_369 = arith.addi %mul3A_231, %add3A_368 : vector<16xi32>
          %shift_right_logical3A_370 = arith.constant 7 : i32
          %shift_right_logical3A_371 = vector.broadcast %shift_right_logical3A_370 : i32 to vector<16xi32>
          %shift_right_logical3A_372 = arith.shrui %add3A_369, %shift_right_logical3A_371 : vector<16xi32>
          %and3A_373 = arith.constant 127 : i32
          %and3A_374 = vector.broadcast %and3A_373 : i32 to vector<16xi32>
          %and3A_375 = arith.andi %add3A_369, %and3A_374 : vector<16xi32>
          tpu.vector_store_idx %arg11[%shift_right_logical3A_372, %and3A_375], %gather3A_367 : memref<416x128xf32, #tpu.memory_space<vmem>>[vector<16xi32>, vector<16xi32>], vector<16xf32>,
          %scan3A_376 = arith.constant 12 : i32
          %add3A_377 = vector.broadcast %scan3A_376 : i32 to vector<16xi32>
          %add3A_378 = arith.addi %mul3A_226, %add3A_377 : vector<16xi32>
          %gather3A_379 = tpu.vector_load_idx %arg11[%add3A_223, %add3A_378] : memref<416x128xf32, #tpu.memory_space<vmem>>[vector<16xi32>, vector<16xi32>], vector<16xf32>,
          %add3A_380 = vector.broadcast %scan3A_376 : i32 to vector<16xi32>
          %add3A_381 = arith.addi %mul3A_231, %add3A_380 : vector<16xi32>
          %shift_right_logical3A_382 = arith.constant 7 : i32
          %shift_right_logical3A_383 = vector.broadcast %shift_right_logical3A_382 : i32 to vector<16xi32>
          %shift_right_logical3A_384 = arith.shrui %add3A_381, %shift_right_logical3A_383 : vector<16xi32>
          %and3A_385 = arith.constant 127 : i32
          %and3A_386 = vector.broadcast %and3A_385 : i32 to vector<16xi32>
          %and3A_387 = arith.andi %add3A_381, %and3A_386 : vector<16xi32>
          tpu.vector_store_idx %arg11[%shift_right_logical3A_384, %and3A_387], %gather3A_379 : memref<416x128xf32, #tpu.memory_space<vmem>>[vector<16xi32>, vector<16xi32>], vector<16xf32>,
          %scan3A_388 = arith.constant 13 : i32
          %add3A_389 = vector.broadcast %scan3A_388 : i32 to vector<16xi32>
          %add3A_390 = arith.addi %mul3A_226, %add3A_389 : vector<16xi32>
          %gather3A_391 = tpu.vector_load_idx %arg11[%add3A_223, %add3A_390] : memref<416x128xf32, #tpu.memory_space<vmem>>[vector<16xi32>, vector<16xi32>], vector<16xf32>,
          %add3A_392 = vector.broadcast %scan3A_388 : i32 to vector<16xi32>
          %add3A_393 = arith.addi %mul3A_231, %add3A_392 : vector<16xi32>
          %shift_right_logical3A_394 = arith.constant 7 : i32
          %shift_right_logical3A_395 = vector.broadcast %shift_right_logical3A_394 : i32 to vector<16xi32>
          %shift_right_logical3A_396 = arith.shrui %add3A_393, %shift_right_logical3A_395 : vector<16xi32>
          %and3A_397 = arith.constant 127 : i32
          %and3A_398 = vector.broadcast %and3A_397 : i32 to vector<16xi32>
          %and3A_399 = arith.andi %add3A_393, %and3A_398 : vector<16xi32>
          tpu.vector_store_idx %arg11[%shift_right_logical3A_396, %and3A_399], %gather3A_391 : memref<416x128xf32, #tpu.memory_space<vmem>>[vector<16xi32>, vector<16xi32>], vector<16xf32>,
          %scan3A_400 = arith.constant 14 : i32
          %add3A_401 = vector.broadcast %scan3A_400 : i32 to vector<16xi32>
          %add3A_402 = arith.addi %mul3A_226, %add3A_401 : vector<16xi32>
          %gather3A_403 = tpu.vector_load_idx %arg11[%add3A_223, %add3A_402] : memref<416x128xf32, #tpu.memory_space<vmem>>[vector<16xi32>, vector<16xi32>], vector<16xf32>,
          %add3A_404 = vector.broadcast %scan3A_400 : i32 to vector<16xi32>
          %add3A_405 = arith.addi %mul3A_231, %add3A_404 : vector<16xi32>
          %shift_right_logical3A_406 = arith.constant 7 : i32
          %shift_right_logical3A_407 = vector.broadcast %shift_right_logical3A_406 : i32 to vector<16xi32>
          %shift_right_logical3A_408 = arith.shrui %add3A_405, %shift_right_logical3A_407 : vector<16xi32>
          %and3A_409 = arith.constant 127 : i32
          %and3A_410 = vector.broadcast %and3A_409 : i32 to vector<16xi32>
          %and3A_411 = arith.andi %add3A_405, %and3A_410 : vector<16xi32>
          tpu.vector_store_idx %arg11[%shift_right_logical3A_408, %and3A_411], %gather3A_403 : memref<416x128xf32, #tpu.memory_space<vmem>>[vector<16xi32>, vector<16xi32>], vector<16xf32>,
          %scan3A_412 = arith.constant 15 : i32
          %add3A_413 = vector.broadcast %scan3A_412 : i32 to vector<16xi32>
          %add3A_414 = arith.addi %mul3A_226, %add3A_413 : vector<16xi32>
          %gather3A_415 = tpu.vector_load_idx %arg11[%add3A_223, %add3A_414] : memref<416x128xf32, #tpu.memory_space<vmem>>[vector<16xi32>, vector<16xi32>], vector<16xf32>,
          %add3A_416 = vector.broadcast %scan3A_412 : i32 to vector<16xi32>
          %add3A_417 = arith.addi %mul3A_231, %add3A_416 : vector<16xi32>
          %shift_right_logical3A_418 = arith.constant 7 : i32
          %shift_right_logical3A_419 = vector.broadcast %shift_right_logical3A_418 : i32 to vector<16xi32>
          %shift_right_logical3A_420 = arith.shrui %add3A_417, %shift_right_logical3A_419 : vector<16xi32>
          %and3A_421 = arith.constant 127 : i32
          %and3A_422 = vector.broadcast %and3A_421 : i32 to vector<16xi32>
          %and3A_423 = arith.andi %add3A_417, %and3A_422 : vector<16xi32>
          tpu.vector_store_idx %arg11[%shift_right_logical3A_420, %and3A_423], %gather3A_415 : memref<416x128xf32, #tpu.memory_space<vmem>>[vector<16xi32>, vector<16xi32>], vector<16xf32>,
          %scan3A_424 = arith.constant 16 : i32
          %add3A_425 = vector.broadcast %scan3A_424 : i32 to vector<16xi32>
          %add3A_426 = arith.addi %mul3A_226, %add3A_425 : vector<16xi32>
          %gather3A_427 = tpu.vector_load_idx %arg11[%add3A_223, %add3A_426] : memref<416x128xf32, #tpu.memory_space<vmem>>[vector<16xi32>, vector<16xi32>], vector<16xf32>,
          %add3A_428 = vector.broadcast %scan3A_424 : i32 to vector<16xi32>
          %add3A_429 = arith.addi %mul3A_231, %add3A_428 : vector<16xi32>
          %shift_right_logical3A_430 = arith.constant 7 : i32
          %shift_right_logical3A_431 = vector.broadcast %shift_right_logical3A_430 : i32 to vector<16xi32>
          %shift_right_logical3A_432 = arith.shrui %add3A_429, %shift_right_logical3A_431 : vector<16xi32>
          %and3A_433 = arith.constant 127 : i32
          %and3A_434 = vector.broadcast %and3A_433 : i32 to vector<16xi32>
          %and3A_435 = arith.andi %add3A_429, %and3A_434 : vector<16xi32>
          tpu.vector_store_idx %arg11[%shift_right_logical3A_432, %and3A_435], %gather3A_427 : memref<416x128xf32, #tpu.memory_space<vmem>>[vector<16xi32>, vector<16xi32>], vector<16xf32>,
          %scan3A_436 = arith.constant 17 : i32
          %add3A_437 = vector.broadcast %scan3A_436 : i32 to vector<16xi32>
          %add3A_438 = arith.addi %mul3A_226, %add3A_437 : vector<16xi32>
          %gather3A_439 = tpu.vector_load_idx %arg11[%add3A_223, %add3A_438] : memref<416x128xf32, #tpu.memory_space<vmem>>[vector<16xi32>, vector<16xi32>], vector<16xf32>,
          %add3A_440 = vector.broadcast %scan3A_436 : i32 to vector<16xi32>
          %add3A_441 = arith.addi %mul3A_231, %add3A_440 : vector<16xi32>
          %shift_right_logical3A_442 = arith.constant 7 : i32
          %shift_right_logical3A_443 = vector.broadcast %shift_right_logical3A_442 : i32 to vector<16xi32>
          %shift_right_logical3A_444 = arith.shrui %add3A_441, %shift_right_logical3A_443 : vector<16xi32>
          %and3A_445 = arith.constant 127 : i32
          %and3A_446 = vector.broadcast %and3A_445 : i32 to vector<16xi32>
          %and3A_447 = arith.andi %add3A_441, %and3A_446 : vector<16xi32>
          tpu.vector_store_idx %arg11[%shift_right_logical3A_444, %and3A_447], %gather3A_439 : memref<416x128xf32, #tpu.memory_space<vmem>>[vector<16xi32>, vector<16xi32>], vector<16xf32>,
          %scan3A_448 = arith.constant 18 : i32
          %add3A_449 = vector.broadcast %scan3A_448 : i32 to vector<16xi32>
          %add3A_450 = arith.addi %mul3A_226, %add3A_449 : vector<16xi32>
          %gather3A_451 = tpu.vector_load_idx %arg11[%add3A_223, %add3A_450] : memref<416x128xf32, #tpu.memory_space<vmem>>[vector<16xi32>, vector<16xi32>], vector<16xf32>,
          %add3A_452 = vector.broadcast %scan3A_448 : i32 to vector<16xi32>
          %add3A_453 = arith.addi %mul3A_231, %add3A_452 : vector<16xi32>
          %shift_right_logical3A_454 = arith.constant 7 : i32
          %shift_right_logical3A_455 = vector.broadcast %shift_right_logical3A_454 : i32 to vector<16xi32>
          %shift_right_logical3A_456 = arith.shrui %add3A_453, %shift_right_logical3A_455 : vector<16xi32>
          %and3A_457 = arith.constant 127 : i32
          %and3A_458 = vector.broadcast %and3A_457 : i32 to vector<16xi32>
          %and3A_459 = arith.andi %add3A_453, %and3A_458 : vector<16xi32>
          tpu.vector_store_idx %arg11[%shift_right_logical3A_456, %and3A_459], %gather3A_451 : memref<416x128xf32, #tpu.memory_space<vmem>>[vector<16xi32>, vector<16xi32>], vector<16xf32>,
          %scan3A_460 = arith.constant 19 : i32
          %add3A_461 = vector.broadcast %scan3A_460 : i32 to vector<16xi32>
          %add3A_462 = arith.addi %mul3A_226, %add3A_461 : vector<16xi32>
          %gather3A_463 = tpu.vector_load_idx %arg11[%add3A_223, %add3A_462] : memref<416x128xf32, #tpu.memory_space<vmem>>[vector<16xi32>, vector<16xi32>], vector<16xf32>,
          %add3A_464 = vector.broadcast %scan3A_460 : i32 to vector<16xi32>
          %add3A_465 = arith.addi %mul3A_231, %add3A_464 : vector<16xi32>
          %shift_right_logical3A_466 = arith.constant 7 : i32
          %shift_right_logical3A_467 = vector.broadcast %shift_right_logical3A_466 : i32 to vector<16xi32>
          %shift_right_logical3A_468 = arith.shrui %add3A_465, %shift_right_logical3A_467 : vector<16xi32>
          %and3A_469 = arith.constant 127 : i32
          %and3A_470 = vector.broadcast %and3A_469 : i32 to vector<16xi32>
          %and3A_471 = arith.andi %add3A_465, %and3A_470 : vector<16xi32>
          tpu.vector_store_idx %arg11[%shift_right_logical3A_468, %and3A_471], %gather3A_463 : memref<416x128xf32, #tpu.memory_space<vmem>>[vector<16xi32>, vector<16xi32>], vector<16xf32>,
          %scan3A_472 = arith.constant 20 : i32
          %add3A_473 = vector.broadcast %scan3A_472 : i32 to vector<16xi32>
          %add3A_474 = arith.addi %mul3A_226, %add3A_473 : vector<16xi32>
          %gather3A_475 = tpu.vector_load_idx %arg11[%add3A_223, %add3A_474] : memref<416x128xf32, #tpu.memory_space<vmem>>[vector<16xi32>, vector<16xi32>], vector<16xf32>,
          %add3A_476 = vector.broadcast %scan3A_472 : i32 to vector<16xi32>
          %add3A_477 = arith.addi %mul3A_231, %add3A_476 : vector<16xi32>
          %shift_right_logical3A_478 = arith.constant 7 : i32
          %shift_right_logical3A_479 = vector.broadcast %shift_right_logical3A_478 : i32 to vector<16xi32>
          %shift_right_logical3A_480 = arith.shrui %add3A_477, %shift_right_logical3A_479 : vector<16xi32>
          %and3A_481 = arith.constant 127 : i32
          %and3A_482 = vector.broadcast %and3A_481 : i32 to vector<16xi32>
          %and3A_483 = arith.andi %add3A_477, %and3A_482 : vector<16xi32>
          tpu.vector_store_idx %arg11[%shift_right_logical3A_480, %and3A_483], %gather3A_475 : memref<416x128xf32, #tpu.memory_space<vmem>>[vector<16xi32>, vector<16xi32>], vector<16xf32>,
          %scan3A_484 = arith.constant 21 : i32
          %add3A_485 = vector.broadcast %scan3A_484 : i32 to vector<16xi32>
          %add3A_486 = arith.addi %mul3A_226, %add3A_485 : vector<16xi32>
          %gather3A_487 = tpu.vector_load_idx %arg11[%add3A_223, %add3A_486] : memref<416x128xf32, #tpu.memory_space<vmem>>[vector<16xi32>, vector<16xi32>], vector<16xf32>,
          %add3A_488 = vector.broadcast %scan3A_484 : i32 to vector<16xi32>
          %add3A_489 = arith.addi %mul3A_231, %add3A_488 : vector<16xi32>
          %shift_right_logical3A_490 = arith.constant 7 : i32
          %shift_right_logical3A_491 = vector.broadcast %shift_right_logical3A_490 : i32 to vector<16xi32>
          %shift_right_logical3A_492 = arith.shrui %add3A_489, %shift_right_logical3A_491 : vector<16xi32>
          %and3A_493 = arith.constant 127 : i32
          %and3A_494 = vector.broadcast %and3A_493 : i32 to vector<16xi32>
          %and3A_495 = arith.andi %add3A_489, %and3A_494 : vector<16xi32>
          tpu.vector_store_idx %arg11[%shift_right_logical3A_492, %and3A_495], %gather3A_487 : memref<416x128xf32, #tpu.memory_space<vmem>>[vector<16xi32>, vector<16xi32>], vector<16xf32>,
          %scan3A_496 = arith.constant 22 : i32
          %add3A_497 = vector.broadcast %scan3A_496 : i32 to vector<16xi32>
          %add3A_498 = arith.addi %mul3A_226, %add3A_497 : vector<16xi32>
          %gather3A_499 = tpu.vector_load_idx %arg11[%add3A_223, %add3A_498] : memref<416x128xf32, #tpu.memory_space<vmem>>[vector<16xi32>, vector<16xi32>], vector<16xf32>,
          %add3A_500 = vector.broadcast %scan3A_496 : i32 to vector<16xi32>
          %add3A_501 = arith.addi %mul3A_231, %add3A_500 : vector<16xi32>
          %shift_right_logical3A_502 = arith.constant 7 : i32
          %shift_right_logical3A_503 = vector.broadcast %shift_right_logical3A_502 : i32 to vector<16xi32>
          %shift_right_logical3A_504 = arith.shrui %add3A_501, %shift_right_logical3A_503 : vector<16xi32>
          %and3A_505 = arith.constant 127 : i32
          %and3A_506 = vector.broadcast %and3A_505 : i32 to vector<16xi32>
          %and3A_507 = arith.andi %add3A_501, %and3A_506 : vector<16xi32>
          tpu.vector_store_idx %arg11[%shift_right_logical3A_504, %and3A_507], %gather3A_499 : memref<416x128xf32, #tpu.memory_space<vmem>>[vector<16xi32>, vector<16xi32>], vector<16xf32>,
          %scan3A_508 = arith.constant 23 : i32
          %add3A_509 = vector.broadcast %scan3A_508 : i32 to vector<16xi32>
          %add3A_510 = arith.addi %mul3A_226, %add3A_509 : vector<16xi32>
          %gather3A_511 = tpu.vector_load_idx %arg11[%add3A_223, %add3A_510] : memref<416x128xf32, #tpu.memory_space<vmem>>[vector<16xi32>, vector<16xi32>], vector<16xf32>,
          %add3A_512 = vector.broadcast %scan3A_508 : i32 to vector<16xi32>
          %add3A_513 = arith.addi %mul3A_231, %add3A_512 : vector<16xi32>
          %shift_right_logical3A_514 = arith.constant 7 : i32
          %shift_right_logical3A_515 = vector.broadcast %shift_right_logical3A_514 : i32 to vector<16xi32>
          %shift_right_logical3A_516 = arith.shrui %add3A_513, %shift_right_logical3A_515 : vector<16xi32>
          %and3A_517 = arith.constant 127 : i32
          %and3A_518 = vector.broadcast %and3A_517 : i32 to vector<16xi32>
          %and3A_519 = arith.andi %add3A_513, %and3A_518 : vector<16xi32>
          tpu.vector_store_idx %arg11[%shift_right_logical3A_516, %and3A_519], %gather3A_511 : memref<416x128xf32, #tpu.memory_space<vmem>>[vector<16xi32>, vector<16xi32>], vector<16xf32>,
          %scan3A_520 = arith.constant 24 : i32
          %add3A_521 = vector.broadcast %scan3A_520 : i32 to vector<16xi32>
          %add3A_522 = arith.addi %mul3A_226, %add3A_521 : vector<16xi32>
          %gather3A_523 = tpu.vector_load_idx %arg11[%add3A_223, %add3A_522] : memref<416x128xf32, #tpu.memory_space<vmem>>[vector<16xi32>, vector<16xi32>], vector<16xf32>,
          %add3A_524 = vector.broadcast %scan3A_520 : i32 to vector<16xi32>
          %add3A_525 = arith.addi %mul3A_231, %add3A_524 : vector<16xi32>
          %shift_right_logical3A_526 = arith.constant 7 : i32
          %shift_right_logical3A_527 = vector.broadcast %shift_right_logical3A_526 : i32 to vector<16xi32>
          %shift_right_logical3A_528 = arith.shrui %add3A_525, %shift_right_logical3A_527 : vector<16xi32>
          %and3A_529 = arith.constant 127 : i32
          %and3A_530 = vector.broadcast %and3A_529 : i32 to vector<16xi32>
          %and3A_531 = arith.andi %add3A_525, %and3A_530 : vector<16xi32>
          tpu.vector_store_idx %arg11[%shift_right_logical3A_528, %and3A_531], %gather3A_523 : memref<416x128xf32, #tpu.memory_space<vmem>>[vector<16xi32>, vector<16xi32>], vector<16xf32>,
          %scan3A_532 = arith.constant 25 : i32
          %add3A_533 = vector.broadcast %scan3A_532 : i32 to vector<16xi32>
          %add3A_534 = arith.addi %mul3A_226, %add3A_533 : vector<16xi32>
          %gather3A_535 = tpu.vector_load_idx %arg11[%add3A_223, %add3A_534] : memref<416x128xf32, #tpu.memory_space<vmem>>[vector<16xi32>, vector<16xi32>], vector<16xf32>,
          %add3A_536 = vector.broadcast %scan3A_532 : i32 to vector<16xi32>
          %add3A_537 = arith.addi %mul3A_231, %add3A_536 : vector<16xi32>
          %shift_right_logical3A_538 = arith.constant 7 : i32
          %shift_right_logical3A_539 = vector.broadcast %shift_right_logical3A_538 : i32 to vector<16xi32>
          %shift_right_logical3A_540 = arith.shrui %add3A_537, %shift_right_logical3A_539 : vector<16xi32>
          %and3A_541 = arith.constant 127 : i32
          %and3A_542 = vector.broadcast %and3A_541 : i32 to vector<16xi32>
          %and3A_543 = arith.andi %add3A_537, %and3A_542 : vector<16xi32>
          tpu.vector_store_idx %arg11[%shift_right_logical3A_540, %and3A_543], %gather3A_535 : memref<416x128xf32, #tpu.memory_space<vmem>>[vector<16xi32>, vector<16xi32>], vector<16xf32>,
          %scan3A_544 = arith.constant 26 : i32
          %add3A_545 = vector.broadcast %scan3A_544 : i32 to vector<16xi32>
          %add3A_546 = arith.addi %mul3A_226, %add3A_545 : vector<16xi32>
          %gather3A_547 = tpu.vector_load_idx %arg11[%add3A_223, %add3A_546] : memref<416x128xf32, #tpu.memory_space<vmem>>[vector<16xi32>, vector<16xi32>], vector<16xf32>,
          %add3A_548 = vector.broadcast %scan3A_544 : i32 to vector<16xi32>
          %add3A_549 = arith.addi %mul3A_231, %add3A_548 : vector<16xi32>
          %shift_right_logical3A_550 = arith.constant 7 : i32
          %shift_right_logical3A_551 = vector.broadcast %shift_right_logical3A_550 : i32 to vector<16xi32>
          %shift_right_logical3A_552 = arith.shrui %add3A_549, %shift_right_logical3A_551 : vector<16xi32>
          %and3A_553 = arith.constant 127 : i32
          %and3A_554 = vector.broadcast %and3A_553 : i32 to vector<16xi32>
          %and3A_555 = arith.andi %add3A_549, %and3A_554 : vector<16xi32>
          tpu.vector_store_idx %arg11[%shift_right_logical3A_552, %and3A_555], %gather3A_547 : memref<416x128xf32, #tpu.memory_space<vmem>>[vector<16xi32>, vector<16xi32>], vector<16xf32>,
          %scan3A_556 = arith.constant 27 : i32
          %add3A_557 = vector.broadcast %scan3A_556 : i32 to vector<16xi32>
          %add3A_558 = arith.addi %mul3A_226, %add3A_557 : vector<16xi32>
          %gather3A_559 = tpu.vector_load_idx %arg11[%add3A_223, %add3A_558] : memref<416x128xf32, #tpu.memory_space<vmem>>[vector<16xi32>, vector<16xi32>], vector<16xf32>,
          %add3A_560 = vector.broadcast %scan3A_556 : i32 to vector<16xi32>
          %add3A_561 = arith.addi %mul3A_231, %add3A_560 : vector<16xi32>
          %shift_right_logical3A_562 = arith.constant 7 : i32
          %shift_right_logical3A_563 = vector.broadcast %shift_right_logical3A_562 : i32 to vector<16xi32>
          %shift_right_logical3A_564 = arith.shrui %add3A_561, %shift_right_logical3A_563 : vector<16xi32>
          %and3A_565 = arith.constant 127 : i32
          %and3A_566 = vector.broadcast %and3A_565 : i32 to vector<16xi32>
          %and3A_567 = arith.andi %add3A_561, %and3A_566 : vector<16xi32>
          tpu.vector_store_idx %arg11[%shift_right_logical3A_564, %and3A_567], %gather3A_559 : memref<416x128xf32, #tpu.memory_space<vmem>>[vector<16xi32>, vector<16xi32>], vector<16xf32>,
          %scan3A_568 = arith.constant 28 : i32
          %add3A_569 = vector.broadcast %scan3A_568 : i32 to vector<16xi32>
          %add3A_570 = arith.addi %mul3A_226, %add3A_569 : vector<16xi32>
          %gather3A_571 = tpu.vector_load_idx %arg11[%add3A_223, %add3A_570] : memref<416x128xf32, #tpu.memory_space<vmem>>[vector<16xi32>, vector<16xi32>], vector<16xf32>,
          %add3A_572 = vector.broadcast %scan3A_568 : i32 to vector<16xi32>
          %add3A_573 = arith.addi %mul3A_231, %add3A_572 : vector<16xi32>
          %shift_right_logical3A_574 = arith.constant 7 : i32
          %shift_right_logical3A_575 = vector.broadcast %shift_right_logical3A_574 : i32 to vector<16xi32>
          %shift_right_logical3A_576 = arith.shrui %add3A_573, %shift_right_logical3A_575 : vector<16xi32>
          %and3A_577 = arith.constant 127 : i32
          %and3A_578 = vector.broadcast %and3A_577 : i32 to vector<16xi32>
          %and3A_579 = arith.andi %add3A_573, %and3A_578 : vector<16xi32>
          tpu.vector_store_idx %arg11[%shift_right_logical3A_576, %and3A_579], %gather3A_571 : memref<416x128xf32, #tpu.memory_space<vmem>>[vector<16xi32>, vector<16xi32>], vector<16xf32>,
          %scan3A_580 = arith.constant 29 : i32
          %add3A_581 = vector.broadcast %scan3A_580 : i32 to vector<16xi32>
          %add3A_582 = arith.addi %mul3A_226, %add3A_581 : vector<16xi32>
          %gather3A_583 = tpu.vector_load_idx %arg11[%add3A_223, %add3A_582] : memref<416x128xf32, #tpu.memory_space<vmem>>[vector<16xi32>, vector<16xi32>], vector<16xf32>,
          %add3A_584 = vector.broadcast %scan3A_580 : i32 to vector<16xi32>
          %add3A_585 = arith.addi %mul3A_231, %add3A_584 : vector<16xi32>
          %shift_right_logical3A_586 = arith.constant 7 : i32
          %shift_right_logical3A_587 = vector.broadcast %shift_right_logical3A_586 : i32 to vector<16xi32>
          %shift_right_logical3A_588 = arith.shrui %add3A_585, %shift_right_logical3A_587 : vector<16xi32>
          %and3A_589 = arith.constant 127 : i32
          %and3A_590 = vector.broadcast %and3A_589 : i32 to vector<16xi32>
          %and3A_591 = arith.andi %add3A_585, %and3A_590 : vector<16xi32>
          tpu.vector_store_idx %arg11[%shift_right_logical3A_588, %and3A_591], %gather3A_583 : memref<416x128xf32, #tpu.memory_space<vmem>>[vector<16xi32>, vector<16xi32>], vector<16xf32>,
          %scan3A_592 = arith.constant 30 : i32
          %add3A_593 = vector.broadcast %scan3A_592 : i32 to vector<16xi32>
          %add3A_594 = arith.addi %mul3A_226, %add3A_593 : vector<16xi32>
          %gather3A_595 = tpu.vector_load_idx %arg11[%add3A_223, %add3A_594] : memref<416x128xf32, #tpu.memory_space<vmem>>[vector<16xi32>, vector<16xi32>], vector<16xf32>,
          %add3A_596 = vector.broadcast %scan3A_592 : i32 to vector<16xi32>
          %add3A_597 = arith.addi %mul3A_231, %add3A_596 : vector<16xi32>
          %shift_right_logical3A_598 = arith.constant 7 : i32
          %shift_right_logical3A_599 = vector.broadcast %shift_right_logical3A_598 : i32 to vector<16xi32>
          %shift_right_logical3A_600 = arith.shrui %add3A_597, %shift_right_logical3A_599 : vector<16xi32>
          %and3A_601 = arith.constant 127 : i32
          %and3A_602 = vector.broadcast %and3A_601 : i32 to vector<16xi32>
          %and3A_603 = arith.andi %add3A_597, %and3A_602 : vector<16xi32>
          tpu.vector_store_idx %arg11[%shift_right_logical3A_600, %and3A_603], %gather3A_595 : memref<416x128xf32, #tpu.memory_space<vmem>>[vector<16xi32>, vector<16xi32>], vector<16xf32>,
          %scan3A_604 = arith.constant 31 : i32
          %add3A_605 = vector.broadcast %scan3A_604 : i32 to vector<16xi32>
          %add3A_606 = arith.addi %mul3A_226, %add3A_605 : vector<16xi32>
          %gather3A_607 = tpu.vector_load_idx %arg11[%add3A_223, %add3A_606] : memref<416x128xf32, #tpu.memory_space<vmem>>[vector<16xi32>, vector<16xi32>], vector<16xf32>,
          %add3A_608 = vector.broadcast %scan3A_604 : i32 to vector<16xi32>
          %add3A_609 = arith.addi %mul3A_231, %add3A_608 : vector<16xi32>
          %shift_right_logical3A_610 = arith.constant 7 : i32
          %shift_right_logical3A_611 = vector.broadcast %shift_right_logical3A_610 : i32 to vector<16xi32>
          %shift_right_logical3A_612 = arith.shrui %add3A_609, %shift_right_logical3A_611 : vector<16xi32>
          %and3A_613 = arith.constant 127 : i32
          %and3A_614 = vector.broadcast %and3A_613 : i32 to vector<16xi32>
          %and3A_615 = arith.andi %add3A_609, %and3A_614 : vector<16xi32>
          tpu.vector_store_idx %arg11[%shift_right_logical3A_612, %and3A_615], %gather3A_607 : memref<416x128xf32, #tpu.memory_space<vmem>>[vector<16xi32>, vector<16xi32>], vector<16xf32>,
          %scan3A_616 = arith.constant 32 : i32
        }
        %scan3A_202 = arith.constant 26 : i32
        %sub3A = arith.constant 1 : i32
        %sub3A_203 = arith.subi %add3A_124, %sub3A : i32
        %mul3A_204 = arith.constant 104 : i32
        %mul3A_205 = arith.muli %sub3A_203, %mul3A_204 : i32
        %add3A_206 = arith.addi %mul3A_4, %mul3A_205 : i32
        %dma_start3A_207 = arith.constant 0 : i32
        %dma_start3A_208 = arith.constant 0 : i32
        %dma_start3A_209 = tpu.memref_slice %arg11[%dma_start3A_207, %dma_start3A_208] : memref<416x128xf32, #tpu.memory_space<vmem>> -> memref<104x128xf32, #tpu.memory_space<vmem>>
        %dma_start3A_210 = arith.constant 0 : i32
        %dma_start3A_211 = tpu.memref_slice %arg5[%add3A_206, %dma_start3A_210] : memref<532480x128xf32, #tpu.memory_space<hbm>> -> memref<104x128xf32, #tpu.memory_space<hbm>>
        %dma_start3A_212 = arith.constant 0 : i32
        %dma_start3A_213 = tpu.memref_slice %arg5[%add3A_206, %dma_start3A_212] : memref<532480x128xf32, #tpu.memory_space<hbm>> -> memref<104x128xf32, #tpu.memory_space<hbm>>
        %dma_start3A_214 = arith.constant 0 : i32
        %dma_start3A_215 = arith.constant 0 : i32
        %dma_start3A_216 = tpu.memref_slice %arg11[%dma_start3A_214, %dma_start3A_215] : memref<416x128xf32, #tpu.memory_space<vmem>> -> memref<104x128xf32, #tpu.memory_space<vmem>>
        tpu.enqueue_dma source(%dma_start3A_216 : memref<104x128xf32, #tpu.memory_space<vmem>>) target(%dma_start3A_213 : memref<104x128xf32, #tpu.memory_space<hbm>>) target_semaphore(%arg17 : memref<!tpu.dma_semaphore, #tpu.memory_space<semaphore_mem>>)
      } else {
      }
    }
    %scan3A_16 = arith.constant 80 : i32
    %dma_wait3A = arith.constant 0 : i32
    %dma_wait3A_17 = arith.constant 0 : i32
    %dma_wait3A_18 = tpu.memref_slice %arg4[%dma_wait3A, %dma_wait3A_17] : memref<650007x128xf32, #tpu.memory_space<hbm>> -> memref<650007x128xf32, #tpu.memory_space<hbm>>
    tpu.wait_indirect_dma semaphore(%arg16 : memref<!tpu.dma_semaphore, #tpu.memory_space<semaphore_mem>>) src(%dma_wait3A_18 : memref<650007x128xf32, #tpu.memory_space<hbm>>) dst(%arg12 : memref<416x128xf32, #tpu.memory_space<vmem>>)
    %iota3A = tpu.iota {dimensions = array<i32: 0>} : vector<16xi32>
    %scan3A_19 = arith.constant 0 : i32
    %scan3A_20 = arith.constant 0 : i32
    %scan3A_21 = arith.constant 26 : i32
    %scan3A_22 = arith.addi %scan3A_20, %scan3A_21 : i32
    %scan3A_23 = arith.constant 1 : i32
    scf.for %scan3A_61 = %scan3A_20 to %scan3A_22 step %scan3A_23  : i32 {
      %mul3A_62 = arith.constant 16 : i32
      %mul3A_63 = arith.muli %scan3A_61, %mul3A_62 : i32
      %get3A = arith.index_cast %mul3A_63 : i32 to index
      %get3A_64 = tpu.vector_load %arg8[%get3A] {strides = array<i32>} : memref<416xi32, #tpu.memory_space<vmem>>, vector<16xi32>,
      %add3A_65 = vector.broadcast %mul3A_63 : i32 to vector<16xi32>
      %add3A_66 = arith.addi %add3A_65, %iota3A : vector<16xi32>
      %mul3A_67 = arith.constant 32 : i32
      %mul3A_68 = vector.broadcast %mul3A_67 : i32 to vector<16xi32>
      %mul3A_69 = arith.muli %get3A_64, %mul3A_68 : vector<16xi32>
      %add3A_70 = vector.broadcast %mul3A_63 : i32 to vector<16xi32>
      %add3A_71 = arith.addi %add3A_70, %iota3A : vector<16xi32>
      %mul3A_72 = arith.constant 32 : i32
      %mul3A_73 = vector.broadcast %mul3A_72 : i32 to vector<16xi32>
      %mul3A_74 = arith.muli %add3A_71, %mul3A_73 : vector<16xi32>
      %scan3A_75 = arith.constant 0 : i32
      %scan3A_76 = arith.constant 0 : i32
      %add3A_77 = vector.broadcast %scan3A_76 : i32 to vector<16xi32>
      %add3A_78 = arith.addi %mul3A_69, %add3A_77 : vector<16xi32>
      %gather3A = tpu.vector_load_idx %arg12[%add3A_66, %add3A_78] : memref<416x128xf32, #tpu.memory_space<vmem>>[vector<16xi32>, vector<16xi32>], vector<16xf32>,
      %add3A_79 = vector.broadcast %scan3A_76 : i32 to vector<16xi32>
      %add3A_80 = arith.addi %mul3A_74, %add3A_79 : vector<16xi32>
      %shift_right_logical3A = arith.constant 7 : i32
      %shift_right_logical3A_81 = vector.broadcast %shift_right_logical3A : i32 to vector<16xi32>
      %shift_right_logical3A_82 = arith.shrui %add3A_80, %shift_right_logical3A_81 : vector<16xi32>
      %and3A = arith.constant 127 : i32
      %and3A_83 = vector.broadcast %and3A : i32 to vector<16xi32>
      %and3A_84 = arith.andi %add3A_80, %and3A_83 : vector<16xi32>
      tpu.vector_store_idx %arg12[%shift_right_logical3A_82, %and3A_84], %gather3A : memref<416x128xf32, #tpu.memory_space<vmem>>[vector<16xi32>, vector<16xi32>], vector<16xf32>,
      %scan3A_85 = arith.constant 1 : i32
      %add3A_86 = vector.broadcast %scan3A_85 : i32 to vector<16xi32>
      %add3A_87 = arith.addi %mul3A_69, %add3A_86 : vector<16xi32>
      %gather3A_88 = tpu.vector_load_idx %arg12[%add3A_66, %add3A_87] : memref<416x128xf32, #tpu.memory_space<vmem>>[vector<16xi32>, vector<16xi32>], vector<16xf32>,
      %add3A_89 = vector.broadcast %scan3A_85 : i32 to vector<16xi32>
      %add3A_90 = arith.addi %mul3A_74, %add3A_89 : vector<16xi32>
      %shift_right_logical3A_91 = arith.constant 7 : i32
      %shift_right_logical3A_92 = vector.broadcast %shift_right_logical3A_91 : i32 to vector<16xi32>
      %shift_right_logical3A_93 = arith.shrui %add3A_90, %shift_right_logical3A_92 : vector<16xi32>
      %and3A_94 = arith.constant 127 : i32
      %and3A_95 = vector.broadcast %and3A_94 : i32 to vector<16xi32>
      %and3A_96 = arith.andi %add3A_90, %and3A_95 : vector<16xi32>
      tpu.vector_store_idx %arg12[%shift_right_logical3A_93, %and3A_96], %gather3A_88 : memref<416x128xf32, #tpu.memory_space<vmem>>[vector<16xi32>, vector<16xi32>], vector<16xf32>,
      %scan3A_97 = arith.constant 2 : i32
      %add3A_98 = vector.broadcast %scan3A_97 : i32 to vector<16xi32>
      %add3A_99 = arith.addi %mul3A_69, %add3A_98 : vector<16xi32>
      %gather3A_100 = tpu.vector_load_idx %arg12[%add3A_66, %add3A_99] : memref<416x128xf32, #tpu.memory_space<vmem>>[vector<16xi32>, vector<16xi32>], vector<16xf32>,
      %add3A_101 = vector.broadcast %scan3A_97 : i32 to vector<16xi32>
      %add3A_102 = arith.addi %mul3A_74, %add3A_101 : vector<16xi32>
      %shift_right_logical3A_103 = arith.constant 7 : i32
      %shift_right_logical3A_104 = vector.broadcast %shift_right_logical3A_103 : i32 to vector<16xi32>
      %shift_right_logical3A_105 = arith.shrui %add3A_102, %shift_right_logical3A_104 : vector<16xi32>
      %and3A_106 = arith.constant 127 : i32
      %and3A_107 = vector.broadcast %and3A_106 : i32 to vector<16xi32>
      %and3A_108 = arith.andi %add3A_102, %and3A_107 : vector<16xi32>
      tpu.vector_store_idx %arg12[%shift_right_logical3A_105, %and3A_108], %gather3A_100 : memref<416x128xf32, #tpu.memory_space<vmem>>[vector<16xi32>, vector<16xi32>], vector<16xf32>,
      %scan3A_109 = arith.constant 3 : i32
      %add3A_110 = vector.broadcast %scan3A_109 : i32 to vector<16xi32>
      %add3A_111 = arith.addi %mul3A_69, %add3A_110 : vector<16xi32>
      %gather3A_112 = tpu.vector_load_idx %arg12[%add3A_66, %add3A_111] : memref<416x128xf32, #tpu.memory_space<vmem>>[vector<16xi32>, vector<16xi32>], vector<16xf32>,
      %add3A_113 = vector.broadcast %scan3A_109 : i32 to vector<16xi32>
      %add3A_114 = arith.addi %mul3A_74, %add3A_113 : vector<16xi32>
      %shift_right_logical3A_115 = arith.constant 7 : i32
      %shift_right_logical3A_116 = vector.broadcast %shift_right_logical3A_115 : i32 to vector<16xi32>
      %shift_right_logical3A_117 = arith.shrui %add3A_114, %shift_right_logical3A_116 : vector<16xi32>
      %and3A_118 = arith.constant 127 : i32
      %and3A_119 = vector.broadcast %and3A_118 : i32 to vector<16xi32>
      %and3A_120 = arith.andi %add3A_114, %and3A_119 : vector<16xi32>
      tpu.vector_store_idx %arg12[%shift_right_logical3A_117, %and3A_120], %gather3A_112 : memref<416x128xf32, #tpu.memory_space<vmem>>[vector<16xi32>, vector<16xi32>], vector<16xf32>,
      %scan3A_121 = arith.constant 4 : i32
      %add3A_122 = vector.broadcast %scan3A_121 : i32 to vector<16xi32>
      %add3A_123 = arith.addi %mul3A_69, %add3A_122 : vector<16xi32>
      %gather3A_124 = tpu.vector_load_idx %arg12[%add3A_66, %add3A_123] : memref<416x128xf32, #tpu.memory_space<vmem>>[vector<16xi32>, vector<16xi32>], vector<16xf32>,
      %add3A_125 = vector.broadcast %scan3A_121 : i32 to vector<16xi32>
      %add3A_126 = arith.addi %mul3A_74, %add3A_125 : vector<16xi32>
      %shift_right_logical3A_127 = arith.constant 7 : i32
      %shift_right_logical3A_128 = vector.broadcast %shift_right_logical3A_127 : i32 to vector<16xi32>
      %shift_right_logical3A_129 = arith.shrui %add3A_126, %shift_right_logical3A_128 : vector<16xi32>
      %and3A_130 = arith.constant 127 : i32
      %and3A_131 = vector.broadcast %and3A_130 : i32 to vector<16xi32>
      %and3A_132 = arith.andi %add3A_126, %and3A_131 : vector<16xi32>
      tpu.vector_store_idx %arg12[%shift_right_logical3A_129, %and3A_132], %gather3A_124 : memref<416x128xf32, #tpu.memory_space<vmem>>[vector<16xi32>, vector<16xi32>], vector<16xf32>,
      %scan3A_133 = arith.constant 5 : i32
      %add3A_134 = vector.broadcast %scan3A_133 : i32 to vector<16xi32>
      %add3A_135 = arith.addi %mul3A_69, %add3A_134 : vector<16xi32>
      %gather3A_136 = tpu.vector_load_idx %arg12[%add3A_66, %add3A_135] : memref<416x128xf32, #tpu.memory_space<vmem>>[vector<16xi32>, vector<16xi32>], vector<16xf32>,
      %add3A_137 = vector.broadcast %scan3A_133 : i32 to vector<16xi32>
      %add3A_138 = arith.addi %mul3A_74, %add3A_137 : vector<16xi32>
      %shift_right_logical3A_139 = arith.constant 7 : i32
      %shift_right_logical3A_140 = vector.broadcast %shift_right_logical3A_139 : i32 to vector<16xi32>
      %shift_right_logical3A_141 = arith.shrui %add3A_138, %shift_right_logical3A_140 : vector<16xi32>
      %and3A_142 = arith.constant 127 : i32
      %and3A_143 = vector.broadcast %and3A_142 : i32 to vector<16xi32>
      %and3A_144 = arith.andi %add3A_138, %and3A_143 : vector<16xi32>
      tpu.vector_store_idx %arg12[%shift_right_logical3A_141, %and3A_144], %gather3A_136 : memref<416x128xf32, #tpu.memory_space<vmem>>[vector<16xi32>, vector<16xi32>], vector<16xf32>,
      %scan3A_145 = arith.constant 6 : i32
      %add3A_146 = vector.broadcast %scan3A_145 : i32 to vector<16xi32>
      %add3A_147 = arith.addi %mul3A_69, %add3A_146 : vector<16xi32>
      %gather3A_148 = tpu.vector_load_idx %arg12[%add3A_66, %add3A_147] : memref<416x128xf32, #tpu.memory_space<vmem>>[vector<16xi32>, vector<16xi32>], vector<16xf32>,
      %add3A_149 = vector.broadcast %scan3A_145 : i32 to vector<16xi32>
      %add3A_150 = arith.addi %mul3A_74, %add3A_149 : vector<16xi32>
      %shift_right_logical3A_151 = arith.constant 7 : i32
      %shift_right_logical3A_152 = vector.broadcast %shift_right_logical3A_151 : i32 to vector<16xi32>
      %shift_right_logical3A_153 = arith.shrui %add3A_150, %shift_right_logical3A_152 : vector<16xi32>
      %and3A_154 = arith.constant 127 : i32
      %and3A_155 = vector.broadcast %and3A_154 : i32 to vector<16xi32>
      %and3A_156 = arith.andi %add3A_150, %and3A_155 : vector<16xi32>
      tpu.vector_store_idx %arg12[%shift_right_logical3A_153, %and3A_156], %gather3A_148 : memref<416x128xf32, #tpu.memory_space<vmem>>[vector<16xi32>, vector<16xi32>], vector<16xf32>,
      %scan3A_157 = arith.constant 7 : i32
      %add3A_158 = vector.broadcast %scan3A_157 : i32 to vector<16xi32>
      %add3A_159 = arith.addi %mul3A_69, %add3A_158 : vector<16xi32>
      %gather3A_160 = tpu.vector_load_idx %arg12[%add3A_66, %add3A_159] : memref<416x128xf32, #tpu.memory_space<vmem>>[vector<16xi32>, vector<16xi32>], vector<16xf32>,
      %add3A_161 = vector.broadcast %scan3A_157 : i32 to vector<16xi32>
      %add3A_162 = arith.addi %mul3A_74, %add3A_161 : vector<16xi32>
      %shift_right_logical3A_163 = arith.constant 7 : i32
      %shift_right_logical3A_164 = vector.broadcast %shift_right_logical3A_163 : i32 to vector<16xi32>
      %shift_right_logical3A_165 = arith.shrui %add3A_162, %shift_right_logical3A_164 : vector<16xi32>
      %and3A_166 = arith.constant 127 : i32
      %and3A_167 = vector.broadcast %and3A_166 : i32 to vector<16xi32>
      %and3A_168 = arith.andi %add3A_162, %and3A_167 : vector<16xi32>
      tpu.vector_store_idx %arg12[%shift_right_logical3A_165, %and3A_168], %gather3A_160 : memref<416x128xf32, #tpu.memory_space<vmem>>[vector<16xi32>, vector<16xi32>], vector<16xf32>,
      %scan3A_169 = arith.constant 8 : i32
      %add3A_170 = vector.broadcast %scan3A_169 : i32 to vector<16xi32>
      %add3A_171 = arith.addi %mul3A_69, %add3A_170 : vector<16xi32>
      %gather3A_172 = tpu.vector_load_idx %arg12[%add3A_66, %add3A_171] : memref<416x128xf32, #tpu.memory_space<vmem>>[vector<16xi32>, vector<16xi32>], vector<16xf32>,
      %add3A_173 = vector.broadcast %scan3A_169 : i32 to vector<16xi32>
      %add3A_174 = arith.addi %mul3A_74, %add3A_173 : vector<16xi32>
      %shift_right_logical3A_175 = arith.constant 7 : i32
      %shift_right_logical3A_176 = vector.broadcast %shift_right_logical3A_175 : i32 to vector<16xi32>
      %shift_right_logical3A_177 = arith.shrui %add3A_174, %shift_right_logical3A_176 : vector<16xi32>
      %and3A_178 = arith.constant 127 : i32
      %and3A_179 = vector.broadcast %and3A_178 : i32 to vector<16xi32>
      %and3A_180 = arith.andi %add3A_174, %and3A_179 : vector<16xi32>
      tpu.vector_store_idx %arg12[%shift_right_logical3A_177, %and3A_180], %gather3A_172 : memref<416x128xf32, #tpu.memory_space<vmem>>[vector<16xi32>, vector<16xi32>], vector<16xf32>,
      %scan3A_181 = arith.constant 9 : i32
      %add3A_182 = vector.broadcast %scan3A_181 : i32 to vector<16xi32>
      %add3A_183 = arith.addi %mul3A_69, %add3A_182 : vector<16xi32>
      %gather3A_184 = tpu.vector_load_idx %arg12[%add3A_66, %add3A_183] : memref<416x128xf32, #tpu.memory_space<vmem>>[vector<16xi32>, vector<16xi32>], vector<16xf32>,
      %add3A_185 = vector.broadcast %scan3A_181 : i32 to vector<16xi32>
      %add3A_186 = arith.addi %mul3A_74, %add3A_185 : vector<16xi32>
      %shift_right_logical3A_187 = arith.constant 7 : i32
      %shift_right_logical3A_188 = vector.broadcast %shift_right_logical3A_187 : i32 to vector<16xi32>
      %shift_right_logical3A_189 = arith.shrui %add3A_186, %shift_right_logical3A_188 : vector<16xi32>
      %and3A_190 = arith.constant 127 : i32
      %and3A_191 = vector.broadcast %and3A_190 : i32 to vector<16xi32>
      %and3A_192 = arith.andi %add3A_186, %and3A_191 : vector<16xi32>
      tpu.vector_store_idx %arg12[%shift_right_logical3A_189, %and3A_192], %gather3A_184 : memref<416x128xf32, #tpu.memory_space<vmem>>[vector<16xi32>, vector<16xi32>], vector<16xf32>,
      %scan3A_193 = arith.constant 10 : i32
      %add3A_194 = vector.broadcast %scan3A_193 : i32 to vector<16xi32>
      %add3A_195 = arith.addi %mul3A_69, %add3A_194 : vector<16xi32>
      %gather3A_196 = tpu.vector_load_idx %arg12[%add3A_66, %add3A_195] : memref<416x128xf32, #tpu.memory_space<vmem>>[vector<16xi32>, vector<16xi32>], vector<16xf32>,
      %add3A_197 = vector.broadcast %scan3A_193 : i32 to vector<16xi32>
      %add3A_198 = arith.addi %mul3A_74, %add3A_197 : vector<16xi32>
      %shift_right_logical3A_199 = arith.constant 7 : i32
      %shift_right_logical3A_200 = vector.broadcast %shift_right_logical3A_199 : i32 to vector<16xi32>
      %shift_right_logical3A_201 = arith.shrui %add3A_198, %shift_right_logical3A_200 : vector<16xi32>
      %and3A_202 = arith.constant 127 : i32
      %and3A_203 = vector.broadcast %and3A_202 : i32 to vector<16xi32>
      %and3A_204 = arith.andi %add3A_198, %and3A_203 : vector<16xi32>
      tpu.vector_store_idx %arg12[%shift_right_logical3A_201, %and3A_204], %gather3A_196 : memref<416x128xf32, #tpu.memory_space<vmem>>[vector<16xi32>, vector<16xi32>], vector<16xf32>,
      %scan3A_205 = arith.constant 11 : i32
      %add3A_206 = vector.broadcast %scan3A_205 : i32 to vector<16xi32>
      %add3A_207 = arith.addi %mul3A_69, %add3A_206 : vector<16xi32>
      %gather3A_208 = tpu.vector_load_idx %arg12[%add3A_66, %add3A_207] : memref<416x128xf32, #tpu.memory_space<vmem>>[vector<16xi32>, vector<16xi32>], vector<16xf32>,
      %add3A_209 = vector.broadcast %scan3A_205 : i32 to vector<16xi32>
      %add3A_210 = arith.addi %mul3A_74, %add3A_209 : vector<16xi32>
      %shift_right_logical3A_211 = arith.constant 7 : i32
      %shift_right_logical3A_212 = vector.broadcast %shift_right_logical3A_211 : i32 to vector<16xi32>
      %shift_right_logical3A_213 = arith.shrui %add3A_210, %shift_right_logical3A_212 : vector<16xi32>
      %and3A_214 = arith.constant 127 : i32
      %and3A_215 = vector.broadcast %and3A_214 : i32 to vector<16xi32>
      %and3A_216 = arith.andi %add3A_210, %and3A_215 : vector<16xi32>
      tpu.vector_store_idx %arg12[%shift_right_logical3A_213, %and3A_216], %gather3A_208 : memref<416x128xf32, #tpu.memory_space<vmem>>[vector<16xi32>, vector<16xi32>], vector<16xf32>,
      %scan3A_217 = arith.constant 12 : i32
      %add3A_218 = vector.broadcast %scan3A_217 : i32 to vector<16xi32>
      %add3A_219 = arith.addi %mul3A_69, %add3A_218 : vector<16xi32>
      %gather3A_220 = tpu.vector_load_idx %arg12[%add3A_66, %add3A_219] : memref<416x128xf32, #tpu.memory_space<vmem>>[vector<16xi32>, vector<16xi32>], vector<16xf32>,
      %add3A_221 = vector.broadcast %scan3A_217 : i32 to vector<16xi32>
      %add3A_222 = arith.addi %mul3A_74, %add3A_221 : vector<16xi32>
      %shift_right_logical3A_223 = arith.constant 7 : i32
      %shift_right_logical3A_224 = vector.broadcast %shift_right_logical3A_223 : i32 to vector<16xi32>
      %shift_right_logical3A_225 = arith.shrui %add3A_222, %shift_right_logical3A_224 : vector<16xi32>
      %and3A_226 = arith.constant 127 : i32
      %and3A_227 = vector.broadcast %and3A_226 : i32 to vector<16xi32>
      %and3A_228 = arith.andi %add3A_222, %and3A_227 : vector<16xi32>
      tpu.vector_store_idx %arg12[%shift_right_logical3A_225, %and3A_228], %gather3A_220 : memref<416x128xf32, #tpu.memory_space<vmem>>[vector<16xi32>, vector<16xi32>], vector<16xf32>,
      %scan3A_229 = arith.constant 13 : i32
      %add3A_230 = vector.broadcast %scan3A_229 : i32 to vector<16xi32>
      %add3A_231 = arith.addi %mul3A_69, %add3A_230 : vector<16xi32>
      %gather3A_232 = tpu.vector_load_idx %arg12[%add3A_66, %add3A_231] : memref<416x128xf32, #tpu.memory_space<vmem>>[vector<16xi32>, vector<16xi32>], vector<16xf32>,
      %add3A_233 = vector.broadcast %scan3A_229 : i32 to vector<16xi32>
      %add3A_234 = arith.addi %mul3A_74, %add3A_233 : vector<16xi32>
      %shift_right_logical3A_235 = arith.constant 7 : i32
      %shift_right_logical3A_236 = vector.broadcast %shift_right_logical3A_235 : i32 to vector<16xi32>
      %shift_right_logical3A_237 = arith.shrui %add3A_234, %shift_right_logical3A_236 : vector<16xi32>
      %and3A_238 = arith.constant 127 : i32
      %and3A_239 = vector.broadcast %and3A_238 : i32 to vector<16xi32>
      %and3A_240 = arith.andi %add3A_234, %and3A_239 : vector<16xi32>
      tpu.vector_store_idx %arg12[%shift_right_logical3A_237, %and3A_240], %gather3A_232 : memref<416x128xf32, #tpu.memory_space<vmem>>[vector<16xi32>, vector<16xi32>], vector<16xf32>,
      %scan3A_241 = arith.constant 14 : i32
      %add3A_242 = vector.broadcast %scan3A_241 : i32 to vector<16xi32>
      %add3A_243 = arith.addi %mul3A_69, %add3A_242 : vector<16xi32>
      %gather3A_244 = tpu.vector_load_idx %arg12[%add3A_66, %add3A_243] : memref<416x128xf32, #tpu.memory_space<vmem>>[vector<16xi32>, vector<16xi32>], vector<16xf32>,
      %add3A_245 = vector.broadcast %scan3A_241 : i32 to vector<16xi32>
      %add3A_246 = arith.addi %mul3A_74, %add3A_245 : vector<16xi32>
      %shift_right_logical3A_247 = arith.constant 7 : i32
      %shift_right_logical3A_248 = vector.broadcast %shift_right_logical3A_247 : i32 to vector<16xi32>
      %shift_right_logical3A_249 = arith.shrui %add3A_246, %shift_right_logical3A_248 : vector<16xi32>
      %and3A_250 = arith.constant 127 : i32
      %and3A_251 = vector.broadcast %and3A_250 : i32 to vector<16xi32>
      %and3A_252 = arith.andi %add3A_246, %and3A_251 : vector<16xi32>
      tpu.vector_store_idx %arg12[%shift_right_logical3A_249, %and3A_252], %gather3A_244 : memref<416x128xf32, #tpu.memory_space<vmem>>[vector<16xi32>, vector<16xi32>], vector<16xf32>,
      %scan3A_253 = arith.constant 15 : i32
      %add3A_254 = vector.broadcast %scan3A_253 : i32 to vector<16xi32>
      %add3A_255 = arith.addi %mul3A_69, %add3A_254 : vector<16xi32>
      %gather3A_256 = tpu.vector_load_idx %arg12[%add3A_66, %add3A_255] : memref<416x128xf32, #tpu.memory_space<vmem>>[vector<16xi32>, vector<16xi32>], vector<16xf32>,
      %add3A_257 = vector.broadcast %scan3A_253 : i32 to vector<16xi32>
      %add3A_258 = arith.addi %mul3A_74, %add3A_257 : vector<16xi32>
      %shift_right_logical3A_259 = arith.constant 7 : i32
      %shift_right_logical3A_260 = vector.broadcast %shift_right_logical3A_259 : i32 to vector<16xi32>
      %shift_right_logical3A_261 = arith.shrui %add3A_258, %shift_right_logical3A_260 : vector<16xi32>
      %and3A_262 = arith.constant 127 : i32
      %and3A_263 = vector.broadcast %and3A_262 : i32 to vector<16xi32>
      %and3A_264 = arith.andi %add3A_258, %and3A_263 : vector<16xi32>
      tpu.vector_store_idx %arg12[%shift_right_logical3A_261, %and3A_264], %gather3A_256 : memref<416x128xf32, #tpu.memory_space<vmem>>[vector<16xi32>, vector<16xi32>], vector<16xf32>,
      %scan3A_265 = arith.constant 16 : i32
      %add3A_266 = vector.broadcast %scan3A_265 : i32 to vector<16xi32>
      %add3A_267 = arith.addi %mul3A_69, %add3A_266 : vector<16xi32>
      %gather3A_268 = tpu.vector_load_idx %arg12[%add3A_66, %add3A_267] : memref<416x128xf32, #tpu.memory_space<vmem>>[vector<16xi32>, vector<16xi32>], vector<16xf32>,
      %add3A_269 = vector.broadcast %scan3A_265 : i32 to vector<16xi32>
      %add3A_270 = arith.addi %mul3A_74, %add3A_269 : vector<16xi32>
      %shift_right_logical3A_271 = arith.constant 7 : i32
      %shift_right_logical3A_272 = vector.broadcast %shift_right_logical3A_271 : i32 to vector<16xi32>
      %shift_right_logical3A_273 = arith.shrui %add3A_270, %shift_right_logical3A_272 : vector<16xi32>
      %and3A_274 = arith.constant 127 : i32
      %and3A_275 = vector.broadcast %and3A_274 : i32 to vector<16xi32>
      %and3A_276 = arith.andi %add3A_270, %and3A_275 : vector<16xi32>
      tpu.vector_store_idx %arg12[%shift_right_logical3A_273, %and3A_276], %gather3A_268 : memref<416x128xf32, #tpu.memory_space<vmem>>[vector<16xi32>, vector<16xi32>], vector<16xf32>,
      %scan3A_277 = arith.constant 17 : i32
      %add3A_278 = vector.broadcast %scan3A_277 : i32 to vector<16xi32>
      %add3A_279 = arith.addi %mul3A_69, %add3A_278 : vector<16xi32>
      %gather3A_280 = tpu.vector_load_idx %arg12[%add3A_66, %add3A_279] : memref<416x128xf32, #tpu.memory_space<vmem>>[vector<16xi32>, vector<16xi32>], vector<16xf32>,
      %add3A_281 = vector.broadcast %scan3A_277 : i32 to vector<16xi32>
      %add3A_282 = arith.addi %mul3A_74, %add3A_281 : vector<16xi32>
      %shift_right_logical3A_283 = arith.constant 7 : i32
      %shift_right_logical3A_284 = vector.broadcast %shift_right_logical3A_283 : i32 to vector<16xi32>
      %shift_right_logical3A_285 = arith.shrui %add3A_282, %shift_right_logical3A_284 : vector<16xi32>
      %and3A_286 = arith.constant 127 : i32
      %and3A_287 = vector.broadcast %and3A_286 : i32 to vector<16xi32>
      %and3A_288 = arith.andi %add3A_282, %and3A_287 : vector<16xi32>
      tpu.vector_store_idx %arg12[%shift_right_logical3A_285, %and3A_288], %gather3A_280 : memref<416x128xf32, #tpu.memory_space<vmem>>[vector<16xi32>, vector<16xi32>], vector<16xf32>,
      %scan3A_289 = arith.constant 18 : i32
      %add3A_290 = vector.broadcast %scan3A_289 : i32 to vector<16xi32>
      %add3A_291 = arith.addi %mul3A_69, %add3A_290 : vector<16xi32>
      %gather3A_292 = tpu.vector_load_idx %arg12[%add3A_66, %add3A_291] : memref<416x128xf32, #tpu.memory_space<vmem>>[vector<16xi32>, vector<16xi32>], vector<16xf32>,
      %add3A_293 = vector.broadcast %scan3A_289 : i32 to vector<16xi32>
      %add3A_294 = arith.addi %mul3A_74, %add3A_293 : vector<16xi32>
      %shift_right_logical3A_295 = arith.constant 7 : i32
      %shift_right_logical3A_296 = vector.broadcast %shift_right_logical3A_295 : i32 to vector<16xi32>
      %shift_right_logical3A_297 = arith.shrui %add3A_294, %shift_right_logical3A_296 : vector<16xi32>
      %and3A_298 = arith.constant 127 : i32
      %and3A_299 = vector.broadcast %and3A_298 : i32 to vector<16xi32>
      %and3A_300 = arith.andi %add3A_294, %and3A_299 : vector<16xi32>
      tpu.vector_store_idx %arg12[%shift_right_logical3A_297, %and3A_300], %gather3A_292 : memref<416x128xf32, #tpu.memory_space<vmem>>[vector<16xi32>, vector<16xi32>], vector<16xf32>,
      %scan3A_301 = arith.constant 19 : i32
      %add3A_302 = vector.broadcast %scan3A_301 : i32 to vector<16xi32>
      %add3A_303 = arith.addi %mul3A_69, %add3A_302 : vector<16xi32>
      %gather3A_304 = tpu.vector_load_idx %arg12[%add3A_66, %add3A_303] : memref<416x128xf32, #tpu.memory_space<vmem>>[vector<16xi32>, vector<16xi32>], vector<16xf32>,
      %add3A_305 = vector.broadcast %scan3A_301 : i32 to vector<16xi32>
      %add3A_306 = arith.addi %mul3A_74, %add3A_305 : vector<16xi32>
      %shift_right_logical3A_307 = arith.constant 7 : i32
      %shift_right_logical3A_308 = vector.broadcast %shift_right_logical3A_307 : i32 to vector<16xi32>
      %shift_right_logical3A_309 = arith.shrui %add3A_306, %shift_right_logical3A_308 : vector<16xi32>
      %and3A_310 = arith.constant 127 : i32
      %and3A_311 = vector.broadcast %and3A_310 : i32 to vector<16xi32>
      %and3A_312 = arith.andi %add3A_306, %and3A_311 : vector<16xi32>
      tpu.vector_store_idx %arg12[%shift_right_logical3A_309, %and3A_312], %gather3A_304 : memref<416x128xf32, #tpu.memory_space<vmem>>[vector<16xi32>, vector<16xi32>], vector<16xf32>,
      %scan3A_313 = arith.constant 20 : i32
      %add3A_314 = vector.broadcast %scan3A_313 : i32 to vector<16xi32>
      %add3A_315 = arith.addi %mul3A_69, %add3A_314 : vector<16xi32>
      %gather3A_316 = tpu.vector_load_idx %arg12[%add3A_66, %add3A_315] : memref<416x128xf32, #tpu.memory_space<vmem>>[vector<16xi32>, vector<16xi32>], vector<16xf32>,
      %add3A_317 = vector.broadcast %scan3A_313 : i32 to vector<16xi32>
      %add3A_318 = arith.addi %mul3A_74, %add3A_317 : vector<16xi32>
      %shift_right_logical3A_319 = arith.constant 7 : i32
      %shift_right_logical3A_320 = vector.broadcast %shift_right_logical3A_319 : i32 to vector<16xi32>
      %shift_right_logical3A_321 = arith.shrui %add3A_318, %shift_right_logical3A_320 : vector<16xi32>
      %and3A_322 = arith.constant 127 : i32
      %and3A_323 = vector.broadcast %and3A_322 : i32 to vector<16xi32>
      %and3A_324 = arith.andi %add3A_318, %and3A_323 : vector<16xi32>
      tpu.vector_store_idx %arg12[%shift_right_logical3A_321, %and3A_324], %gather3A_316 : memref<416x128xf32, #tpu.memory_space<vmem>>[vector<16xi32>, vector<16xi32>], vector<16xf32>,
      %scan3A_325 = arith.constant 21 : i32
      %add3A_326 = vector.broadcast %scan3A_325 : i32 to vector<16xi32>
      %add3A_327 = arith.addi %mul3A_69, %add3A_326 : vector<16xi32>
      %gather3A_328 = tpu.vector_load_idx %arg12[%add3A_66, %add3A_327] : memref<416x128xf32, #tpu.memory_space<vmem>>[vector<16xi32>, vector<16xi32>], vector<16xf32>,
      %add3A_329 = vector.broadcast %scan3A_325 : i32 to vector<16xi32>
      %add3A_330 = arith.addi %mul3A_74, %add3A_329 : vector<16xi32>
      %shift_right_logical3A_331 = arith.constant 7 : i32
      %shift_right_logical3A_332 = vector.broadcast %shift_right_logical3A_331 : i32 to vector<16xi32>
      %shift_right_logical3A_333 = arith.shrui %add3A_330, %shift_right_logical3A_332 : vector<16xi32>
      %and3A_334 = arith.constant 127 : i32
      %and3A_335 = vector.broadcast %and3A_334 : i32 to vector<16xi32>
      %and3A_336 = arith.andi %add3A_330, %and3A_335 : vector<16xi32>
      tpu.vector_store_idx %arg12[%shift_right_logical3A_333, %and3A_336], %gather3A_328 : memref<416x128xf32, #tpu.memory_space<vmem>>[vector<16xi32>, vector<16xi32>], vector<16xf32>,
      %scan3A_337 = arith.constant 22 : i32
      %add3A_338 = vector.broadcast %scan3A_337 : i32 to vector<16xi32>
      %add3A_339 = arith.addi %mul3A_69, %add3A_338 : vector<16xi32>
      %gather3A_340 = tpu.vector_load_idx %arg12[%add3A_66, %add3A_339] : memref<416x128xf32, #tpu.memory_space<vmem>>[vector<16xi32>, vector<16xi32>], vector<16xf32>,
      %add3A_341 = vector.broadcast %scan3A_337 : i32 to vector<16xi32>
      %add3A_342 = arith.addi %mul3A_74, %add3A_341 : vector<16xi32>
      %shift_right_logical3A_343 = arith.constant 7 : i32
      %shift_right_logical3A_344 = vector.broadcast %shift_right_logical3A_343 : i32 to vector<16xi32>
      %shift_right_logical3A_345 = arith.shrui %add3A_342, %shift_right_logical3A_344 : vector<16xi32>
      %and3A_346 = arith.constant 127 : i32
      %and3A_347 = vector.broadcast %and3A_346 : i32 to vector<16xi32>
      %and3A_348 = arith.andi %add3A_342, %and3A_347 : vector<16xi32>
      tpu.vector_store_idx %arg12[%shift_right_logical3A_345, %and3A_348], %gather3A_340 : memref<416x128xf32, #tpu.memory_space<vmem>>[vector<16xi32>, vector<16xi32>], vector<16xf32>,
      %scan3A_349 = arith.constant 23 : i32
      %add3A_350 = vector.broadcast %scan3A_349 : i32 to vector<16xi32>
      %add3A_351 = arith.addi %mul3A_69, %add3A_350 : vector<16xi32>
      %gather3A_352 = tpu.vector_load_idx %arg12[%add3A_66, %add3A_351] : memref<416x128xf32, #tpu.memory_space<vmem>>[vector<16xi32>, vector<16xi32>], vector<16xf32>,
      %add3A_353 = vector.broadcast %scan3A_349 : i32 to vector<16xi32>
      %add3A_354 = arith.addi %mul3A_74, %add3A_353 : vector<16xi32>
      %shift_right_logical3A_355 = arith.constant 7 : i32
      %shift_right_logical3A_356 = vector.broadcast %shift_right_logical3A_355 : i32 to vector<16xi32>
      %shift_right_logical3A_357 = arith.shrui %add3A_354, %shift_right_logical3A_356 : vector<16xi32>
      %and3A_358 = arith.constant 127 : i32
      %and3A_359 = vector.broadcast %and3A_358 : i32 to vector<16xi32>
      %and3A_360 = arith.andi %add3A_354, %and3A_359 : vector<16xi32>
      tpu.vector_store_idx %arg12[%shift_right_logical3A_357, %and3A_360], %gather3A_352 : memref<416x128xf32, #tpu.memory_space<vmem>>[vector<16xi32>, vector<16xi32>], vector<16xf32>,
      %scan3A_361 = arith.constant 24 : i32
      %add3A_362 = vector.broadcast %scan3A_361 : i32 to vector<16xi32>
      %add3A_363 = arith.addi %mul3A_69, %add3A_362 : vector<16xi32>
      %gather3A_364 = tpu.vector_load_idx %arg12[%add3A_66, %add3A_363] : memref<416x128xf32, #tpu.memory_space<vmem>>[vector<16xi32>, vector<16xi32>], vector<16xf32>,
      %add3A_365 = vector.broadcast %scan3A_361 : i32 to vector<16xi32>
      %add3A_366 = arith.addi %mul3A_74, %add3A_365 : vector<16xi32>
      %shift_right_logical3A_367 = arith.constant 7 : i32
      %shift_right_logical3A_368 = vector.broadcast %shift_right_logical3A_367 : i32 to vector<16xi32>
      %shift_right_logical3A_369 = arith.shrui %add3A_366, %shift_right_logical3A_368 : vector<16xi32>
      %and3A_370 = arith.constant 127 : i32
      %and3A_371 = vector.broadcast %and3A_370 : i32 to vector<16xi32>
      %and3A_372 = arith.andi %add3A_366, %and3A_371 : vector<16xi32>
      tpu.vector_store_idx %arg12[%shift_right_logical3A_369, %and3A_372], %gather3A_364 : memref<416x128xf32, #tpu.memory_space<vmem>>[vector<16xi32>, vector<16xi32>], vector<16xf32>,
      %scan3A_373 = arith.constant 25 : i32
      %add3A_374 = vector.broadcast %scan3A_373 : i32 to vector<16xi32>
      %add3A_375 = arith.addi %mul3A_69, %add3A_374 : vector<16xi32>
      %gather3A_376 = tpu.vector_load_idx %arg12[%add3A_66, %add3A_375] : memref<416x128xf32, #tpu.memory_space<vmem>>[vector<16xi32>, vector<16xi32>], vector<16xf32>,
      %add3A_377 = vector.broadcast %scan3A_373 : i32 to vector<16xi32>
      %add3A_378 = arith.addi %mul3A_74, %add3A_377 : vector<16xi32>
      %shift_right_logical3A_379 = arith.constant 7 : i32
      %shift_right_logical3A_380 = vector.broadcast %shift_right_logical3A_379 : i32 to vector<16xi32>
      %shift_right_logical3A_381 = arith.shrui %add3A_378, %shift_right_logical3A_380 : vector<16xi32>
      %and3A_382 = arith.constant 127 : i32
      %and3A_383 = vector.broadcast %and3A_382 : i32 to vector<16xi32>
      %and3A_384 = arith.andi %add3A_378, %and3A_383 : vector<16xi32>
      tpu.vector_store_idx %arg12[%shift_right_logical3A_381, %and3A_384], %gather3A_376 : memref<416x128xf32, #tpu.memory_space<vmem>>[vector<16xi32>, vector<16xi32>], vector<16xf32>,
      %scan3A_385 = arith.constant 26 : i32
      %add3A_386 = vector.broadcast %scan3A_385 : i32 to vector<16xi32>
      %add3A_387 = arith.addi %mul3A_69, %add3A_386 : vector<16xi32>
      %gather3A_388 = tpu.vector_load_idx %arg12[%add3A_66, %add3A_387] : memref<416x128xf32, #tpu.memory_space<vmem>>[vector<16xi32>, vector<16xi32>], vector<16xf32>,
      %add3A_389 = vector.broadcast %scan3A_385 : i32 to vector<16xi32>
      %add3A_390 = arith.addi %mul3A_74, %add3A_389 : vector<16xi32>
      %shift_right_logical3A_391 = arith.constant 7 : i32
      %shift_right_logical3A_392 = vector.broadcast %shift_right_logical3A_391 : i32 to vector<16xi32>
      %shift_right_logical3A_393 = arith.shrui %add3A_390, %shift_right_logical3A_392 : vector<16xi32>
      %and3A_394 = arith.constant 127 : i32
      %and3A_395 = vector.broadcast %and3A_394 : i32 to vector<16xi32>
      %and3A_396 = arith.andi %add3A_390, %and3A_395 : vector<16xi32>
      tpu.vector_store_idx %arg12[%shift_right_logical3A_393, %and3A_396], %gather3A_388 : memref<416x128xf32, #tpu.memory_space<vmem>>[vector<16xi32>, vector<16xi32>], vector<16xf32>,
      %scan3A_397 = arith.constant 27 : i32
      %add3A_398 = vector.broadcast %scan3A_397 : i32 to vector<16xi32>
      %add3A_399 = arith.addi %mul3A_69, %add3A_398 : vector<16xi32>
      %gather3A_400 = tpu.vector_load_idx %arg12[%add3A_66, %add3A_399] : memref<416x128xf32, #tpu.memory_space<vmem>>[vector<16xi32>, vector<16xi32>], vector<16xf32>,
      %add3A_401 = vector.broadcast %scan3A_397 : i32 to vector<16xi32>
      %add3A_402 = arith.addi %mul3A_74, %add3A_401 : vector<16xi32>
      %shift_right_logical3A_403 = arith.constant 7 : i32
      %shift_right_logical3A_404 = vector.broadcast %shift_right_logical3A_403 : i32 to vector<16xi32>
      %shift_right_logical3A_405 = arith.shrui %add3A_402, %shift_right_logical3A_404 : vector<16xi32>
      %and3A_406 = arith.constant 127 : i32
      %and3A_407 = vector.broadcast %and3A_406 : i32 to vector<16xi32>
      %and3A_408 = arith.andi %add3A_402, %and3A_407 : vector<16xi32>
      tpu.vector_store_idx %arg12[%shift_right_logical3A_405, %and3A_408], %gather3A_400 : memref<416x128xf32, #tpu.memory_space<vmem>>[vector<16xi32>, vector<16xi32>], vector<16xf32>,
      %scan3A_409 = arith.constant 28 : i32
      %add3A_410 = vector.broadcast %scan3A_409 : i32 to vector<16xi32>
      %add3A_411 = arith.addi %mul3A_69, %add3A_410 : vector<16xi32>
      %gather3A_412 = tpu.vector_load_idx %arg12[%add3A_66, %add3A_411] : memref<416x128xf32, #tpu.memory_space<vmem>>[vector<16xi32>, vector<16xi32>], vector<16xf32>,
      %add3A_413 = vector.broadcast %scan3A_409 : i32 to vector<16xi32>
      %add3A_414 = arith.addi %mul3A_74, %add3A_413 : vector<16xi32>
      %shift_right_logical3A_415 = arith.constant 7 : i32
      %shift_right_logical3A_416 = vector.broadcast %shift_right_logical3A_415 : i32 to vector<16xi32>
      %shift_right_logical3A_417 = arith.shrui %add3A_414, %shift_right_logical3A_416 : vector<16xi32>
      %and3A_418 = arith.constant 127 : i32
      %and3A_419 = vector.broadcast %and3A_418 : i32 to vector<16xi32>
      %and3A_420 = arith.andi %add3A_414, %and3A_419 : vector<16xi32>
      tpu.vector_store_idx %arg12[%shift_right_logical3A_417, %and3A_420], %gather3A_412 : memref<416x128xf32, #tpu.memory_space<vmem>>[vector<16xi32>, vector<16xi32>], vector<16xf32>,
      %scan3A_421 = arith.constant 29 : i32
      %add3A_422 = vector.broadcast %scan3A_421 : i32 to vector<16xi32>
      %add3A_423 = arith.addi %mul3A_69, %add3A_422 : vector<16xi32>
      %gather3A_424 = tpu.vector_load_idx %arg12[%add3A_66, %add3A_423] : memref<416x128xf32, #tpu.memory_space<vmem>>[vector<16xi32>, vector<16xi32>], vector<16xf32>,
      %add3A_425 = vector.broadcast %scan3A_421 : i32 to vector<16xi32>
      %add3A_426 = arith.addi %mul3A_74, %add3A_425 : vector<16xi32>
      %shift_right_logical3A_427 = arith.constant 7 : i32
      %shift_right_logical3A_428 = vector.broadcast %shift_right_logical3A_427 : i32 to vector<16xi32>
      %shift_right_logical3A_429 = arith.shrui %add3A_426, %shift_right_logical3A_428 : vector<16xi32>
      %and3A_430 = arith.constant 127 : i32
      %and3A_431 = vector.broadcast %and3A_430 : i32 to vector<16xi32>
      %and3A_432 = arith.andi %add3A_426, %and3A_431 : vector<16xi32>
      tpu.vector_store_idx %arg12[%shift_right_logical3A_429, %and3A_432], %gather3A_424 : memref<416x128xf32, #tpu.memory_space<vmem>>[vector<16xi32>, vector<16xi32>], vector<16xf32>,
      %scan3A_433 = arith.constant 30 : i32
      %add3A_434 = vector.broadcast %scan3A_433 : i32 to vector<16xi32>
      %add3A_435 = arith.addi %mul3A_69, %add3A_434 : vector<16xi32>
      %gather3A_436 = tpu.vector_load_idx %arg12[%add3A_66, %add3A_435] : memref<416x128xf32, #tpu.memory_space<vmem>>[vector<16xi32>, vector<16xi32>], vector<16xf32>,
      %add3A_437 = vector.broadcast %scan3A_433 : i32 to vector<16xi32>
      %add3A_438 = arith.addi %mul3A_74, %add3A_437 : vector<16xi32>
      %shift_right_logical3A_439 = arith.constant 7 : i32
      %shift_right_logical3A_440 = vector.broadcast %shift_right_logical3A_439 : i32 to vector<16xi32>
      %shift_right_logical3A_441 = arith.shrui %add3A_438, %shift_right_logical3A_440 : vector<16xi32>
      %and3A_442 = arith.constant 127 : i32
      %and3A_443 = vector.broadcast %and3A_442 : i32 to vector<16xi32>
      %and3A_444 = arith.andi %add3A_438, %and3A_443 : vector<16xi32>
      tpu.vector_store_idx %arg12[%shift_right_logical3A_441, %and3A_444], %gather3A_436 : memref<416x128xf32, #tpu.memory_space<vmem>>[vector<16xi32>, vector<16xi32>], vector<16xf32>,
      %scan3A_445 = arith.constant 31 : i32
      %add3A_446 = vector.broadcast %scan3A_445 : i32 to vector<16xi32>
      %add3A_447 = arith.addi %mul3A_69, %add3A_446 : vector<16xi32>
      %gather3A_448 = tpu.vector_load_idx %arg12[%add3A_66, %add3A_447] : memref<416x128xf32, #tpu.memory_space<vmem>>[vector<16xi32>, vector<16xi32>], vector<16xf32>,
      %add3A_449 = vector.broadcast %scan3A_445 : i32 to vector<16xi32>
      %add3A_450 = arith.addi %mul3A_74, %add3A_449 : vector<16xi32>
      %shift_right_logical3A_451 = arith.constant 7 : i32
      %shift_right_logical3A_452 = vector.broadcast %shift_right_logical3A_451 : i32 to vector<16xi32>
      %shift_right_logical3A_453 = arith.shrui %add3A_450, %shift_right_logical3A_452 : vector<16xi32>
      %and3A_454 = arith.constant 127 : i32
      %and3A_455 = vector.broadcast %and3A_454 : i32 to vector<16xi32>
      %and3A_456 = arith.andi %add3A_450, %and3A_455 : vector<16xi32>
      tpu.vector_store_idx %arg12[%shift_right_logical3A_453, %and3A_456], %gather3A_448 : memref<416x128xf32, #tpu.memory_space<vmem>>[vector<16xi32>, vector<16xi32>], vector<16xf32>,
      %scan3A_457 = arith.constant 32 : i32
    }
    %scan3A_24 = arith.constant 26 : i32
    %add3A_25 = arith.constant 16536 : i32
    %add3A_26 = arith.addi %mul3A_4, %add3A_25 : i32
    %dma_start3A_27 = arith.constant 0 : i32
    %dma_start3A_28 = arith.constant 0 : i32
    %dma_start3A_29 = tpu.memref_slice %arg12[%dma_start3A_27, %dma_start3A_28] : memref<416x128xf32, #tpu.memory_space<vmem>> -> memref<104x128xf32, #tpu.memory_space<vmem>>
    %dma_start3A_30 = arith.constant 0 : i32
    %dma_start3A_31 = tpu.memref_slice %arg5[%add3A_26, %dma_start3A_30] : memref<532480x128xf32, #tpu.memory_space<hbm>> -> memref<104x128xf32, #tpu.memory_space<hbm>>
    %dma_start3A_32 = arith.constant 0 : i32
    %dma_start3A_33 = tpu.memref_slice %arg5[%add3A_26, %dma_start3A_32] : memref<532480x128xf32, #tpu.memory_space<hbm>> -> memref<104x128xf32, #tpu.memory_space<hbm>>
    %dma_start3A_34 = arith.constant 0 : i32
    %dma_start3A_35 = arith.constant 0 : i32
    %dma_start3A_36 = tpu.memref_slice %arg12[%dma_start3A_34, %dma_start3A_35] : memref<416x128xf32, #tpu.memory_space<vmem>> -> memref<104x128xf32, #tpu.memory_space<vmem>>
    tpu.enqueue_dma source(%dma_start3A_36 : memref<104x128xf32, #tpu.memory_space<vmem>>) target(%dma_start3A_33 : memref<104x128xf32, #tpu.memory_space<hbm>>) target_semaphore(%arg18 : memref<!tpu.dma_semaphore, #tpu.memory_space<semaphore_mem>>)
    %add3A_37 = arith.constant 16432 : i32
    %add3A_38 = arith.addi %mul3A_4, %add3A_37 : i32
    %dma_wait3A_39 = arith.constant 0 : i32
    %dma_wait3A_40 = arith.constant 0 : i32
    %dma_wait3A_41 = tpu.memref_slice %arg11[%dma_wait3A_39, %dma_wait3A_40] : memref<416x128xf32, #tpu.memory_space<vmem>> -> memref<104x128xf32, #tpu.memory_space<vmem>>
    %dma_wait3A_42 = arith.constant 0 : i32
    %dma_wait3A_43 = tpu.memref_slice %arg5[%add3A_38, %dma_wait3A_42] : memref<532480x128xf32, #tpu.memory_space<hbm>> -> memref<104x128xf32, #tpu.memory_space<hbm>>
    %dma_wait3A_44 = arith.constant 0 : i32
    %dma_wait3A_45 = tpu.memref_slice %arg5[%add3A_38, %dma_wait3A_44] : memref<532480x128xf32, #tpu.memory_space<hbm>> -> memref<104x128xf32, #tpu.memory_space<hbm>>
    %dma_wait3A_46 = arith.constant 0 : i32
    %dma_wait3A_47 = arith.constant 0 : i32
    %dma_wait3A_48 = tpu.memref_slice %arg11[%dma_wait3A_46, %dma_wait3A_47] : memref<416x128xf32, #tpu.memory_space<vmem>> -> memref<104x128xf32, #tpu.memory_space<vmem>>
    tpu.wait_dma2 semaphore(%arg17 : memref<!tpu.dma_semaphore, #tpu.memory_space<semaphore_mem>>) src(%dma_wait3A_48 : memref<104x128xf32, #tpu.memory_space<vmem>>) dst(%dma_wait3A_45 : memref<104x128xf32, #tpu.memory_space<hbm>>)
    %add3A_49 = arith.constant 16536 : i32
    %add3A_50 = arith.addi %mul3A_4, %add3A_49 : i32
    %dma_wait3A_51 = arith.constant 0 : i32
    %dma_wait3A_52 = arith.constant 0 : i32
    %dma_wait3A_53 = tpu.memref_slice %arg12[%dma_wait3A_51, %dma_wait3A_52] : memref<416x128xf32, #tpu.memory_space<vmem>> -> memref<104x128xf32, #tpu.memory_space<vmem>>
    %dma_wait3A_54 = arith.constant 0 : i32
    %dma_wait3A_55 = tpu.memref_slice %arg5[%add3A_50, %dma_wait3A_54] : memref<532480x128xf32, #tpu.memory_space<hbm>> -> memref<104x128xf32, #tpu.memory_space<hbm>>
    %dma_wait3A_56 = arith.constant 0 : i32
    %dma_wait3A_57 = tpu.memref_slice %arg5[%add3A_50, %dma_wait3A_56] : memref<532480x128xf32, #tpu.memory_space<hbm>> -> memref<104x128xf32, #tpu.memory_space<hbm>>
    %dma_wait3A_58 = arith.constant 0 : i32
    %dma_wait3A_59 = arith.constant 0 : i32
    %dma_wait3A_60 = tpu.memref_slice %arg12[%dma_wait3A_58, %dma_wait3A_59] : memref<416x128xf32, #tpu.memory_space<vmem>> -> memref<104x128xf32, #tpu.memory_space<vmem>>
    tpu.wait_dma2 semaphore(%arg18 : memref<!tpu.dma_semaphore, #tpu.memory_space<semaphore_mem>>) src(%dma_wait3A_60 : memref<104x128xf32, #tpu.memory_space<vmem>>) dst(%dma_wait3A_57 : memref<104x128xf32, #tpu.memory_space<hbm>>)
    return
  }
}

</mosaic_0001>

<sc_bundles>
// kernel: kernel.3.cloned.1.call-start
scs
__scs_entry_jumppad:
0x0: {  	(pc) =	sbr.rel $0x88, $3  }
0x1: {  	(tag) =	ssettag $0x0;
	lr =	simm.s32 $0x1  }
0x2: {  	[smem:$0x3F9F] =	sst lr;
	_ =	strace $0xD0000000  }
0x3: {  	_ = 	snop  }
0x4: {  	_ = 	snop  }
0x5: {  	_ = 	snop  }
0x6: {  	_ = 	snop  }
0x7: {  	_ = 	snop  }
__scs_overlays_trampoline_lowered:
0x8: {  	[smem:$0x3FAE] =	sst s0  }
0x9: {  	[smem:$0x3FAF] =	sst s1  }
0xa: {  	[smem:$0x3FB0] =	sst s2  }
0xb: {  	[smem:$0x3FB1] =	sst s3  }
0xc: {  	[smem:$0x3FB2] =	sst s4  }
0xd: {  	[smem:$0x3FB3] =	sst s5  }
0xe: {  	[smem:$0x3FB4] =	sst s6  }
0xf: {  	[smem:$0x3FB5] =	sst s7  }
0x10: {  	[smem:$0x3FB6] =	sst s8  }
0x11: {  	[smem:$0x3FB7] =	sst s9;
	s0 =	simm.s32 @!p0 $0x0  }
0x12: {  	s1 =	sld [smem:$0x3F9D];
	s0 =	simm.s32 @p0 $0x1  }
0x13: {  	[smem:$0x3FB8] =	sst s0;
	s0 =	simm.s32 @!p1 $0x0  }
0x14: {  	s2 =	sld [smem:$0x3F9C];
	s0 =	simm.s32 @p1 $0x1  }
0x15: {  	[smem:$0x3FB9] =	sst s0;
	s0 =	simm.s32 @!p2 $0x0  }
0x16: {  	s3 =	sld [smem:$0x3FDB];
	s0 =	simm.s32 @p2 $0x1  }
0x17: {  	s4 =	simm.s32 $0x1BF5;
	[smem:$0x3FBB] =	sst s0  }
0x18: {  	s0 =	sld [smem:$0x3F9E];
	_ =	swait.ge [sflag:s4], $0x0  }
0x19: {  	s7 =	sld [smem:$0x3F9F]  }
0x1a: {  	s8 =	sadd.s32 $0xFFFFE003, lr  }
0x1b: {  	s9 =	sadd.s32 $0xFFFFFEF7, lr;
	s5 =	simm.s32 $0xFFFFFFFF;
	p2 =	slt.u32 s8, $0xFFFFF086  }
0x1c: {  	p1 =	slt.u32 s9, $0xF7A;
	s5 =	simm.s32 @!p2 $0x0  }
0x1d: {  	s5 =	simm.s32 @p1 $0x1;
	p0 =	seq.s32 s7, s2  }
0x1e: {  	s7 =	smul.u32 @!p0 $0xF7A, s2;
	p2 =	seq.s32 @!p0 s5, $0x0  }
0x1f: {  	s9 =	smul.u32 $0xF7A, s1;
	s8 =	simm.s32 @!p0 $0x1BF5;
	p2 =	por !p2, p0  }
0x20: {  	[sflag:s8] =	ssyncset.s32 @!p0 $0xFFFFF086;
	s6 =	sadd.s32 @!p0 s3, s7;
	s7 =	simm.s32 @!p0 $0x108  }
0x21: {  	s3 =	sadd.s32 s3, s9;
	s6 =	sadd.s32 @!p0 $0x88, s6;
	s7 =	simm.s32 @p2 $0x1082  }
0x22: {  	[simem:s7], [sflag:s8] =	dma.local @!p0 [hbm:s6], $0xF7A  }
0x23: {  	s9 =	sor.u32 $0xD0000000, s2;
	s6 =	simm.s32 $0x108;
	_ =	swait.ge @!p0 [sflag:s8], $0x0  }
0x24: {  	s3 =	sadd.s32 $0x88, s3;
	s6 =	simm.s32 @!p1 $0x1082;
	[sflag:s4] =	ssyncset.s32 $0xFFFFF086  }
0x25: {  	[simem:s6], [sflag:s4] =	dma.local [hbm:s3], $0xF7A  }
0x26: {  	[smem:$0x3F9F] =	sst s1;
	(tag) =	ssettag s2;
	_ =	strace s9  }
0x27: {  	s1 =	sld [smem:$0x3FAF]  }
0x28: {  	s2 =	sld [smem:$0x3FB0]  }
0x29: {  	s4 =	sld [smem:$0x3FB2]  }
0x2a: {  	p0 =	seq.s32 s5, $0x0;
	s5 =	sld [smem:$0x3FB3]  }
0x2b: {  	s6 =	sld [smem:$0x3FB4]  }
0x2c: {  	s7 =	sld [smem:$0x3FB5]  }
0x2d: {  	s3 =	simm.s32 $0x108;
	s8 =	sld [smem:$0x3FB6]  }
0x2e: {  	s3 =	simm.s32 @!p0 $0x1082;
	s9 =	sld [smem:$0x3FB7]  }
0x2f: {  	lr =	sadd.s32 s0, s3;
	s0 =	sld [smem:$0x3FAE]  }
0x30: {  	s3 =	sld [smem:$0x3FB1]  }
0x31: {  	[smem:$0x3FBA] =	sst s10  }
0x32: {  	s10 =	sld [smem:$0x3FB8];
	_ =	sdelay $0x3  }
0x33: {  	p0 =	seq.s32 s10, $0x1;
	s10 =	sld [smem:$0x3FBA];
	_ =	sdelay $0x3  }
0x34: {  	[smem:$0x3FBA] =	sst s10  }
0x35: {  	s10 =	sld [smem:$0x3FB9];
	_ =	sdelay $0x3  }
0x36: {  	p1 =	seq.s32 s10, $0x1;
	s10 =	sld [smem:$0x3FBA];
	_ =	sdelay $0x3  }
0x37: {  	[smem:$0x3FBA] =	sst s10  }
0x38: {  	s10 =	sld [smem:$0x3FBB]  }
0x39: {  	_ = 	snop;
	(pc) =	sbr.ind lr, $3  }
0x3a: {  	_ = 	snop  }
0x3b: {  	_ = 	snop  }
0x3c: {  	p2 =	seq.s32 s10, $0x1;
	s10 =	sld [smem:$0x3FBA]  }
0x3d: {  	_ =	shalt  }
0x3e: {  	_ =	shalt  }
0x3f: {  	_ =	shalt  }
0x40: {  	_ =	shalt  }
0x41: {  	_ =	shalt  }
0x42: {  	_ =	shalt  }
0x43: {  	_ =	shalt  }
0x44: {  	_ =	shalt  }
0x45: {  	_ =	shalt  }
0x46: {  	_ =	shalt  }
0x47: {  	_ =	shalt  }
0x48: {  	_ =	shalt  }
0x49: {  	_ =	shalt  }
0x4a: {  	_ =	shalt  }
0x4b: {  	_ =	shalt  }
0x4c: {  	_ =	shalt  }
0x4d: {  	_ =	shalt  }
0x4e: {  	_ =	shalt  }
0x4f: {  	_ =	shalt  }
0x50: {  	_ =	shalt  }
0x51: {  	_ =	shalt  }
0x52: {  	_ =	shalt  }
0x53: {  	_ =	shalt  }
0x54: {  	_ =	shalt  }
0x55: {  	_ =	shalt  }
0x56: {  	_ =	shalt  }
0x57: {  	_ =	shalt  }
0x58: {  	_ =	shalt  }
0x59: {  	_ =	shalt  }
0x5a: {  	_ =	shalt  }
0x5b: {  	_ =	shalt  }
0x5c: {  	_ =	shalt  }
0x5d: {  	_ =	shalt  }
0x5e: {  	_ =	shalt  }
0x5f: {  	_ =	shalt  }
0x60: {  	_ =	shalt  }
0x61: {  	_ =	shalt  }
0x62: {  	_ =	shalt  }
0x63: {  	_ =	shalt  }
0x64: {  	_ =	shalt  }
0x65: {  	_ =	shalt  }
0x66: {  	_ =	shalt  }
0x67: {  	_ =	shalt  }
0x68: {  	_ =	shalt  }
0x69: {  	_ =	shalt  }
0x6a: {  	_ =	shalt  }
0x6b: {  	_ =	shalt  }
0x6c: {  	_ =	shalt  }
0x6d: {  	_ =	shalt  }
0x6e: {  	_ =	shalt  }
0x6f: {  	_ =	shalt  }
0x70: {  	_ =	shalt  }
0x71: {  	_ =	shalt  }
0x72: {  	_ =	shalt  }
0x73: {  	_ =	shalt  }
0x74: {  	_ =	shalt  }
0x75: {  	_ =	shalt  }
0x76: {  	_ =	shalt  }
0x77: {  	_ =	shalt  }
0x78: {  	_ =	shalt  }
0x79: {  	_ =	shalt  }
0x7a: {  	_ =	shalt  }
0x7b: {  	_ =	shalt  }
0x7c: {  	_ =	shalt  }
0x7d: {  	_ =	shalt  }
0x7e: {  	_ =	shalt  }
0x7f: {  	_ =	shalt  }
0x80: {  	_ =	shalt  }
0x81: {  	_ =	shalt  }
0x82: {  	_ =	shalt  }
0x83: {  	_ =	shalt  }
0x84: {  	_ =	shalt  }
0x85: {  	_ =	shalt  }
0x86: {  	_ =	shalt  }
0x87: {  	_ =	shalt  }
.Lfunc_end0:
.L_simem_size_0:
called_computation.1_lowered:
.L_overlay_start_0:
0x88: {  	s2 =	sld [smem:$0x3FD9]  }
0x89: {  	s3 =	sld [smem:$0x3FFE];
	_ =	sdelay $0x1  }
0x8a: {  	s1 =	srdreg.scid  }
0x8b: {  	s0 =	sand.u32 $0x1, s1  }
0x8c: {  	s17 =	sshll.u32 s0, $0xA;
	s2 =	sadd.s32 s3, s2  }
0x8d: {  	s2 =	sadd.s32 s2, s17  }
0x8e: {  	[smem:$0x3FC6] =	sst s2  }
0x8f: {  	_ = 	snop  }
0x90: {  	s2 =	sld [smem:$0x3FD0];
	(tm) =	ssettm $0x1  }
0x91: {  	s18 =	sld [smem:$0x3FFB];
	_ =	sdelay $0x3  }
0x92: {  	_ =	strace s18  }
0x93: {  	s3 =	sld [smem:$0x3FFC];
	_ =	sdelay $0x3  }
0x94: {  	_ =	strace s3  }
0x95: {  	s3 =	sld [smem:$0x3FFD];
	_ =	sdelay $0x3  }
0x96: {  	_ =	strace s3  }
0x97: {  	_ =	strace $0x8FFFFFFF  }
0x98: {  	s19 =	sld [smem:$0x3FDB];
	_ =	sdelay $0x1  }
0x99: {  	s4 =	simm.s32 $_scs_section_size  }
0x9a: {  	s5 =	simm.s32 $_size__tile_overlayer_lowered;
	s6 =	simm.s32 $_tile_overlayer_lowered  }
0x9b: {  	s22 =	simm.s32 $0x1BFF;
	s21 =	sshll.u32 s6, $0x1;
	s3 =	sadd.s32 s4, s19  }
0x9c: {  	s7 =	simm.s32 $0x0;
	s20 =	sshll.u32 s5, $0x1;
	s5 =	sadd.s32 s21, s3  }
0x9d: {  	[timem:s7], [sflag:s22] =	dma.local [hbm:s5], s20  }
0x9e: {  	_ =	swait.ge [sflag:s22], s20  }
0x9f: {  	s4 =	ssub.s32 $0x0, s20;
	[sflag:s22] =	ssyncset.done $0x0  }
0xa0: {  	[sflag:s22] =	ssyncadd.s32 s4;
	_ =	sdelay $0x1  }
0xa1: {  	s23 =	simm.s32 $0x1B8B  }
0xa2: {  	_ =	swait.ge [sflag:s23], $0x1  }
0xa3: {  	[sflag:s23] =	ssyncset.done $0x0  }
0xa4: {  	s25 =	simm.s32 $0x1B8E;
	s24 =	sld [smem:$0x3FFE];
	[sflag:s23] =	ssyncadd.s32 $0xFFFFFFFF  }
0xa5: {  	s26 =	simm.s32 $execute0_lowered;
	[smem:$0x3FD2] =	sst s25  }
0xa6: {  	s5 =	sshll.u32 s26, $0x1;
	_ =	strace $0x80000046;
	[dreg:$0x1] =	wrdreg $0xFFFFFFFF  }
0xa7: {  	s28 =	simm.s32 $_size_execute0_lowered;
	s3 =	sadd.s32 s3, s5;
	[dreg:$0x0] =	wrdreg $0x0  }
0xa8: {  	s5 =	sshll.u32 s28, $0x1;
	[dreg:$0x2] =	wrdreg s3  }
0xa9: {  	[dreg:$0x3] =	wrdreg s5  }
0xaa: {  	[dreg:$0x4] =	wrdreg $0xC0  }
0xab: {  	_ =	task [dreg:s7], $0x5FFFF  }
0xac: {  	[dreg:$0x1] =	wrdreg $0xFFFFFFFF  }
0xad: {  	[dreg:$0x0] =	wrdreg $0x60  }
0xae: {  	[dreg:$0x2] =	wrdreg s24  }
0xaf: {  	[dreg:$0x3] =	wrdreg s2  }
0xb0: {  	[dreg:$0x4] =	wrdreg $0x9  }
0xb1: {  	_ =	task.clear_ibuf [dreg:s7], $0x5FFFF;
	_ =	strace $0x90000046  }
0xb2: {  	s29 =	simm.s32 $0x9;
	_ =	strace $0x80000048  }
0xb3: {  	_ =	swait.ge [sflag:s29], $0x1  }
0xb4: {  	[sflag:s29] =	ssyncadd.s32 $0xFFFFFFFF  }
0xb5: {  	_ =	strace $0x90000048  }
0xb6: {  	_ =	sfence  }
0xb7: {  	s30 =	sld [smem:$0x0];
	_ =	sdelay $0x2  }
0xb8: {  	s31 =	sshll.u32 s1, $0xD;
	s1 =	sshrl.u32 s1, $0x2  }
0xb9: {  	s3 =	sand.u32 $0x4000, s31;
	s1 =	sadd.s32 s1, s30  }
0xba: {  	s0 =	sor.u32 s3, s0;
	s1 =	sshll.u32 s1, $0x11  }
0xbb: {  	s0 =	sor.u32 s1, s0  }
0xbc: {  	s0 =	sadd.s32 $0x8F2B, s0  }
0xbd: {  	[sflag:s0] =	ssyncadd.remote.s32 $0x1  }
0xbe: {  	_ =	sfence.sel $0xFFFF  }
0xbf: {  	[dreg:$0x0] =	wrdreg $0xFFFFFFFF;
	(pc) =	sbr.abs _section_cstart, $3  }
0xc0: {  	[dreg:$0x1] =	wrdreg $0xFFFFFFFF  }
0xc1: {  	_ =	task.clear_ibuf [dreg:s7], $0x2FFFF;
	_ =	strace $0x9FFFFFFF  }
0xc2: {  	(tm) =	ssettm $0x7FFFFFFF  }
0xc3: {  	_ =	shalt  }
tec
execute0_lowered:
.L_overlay_start_1:
0x0: {  	(tag) =	ssettag $0x1  }
0x1: {  	s6 =	rddreg [dreg:$0x0]  }
0x2: {  	s2 =	rddreg [dreg:$0x1];
	s3 =	simm.s32 $0x0  }
0x3: {  	s4 =	srdreg.scid;
	s1 =	stileid.u32;
	s15 =	simm.s32 $0x7  }
0x4: {  	s16 =	simm.s32 $0x600;
	s17 =	simm.s32 $0x800;
	s18 =	simm.s32 $0x1  }
0x5: {  	s19 =	simm.s32 $0x1A0;
	s20 =	simm.s32 $0xA00;
	s21 =	simm.s32 $0x2  }
0x6: {  	s22 =	simm.s32 $0xDA00;
	s23 =	simm.s32 $0x3;
	s24 =	simm.s32 $0x4  }
0x7: {  	s25 =	simm.s32 $0x5;
	s26 =	simm.s32 $0x6;
	s28 =	simm.s32 $0x0  }
0x8: {  	[smem:$0x7FF] =	sst s3;
	s7 =	sand.u32 $0x1, s4;
	s31 =	sshll.u32 s1, $0x1  }
0x9: {  	s4 =	sadd.s32 $0x3199A00, s6;
	s5 =	sadd.s32 $0x3199800, s6;
	s8 =	sor.u32 s7, s31  }
0xa: {  	s6 =	sadd.s32 $0x9EC400, s6;
	s7 =	ssub.s32 $0x2, s7;
	s12 =	smul.u32 $0x10400, s8  }
0xb: {  	_ =	strace $0x80000047;
	s9 =	sshrl.u32 s7, $0x1;
	s11 =	smul.u32 $0x208000, s8  }
0xc: {  	s14 =	ssub.s32 s7, s9;
	s7 =	smul.u32 $0x4100, s8;
	s10 =	sshrl.u32 s12, $0x3  }
0xd: {  	s13 =	sshrl.u32 s11, $0x3;
	s14 =	smax.u32 s14, $0x1;
	s8 =	sadd.s32 s4, s10  }
0xe: {  	s10 =	sor.u32 $0x1A0, s12;
	s11 =	sadd.s32 $0xFFFFFF98, s7;
	s13 =	sadd.s32 s2, s13  }
0xf: {  	v0 =	vlaneseq.u32;
	s12 =	sor.u32 $0x340, s12;
	s9 =	sadd.s32 $0x34, s8;
	s13 =	sadd.s32 $0x40980, s13  }
.LBB2_1:
0x10: {  	[tilespmem:s3], [sflag:$0x7] =	stream.linear.gather [hbm4b:s5+s3], $0x200, $0x38;
	[tilespmem:$0x1AA00] =	vst v63  }
0x11: {  	_ =	swait.ge [sflag:s15], $0x200  }
0x12: {  	[sflag:s15] =	ssyncset.done $0x0  }
0x13: {  	[sflag:s15] =	ssyncadd.s32 $0xFFFFFE00  }
0x14: {  	[tilespmem:s16], [sflag:$0x1] =	stream.linear.gather [hbm4b:s8+s3], $0x1A0, $0x38;
	[tilespmem:$0x1AA00] =	vst v63  }
0x15: {  	s29 =	simm.s32 $0x0  }
0x16: {  	[tilespmem:s17], [sflag:$0x2] =	stream.linear.gather [hbm4b:s9+s3], $0x1A0, $0x38;
	[tilespmem:$0x1AA00] =	vst v63  }
.LBB2_2:
0x17: {  	p0 =	seq.s32 s29, $0x0  }
0x18: {  	s30 =	simm.s32 @!p0 $0x5  }
0x19: {  	_ =	swait.ge @!p0 [sflag:s30], $0x3400  }
0x1a: {  	[sflag:s30] =	ssyncset.done @!p0 $0x0  }
0x1b: {  	[sflag:s30] =	ssyncadd.s32 @!p0 $0xFFFFCC00  }
0x1c: {  	_ =	swait.ge [sflag:s18], $0x1A0  }
0x1d: {  	[sflag:s18] =	ssyncset.done $0x0  }
0x1e: {  	[sflag:s18] =	ssyncadd.s32 $0xFFFFFE60  }
0x1f: {  	v1 =	vld [tilespmem:$0x600]  }
0x20: {  	v2 =	vld [tilespmem:$0x0]  }
0x21: {  	v3 =	vld [tilespmem:$0x610]  }
0x22: {  	v4 =	vld [tilespmem:$0x10]  }
0x23: {  	v5 =	vld [tilespmem:$0x620]  }
0x24: {  	v6 =	vld [tilespmem:$0x20]  }
0x25: {  	v8 =	vld [tilespmem:$0x30];
	v1 =	vadd.s32 v1, v2  }
0x26: {  	v2 =	vld [tilespmem:$0x630];
	v7 =	vand.u32 $0x3, v1  }
0x27: {  	v27 =	vld [tilespmem:$0x640];
	v3 =	vadd.s32 v3, v4;
	v1 =	vshrl.u32 v1, $0x2;
	[tilespmem:$0x200] =	vst v7  }
0x28: {  	v28 =	vld [tilespmem:$0x40];
	[tilespmem:$0x600] =	vst v1;
	v1 =	vand.u32 $0x3, v3  }
0x29: {  	v29 =	vld [tilespmem:$0x650];
	[tilespmem:$0x210] =	vst v1;
	v1 =	vshrl.u32 v3, $0x2;
	v3 =	vadd.s32 v5, v6  }
0x2a: {  	v30 =	vld [tilespmem:$0x50];
	[tilespmem:$0x610] =	vst v1;
	v1 =	vand.u32 $0x3, v3  }
0x2b: {  	v31 =	vld [tilespmem:$0x60];
	[tilespmem:$0x220] =	vst v1;
	v1 =	vshrl.u32 v3, $0x2;
	v2 =	vadd.s32 v2, v8  }
0x2c: {  	v3 =	vld [tilespmem:$0x660];
	[tilespmem:$0x620] =	vst v1;
	v1 =	vand.u32 $0x3, v2  }
0x2d: {  	v32 =	vld [tilespmem:$0x670];
	[tilespmem:$0x230] =	vst v1;
	v1 =	vshrl.u32 v2, $0x2;
	v2 =	vadd.s32 v27, v28  }
0x2e: {  	v33 =	vld [tilespmem:$0x70];
	[tilespmem:$0x630] =	vst v1;
	v1 =	vand.u32 $0x3, v2  }
0x2f: {  	v34 =	vld [tilespmem:$0x680];
	[tilespmem:$0x240] =	vst v1;
	v1 =	vshrl.u32 v2, $0x2;
	v2 =	vadd.s32 v29, v30  }
0x30: {  	v35 =	vld [tilespmem:$0x80];
	[tilespmem:$0x640] =	vst v1;
	v1 =	vand.u32 $0x3, v2  }
0x31: {  	v36 =	vld [tilespmem:$0x90];
	[tilespmem:$0x250] =	vst v1;
	v1 =	vshrl.u32 v2, $0x2;
	v2 =	vadd.s32 v3, v31  }
0x32: {  	v3 =	vld [tilespmem:$0x690];
	[tilespmem:$0x650] =	vst v1;
	v1 =	vand.u32 $0x3, v2  }
0x33: {  	v37 =	vld [tilespmem:$0x6A0];
	[tilespmem:$0x260] =	vst v1;
	v1 =	vshrl.u32 v2, $0x2;
	v2 =	vadd.s32 v32, v33  }
0x34: {  	v38 =	vld [tilespmem:$0xA0];
	[tilespmem:$0x660] =	vst v1;
	v1 =	vand.u32 $0x3, v2  }
0x35: {  	v39 =	vld [tilespmem:$0x6B0];
	[tilespmem:$0x270] =	vst v1;
	v1 =	vshrl.u32 v2, $0x2;
	v2 =	vadd.s32 v34, v35  }
0x36: {  	v40 =	vld [tilespmem:$0xB0];
	[tilespmem:$0x670] =	vst v1;
	v1 =	vand.u32 $0x3, v2  }
0x37: {  	v41 =	vld [tilespmem:$0xC0];
	[tilespmem:$0x280] =	vst v1;
	v1 =	vshrl.u32 v2, $0x2;
	v2 =	vadd.s32 v3, v36  }
0x38: {  	v3 =	vld [tilespmem:$0x6C0];
	[tilespmem:$0x680] =	vst v1;
	v1 =	vand.u32 $0x3, v2  }
0x39: {  	v42 =	vld [tilespmem:$0x6D0];
	[tilespmem:$0x290] =	vst v1;
	v1 =	vshrl.u32 v2, $0x2;
	v2 =	vadd.s32 v37, v38  }
0x3a: {  	v43 =	vld [tilespmem:$0xD0];
	[tilespmem:$0x690] =	vst v1;
	v1 =	vand.u32 $0x3, v2  }
0x3b: {  	v44 =	vld [tilespmem:$0x6E0];
	[tilespmem:$0x2A0] =	vst v1;
	v1 =	vshrl.u32 v2, $0x2;
	v2 =	vadd.s32 v39, v40  }
0x3c: {  	v45 =	vld [tilespmem:$0xE0];
	[tilespmem:$0x6A0] =	vst v1;
	v1 =	vand.u32 $0x3, v2  }
0x3d: {  	v46 =	vld [tilespmem:$0xF0];
	[tilespmem:$0x2B0] =	vst v1;
	v1 =	vshrl.u32 v2, $0x2;
	v2 =	vadd.s32 v3, v41  }
0x3e: {  	v3 =	vld [tilespmem:$0x6F0];
	[tilespmem:$0x6B0] =	vst v1;
	v1 =	vand.u32 $0x3, v2  }
0x3f: {  	v47 =	vld [tilespmem:$0x700];
	[tilespmem:$0x2C0] =	vst v1;
	v1 =	vshrl.u32 v2, $0x2;
	v2 =	vadd.s32 v42, v43  }
0x40: {  	v48 =	vld [tilespmem:$0x100];
	[tilespmem:$0x6C0] =	vst v1;
	v1 =	vand.u32 $0x3, v2  }
0x41: {  	v49 =	vld [tilespmem:$0x710];
	[tilespmem:$0x2D0] =	vst v1;
	v1 =	vshrl.u32 v2, $0x2;
	v2 =	vadd.s32 v44, v45  }
0x42: {  	v50 =	vld [tilespmem:$0x110];
	[tilespmem:$0x6D0] =	vst v1;
	v1 =	vand.u32 $0x3, v2  }
0x43: {  	v51 =	vld [tilespmem:$0x120];
	[tilespmem:$0x2E0] =	vst v1;
	v1 =	vshrl.u32 v2, $0x2;
	v2 =	vadd.s32 v3, v46  }
0x44: {  	v3 =	vld [tilespmem:$0x720];
	[tilespmem:$0x6E0] =	vst v1;
	v1 =	vand.u32 $0x3, v2  }
0x45: {  	v52 =	vld [tilespmem:$0x730];
	[tilespmem:$0x2F0] =	vst v1;
	v1 =	vshrl.u32 v2, $0x2;
	v2 =	vadd.s32 v47, v48  }
0x46: {  	v53 =	vld [tilespmem:$0x130];
	[tilespmem:$0x6F0] =	vst v1;
	v1 =	vand.u32 $0x3, v2  }
0x47: {  	v54 =	vld [tilespmem:$0x740];
	[tilespmem:$0x300] =	vst v1;
	v1 =	vshrl.u32 v2, $0x2;
	v2 =	vadd.s32 v49, v50  }
0x48: {  	v55 =	vld [tilespmem:$0x140];
	[tilespmem:$0x700] =	vst v1;
	v1 =	vand.u32 $0x3, v2  }
0x49: {  	v56 =	vld [tilespmem:$0x150];
	[tilespmem:$0x310] =	vst v1;
	v1 =	vshrl.u32 v2, $0x2;
	v2 =	vadd.s32 v3, v51  }
0x4a: {  	v3 =	vld [tilespmem:$0x750];
	[tilespmem:$0x710] =	vst v1;
	v1 =	vand.u32 $0x3, v2  }
0x4b: {  	v57 =	vld [tilespmem:$0x760];
	[tilespmem:$0x320] =	vst v1;
	v1 =	vshrl.u32 v2, $0x2;
	v2 =	vadd.s32 v52, v53  }
0x4c: {  	v58 =	vld [tilespmem:$0x160];
	[tilespmem:$0x720] =	vst v1;
	v1 =	vand.u32 $0x3, v2  }
0x4d: {  	v59 =	vld [tilespmem:$0x770];
	[tilespmem:$0x330] =	vst v1;
	v1 =	vshrl.u32 v2, $0x2;
	v2 =	vadd.s32 v54, v55  }
0x4e: {  	v60 =	vld [tilespmem:$0x170];
	[tilespmem:$0x730] =	vst v1;
	v1 =	vand.u32 $0x3, v2  }
0x4f: {  	v61 =	vld [tilespmem:$0x180];
	[tilespmem:$0x340] =	vst v1;
	v1 =	vshrl.u32 v2, $0x2;
	v2 =	vadd.s32 v3, v56  }
0x50: {  	v3 =	vld [tilespmem:$0x780];
	[tilespmem:$0x740] =	vst v1;
	v1 =	vand.u32 $0x3, v2  }
0x51: {  	v62 =	vld [tilespmem:$0x790];
	[tilespmem:$0x350] =	vst v1;
	v1 =	vshrl.u32 v2, $0x2;
	v2 =	vadd.s32 v57, v58  }
0x52: {  	v63 =	vld [tilespmem:$0x190];
	[tilespmem:$0x750] =	vst v1;
	v1 =	vand.u32 $0x3, v2  }
0x53: {  	v2 =	vshrl.u32 v2, $0x2;
	[tilespmem:$0x360] =	vst v1;
	v1 =	vadd.s32 v59, v60  }
0x54: {  	[tilespmem:$0x760] =	vst v2;
	v2 =	vand.u32 $0x3, v1  }
0x55: {  	v1 =	vshrl.u32 v1, $0x2;
	[tilespmem:$0x370] =	vst v2;
	v2 =	vadd.s32 v3, v61  }
0x56: {  	[tilespmem:$0x770] =	vst v1;
	v1 =	vand.u32 $0x3, v2  }
.Ltmp0:
0x57: {  	v2 =	vshrl.u32 v2, $0x2;
	[tilespmem:$0x380] =	vst v1;
	v1 =	vadd.s32 v62, v63;
	(pc) =	sbr.rel @p0 .LBB2_6-.Ltmp0, $4  }
0x58: {  	[tilespmem:$0x780] =	vst v2;
	v2 =	vand.u32 $0x3, v1  }
0x59: {  	v1 =	vshrl.u32 v1, $0x2;
	[tilespmem:$0x390] =	vst v2  }
0x5a: {  	[tilespmem:$0x790] =	vst v1  }
0x5b: {  	[tilespmem:s20], [sflag:$0x3] =	stream.indirect.gather [hbm4b:s6+s19], $0x80, s16, s19, $0xb8;
	[tilespmem:$0x1AA00] =	vst v63  }
0x5c: {  	s30 =	smul.u32 $0x340, s29;
	_ =	sdelay $0x1  }
0x5d: {  	_ =	swait.ge [sflag:s24], $0xD000;
	s30 =	sadd.s32 s30, s10  }
0x5e: {  	[sflag:s24] =	ssyncset.done $0x0;
	s30 =	sshrl.u32 s30, $0x3  }
0x5f: {  	s31 =	simm.s32 $0x0;
	[sflag:s24] =	ssyncadd.s32 $0xFFFF3000;
	s30 =	sadd.s32 s4, s30  }
0x60: {  	[tilespmem:s17], [sflag:$0x2] =	stream.linear.gather [hbm4b:s30+s31], $0x1A0, $0x38;
	[tilespmem:$0x1AA00] =	vst v63  }
0x61: {  	s30 =	simm.s32 $0x400  }
0x62: {  	v1 =	vld [tilespmem:s30+$0x0];
	_ =	sdelay $0x4  }
0x63: {  	v2 =	vor.u32 s31, v0;
	v1 =	vshll.u32 v1, $0x5  }
0x64: {  	v4 =	vshll.u32 v2, $0x7;
	v3 =	vand.u32 $0xFFFFFF80, v1  }
0x65: {  	v1 =	vand.u32 $0x60, v1;
	v3 =	vadd.s32 v4, v3  }
0x66: {  	v1 =	vor.u32 v1, v3;
	_ =	sdelay $0x4  }
0x67: {  	v35 =	vshll.u32 v2, $0x5;
	v3 =	vld.idx.msk [tilespmem:v1+s22+$0x0], $0xffff  }
0x68: {  	v2 =	vor.u32 $0x1, v1;
	_ =	sdelay $0x3  }
0x69: {  	[tilespmem:v35+s22+$0x0] =	vst.idx.msk $0xffff, v3  }
0x6a: {  	v3 =	vor.u32 $0x1, v35;
	v2 =	vld.idx.msk [tilespmem:v2+s22+$0x0], $0xffff  }
0x6b: {  	v5 =	vor.u32 $0x2, v1;
	_ =	sdelay $0x3  }
0x6c: {  	[tilespmem:v3+s22+$0x0] =	vst.idx.msk $0xffff, v2  }
0x6d: {  	v3 =	vor.u32 $0x2, v35;
	v2 =	vld.idx.msk [tilespmem:v5+s22+$0x0], $0xffff  }
0x6e: {  	v36 =	vor.u32 $0x3, v1;
	_ =	sdelay $0x3  }
0x6f: {  	[tilespmem:v3+s22+$0x0] =	vst.idx.msk $0xffff, v2  }
0x70: {  	v3 =	vor.u32 $0x3, v35;
	v2 =	vld.idx.msk [tilespmem:v36+s22+$0x0], $0xffff  }
0x71: {  	v37 =	vor.u32 $0x4, v1;
	_ =	sdelay $0x3  }
0x72: {  	[tilespmem:v3+s22+$0x0] =	vst.idx.msk $0xffff, v2  }
0x73: {  	v3 =	vor.u32 $0x4, v35;
	v2 =	vld.idx.msk [tilespmem:v37+s22+$0x0], $0xffff  }
0x74: {  	v38 =	vor.u32 $0x5, v1;
	_ =	sdelay $0x3  }
0x75: {  	[tilespmem:v3+s22+$0x0] =	vst.idx.msk $0xffff, v2  }
0x76: {  	v3 =	vor.u32 $0x5, v35;
	v2 =	vld.idx.msk [tilespmem:v38+s22+$0x0], $0xffff  }
0x77: {  	v39 =	vor.u32 $0x6, v1;
	_ =	sdelay $0x3  }
0x78: {  	[tilespmem:v3+s22+$0x0] =	vst.idx.msk $0xffff, v2  }
0x79: {  	v3 =	vor.u32 $0x6, v35;
	v2 =	vld.idx.msk [tilespmem:v39+s22+$0x0], $0xffff  }
0x7a: {  	v40 =	vor.u32 $0x7, v1;
	_ =	sdelay $0x3  }
0x7b: {  	[tilespmem:v3+s22+$0x0] =	vst.idx.msk $0xffff, v2  }
0x7c: {  	v3 =	vor.u32 $0x7, v35;
	v2 =	vld.idx.msk [tilespmem:v40+s22+$0x0], $0xffff  }
0x7d: {  	v41 =	vor.u32 $0x8, v1;
	_ =	sdelay $0x3  }
0x7e: {  	[tilespmem:v3+s22+$0x0] =	vst.idx.msk $0xffff, v2  }
0x7f: {  	v3 =	vor.u32 $0x8, v35;
	v2 =	vld.idx.msk [tilespmem:v41+s22+$0x0], $0xffff  }
0x80: {  	v42 =	vor.u32 $0x9, v1;
	_ =	sdelay $0x3  }
0x81: {  	[tilespmem:v3+s22+$0x0] =	vst.idx.msk $0xffff, v2  }
0x82: {  	v3 =	vor.u32 $0x9, v35;
	v2 =	vld.idx.msk [tilespmem:v42+s22+$0x0], $0xffff  }
0x83: {  	v43 =	vor.u32 $0xA, v1;
	_ =	sdelay $0x3  }
0x84: {  	[tilespmem:v3+s22+$0x0] =	vst.idx.msk $0xffff, v2  }
0x85: {  	v3 =	vor.u32 $0xA, v35;
	v2 =	vld.idx.msk [tilespmem:v43+s22+$0x0], $0xffff  }
0x86: {  	v44 =	vor.u32 $0xB, v1;
	_ =	sdelay $0x3  }
0x87: {  	[tilespmem:v3+s22+$0x0] =	vst.idx.msk $0xffff, v2  }
0x88: {  	v3 =	vor.u32 $0xB, v35;
	v2 =	vld.idx.msk [tilespmem:v44+s22+$0x0], $0xffff  }
0x89: {  	v45 =	vor.u32 $0xC, v1;
	_ =	sdelay $0x3  }
0x8a: {  	[tilespmem:v3+s22+$0x0] =	vst.idx.msk $0xffff, v2  }
0x8b: {  	v3 =	vor.u32 $0xC, v35;
	v2 =	vld.idx.msk [tilespmem:v45+s22+$0x0], $0xffff  }
0x8c: {  	v46 =	vor.u32 $0xD, v1;
	_ =	sdelay $0x3  }
0x8d: {  	[tilespmem:v3+s22+$0x0] =	vst.idx.msk $0xffff, v2  }
0x8e: {  	v3 =	vor.u32 $0xD, v35;
	v2 =	vld.idx.msk [tilespmem:v46+s22+$0x0], $0xffff  }
0x8f: {  	v47 =	vor.u32 $0xE, v1;
	_ =	sdelay $0x3  }
0x90: {  	[tilespmem:v3+s22+$0x0] =	vst.idx.msk $0xffff, v2  }
0x91: {  	v3 =	vor.u32 $0xE, v35;
	v2 =	vld.idx.msk [tilespmem:v47+s22+$0x0], $0xffff  }
0x92: {  	v48 =	vor.u32 $0xF, v1;
	_ =	sdelay $0x3  }
0x93: {  	[tilespmem:v3+s22+$0x0] =	vst.idx.msk $0xffff, v2  }
0x94: {  	v3 =	vor.u32 $0xF, v35;
	v2 =	vld.idx.msk [tilespmem:v48+s22+$0x0], $0xffff  }
0x95: {  	v49 =	vor.u32 $0x10, v1;
	_ =	sdelay $0x3  }
0x96: {  	[tilespmem:v3+s22+$0x0] =	vst.idx.msk $0xffff, v2  }
0x97: {  	v3 =	vor.u32 $0x10, v35;
	v2 =	vld.idx.msk [tilespmem:v49+s22+$0x0], $0xffff  }
0x98: {  	v50 =	vor.u32 $0x11, v1;
	_ =	sdelay $0x3  }
0x99: {  	[tilespmem:v3+s22+$0x0] =	vst.idx.msk $0xffff, v2  }
0x9a: {  	v3 =	vor.u32 $0x11, v35;
	v2 =	vld.idx.msk [tilespmem:v50+s22+$0x0], $0xffff  }
0x9b: {  	v51 =	vor.u32 $0x12, v1;
	_ =	sdelay $0x3  }
0x9c: {  	[tilespmem:v3+s22+$0x0] =	vst.idx.msk $0xffff, v2  }
0x9d: {  	v3 =	vor.u32 $0x12, v35;
	v2 =	vld.idx.msk [tilespmem:v51+s22+$0x0], $0xffff  }
0x9e: {  	v52 =	vor.u32 $0x13, v1;
	_ =	sdelay $0x3  }
0x9f: {  	[tilespmem:v3+s22+$0x0] =	vst.idx.msk $0xffff, v2  }
0xa0: {  	v3 =	vor.u32 $0x13, v35;
	v2 =	vld.idx.msk [tilespmem:v52+s22+$0x0], $0xffff  }
0xa1: {  	v53 =	vor.u32 $0x14, v1;
	_ =	sdelay $0x3  }
0xa2: {  	[tilespmem:v3+s22+$0x0] =	vst.idx.msk $0xffff, v2  }
0xa3: {  	v3 =	vor.u32 $0x14, v35;
	v2 =	vld.idx.msk [tilespmem:v53+s22+$0x0], $0xffff  }
0xa4: {  	v54 =	vor.u32 $0x15, v1;
	_ =	sdelay $0x3  }
0xa5: {  	[tilespmem:v3+s22+$0x0] =	vst.idx.msk $0xffff, v2  }
0xa6: {  	v3 =	vor.u32 $0x15, v35;
	v2 =	vld.idx.msk [tilespmem:v54+s22+$0x0], $0xffff  }
0xa7: {  	v55 =	vor.u32 $0x16, v1;
	_ =	sdelay $0x3  }
0xa8: {  	[tilespmem:v3+s22+$0x0] =	vst.idx.msk $0xffff, v2  }
0xa9: {  	v3 =	vor.u32 $0x16, v35;
	v2 =	vld.idx.msk [tilespmem:v55+s22+$0x0], $0xffff  }
0xaa: {  	v56 =	vor.u32 $0x17, v1;
	_ =	sdelay $0x3  }
0xab: {  	[tilespmem:v3+s22+$0x0] =	vst.idx.msk $0xffff, v2  }
0xac: {  	v3 =	vor.u32 $0x17, v35;
	v2 =	vld.idx.msk [tilespmem:v56+s22+$0x0], $0xffff  }
0xad: {  	v57 =	vor.u32 $0x18, v1;
	_ =	sdelay $0x3  }
0xae: {  	[tilespmem:v3+s22+$0x0] =	vst.idx.msk $0xffff, v2  }
0xaf: {  	v3 =	vor.u32 $0x18, v35;
	v2 =	vld.idx.msk [tilespmem:v57+s22+$0x0], $0xffff  }
0xb0: {  	v58 =	vor.u32 $0x19, v1;
	_ =	sdelay $0x3  }
0xb1: {  	[tilespmem:v3+s22+$0x0] =	vst.idx.msk $0xffff, v2  }
0xb2: {  	v3 =	vor.u32 $0x19, v35;
	v2 =	vld.idx.msk [tilespmem:v58+s22+$0x0], $0xffff  }
0xb3: {  	v59 =	vor.u32 $0x1A, v1;
	_ =	sdelay $0x3  }
0xb4: {  	[tilespmem:v3+s22+$0x0] =	vst.idx.msk $0xffff, v2  }
0xb5: {  	v3 =	vor.u32 $0x1A, v35;
	v2 =	vld.idx.msk [tilespmem:v59+s22+$0x0], $0xffff  }
0xb6: {  	v60 =	vor.u32 $0x1B, v1;
	_ =	sdelay $0x3  }
0xb7: {  	[tilespmem:v3+s22+$0x0] =	vst.idx.msk $0xffff, v2  }
0xb8: {  	v3 =	vor.u32 $0x1B, v35;
	v2 =	vld.idx.msk [tilespmem:v60+s22+$0x0], $0xffff  }
0xb9: {  	v61 =	vor.u32 $0x1C, v1;
	_ =	sdelay $0x3  }
0xba: {  	[tilespmem:v3+s22+$0x0] =	vst.idx.msk $0xffff, v2  }
0xbb: {  	v3 =	vor.u32 $0x1C, v35;
	v2 =	vld.idx.msk [tilespmem:v61+s22+$0x0], $0xffff  }
0xbc: {  	v62 =	vor.u32 $0x1D, v1;
	_ =	sdelay $0x3  }
0xbd: {  	[tilespmem:v3+s22+$0x0] =	vst.idx.msk $0xffff, v2  }
0xbe: {  	v3 =	vor.u32 $0x1D, v35;
	v2 =	vld.idx.msk [tilespmem:v62+s22+$0x0], $0xffff  }
0xbf: {  	v63 =	vor.u32 $0x1E, v1;
	_ =	sdelay $0x3  }
0xc0: {  	[tilespmem:v3+s22+$0x0] =	vst.idx.msk $0xffff, v2  }
0xc1: {  	v3 =	vor.u32 $0x1E, v35;
	v2 =	vld.idx.msk [tilespmem:v63+s22+$0x0], $0xffff  }
0xc2: {  	v1 =	vor.u32 $0x1F, v1;
	_ =	sdelay $0x3  }
0xc3: {  	[tilespmem:v3+s22+$0x0] =	vst.idx.msk $0xffff, v2  }
0xc4: {  	s31 =	simm.s32 $0x10;
	v2 =	vld.idx.msk [tilespmem:v1+s22+$0x0], $0xffff;
	v1 =	vor.u32 $0x1F, v35  }
.LBB2_4:
0xc5: {  	_ =	sdelay $0x2  }
0xc6: {  	p0 =	sne.s32 s31, $0x190  }
0xc7: {  	s30 =	sadd.s32 $0x10, s30;
	s0 =	smov.u32 s31;
	s31 =	sadd.s32 $0x10, s31;
	[tilespmem:v1+s22+$0x0] =	vst.idx.msk $0xffff, v2  }
0xc8: {  	v1 =	vld [tilespmem:s30+$0x0];
	_ =	sdelay $0x4  }
0xc9: {  	v3 =	vor.u32 s0, v0;
	v1 =	vshll.u32 v1, $0x5  }
0xca: {  	v4 =	vshll.u32 v3, $0x7;
	v2 =	vand.u32 $0xFFFFFF80, v1  }
0xcb: {  	v1 =	vand.u32 $0x60, v1;
	v2 =	vadd.s32 v4, v2  }
0xcc: {  	v2 =	vor.u32 v1, v2;
	_ =	sdelay $0x4  }
0xcd: {  	v4 =	vld.idx.msk [tilespmem:v2+s22+$0x0], $0xffff  }
0xce: {  	v1 =	vshll.u32 v3, $0x5  }
0xcf: {  	v3 =	vor.u32 $0x1, v2;
	_ =	sdelay $0x3  }
0xd0: {  	[tilespmem:v1+s22+$0x0] =	vst.idx.msk $0xffff, v4  }
0xd1: {  	v3 =	vld.idx.msk [tilespmem:v3+s22+$0x0], $0xffff  }
0xd2: {  	v4 =	vor.u32 $0x1, v1  }
0xd3: {  	v5 =	vor.u32 $0x2, v2;
	_ =	sdelay $0x3  }
0xd4: {  	[tilespmem:v4+s22+$0x0] =	vst.idx.msk $0xffff, v3  }
0xd5: {  	v3 =	vld.idx.msk [tilespmem:v5+s22+$0x0], $0xffff  }
0xd6: {  	v4 =	vor.u32 $0x2, v1  }
0xd7: {  	v5 =	vor.u32 $0x3, v2;
	_ =	sdelay $0x3  }
0xd8: {  	[tilespmem:v4+s22+$0x0] =	vst.idx.msk $0xffff, v3  }
0xd9: {  	v3 =	vld.idx.msk [tilespmem:v5+s22+$0x0], $0xffff  }
0xda: {  	v4 =	vor.u32 $0x3, v1  }
0xdb: {  	v5 =	vor.u32 $0x4, v2;
	_ =	sdelay $0x3  }
0xdc: {  	[tilespmem:v4+s22+$0x0] =	vst.idx.msk $0xffff, v3  }
0xdd: {  	v3 =	vld.idx.msk [tilespmem:v5+s22+$0x0], $0xffff  }
0xde: {  	v4 =	vor.u32 $0x4, v1  }
0xdf: {  	v5 =	vor.u32 $0x5, v2;
	_ =	sdelay $0x3  }
0xe0: {  	[tilespmem:v4+s22+$0x0] =	vst.idx.msk $0xffff, v3  }
0xe1: {  	v3 =	vld.idx.msk [tilespmem:v5+s22+$0x0], $0xffff  }
0xe2: {  	v4 =	vor.u32 $0x5, v1  }
0xe3: {  	v5 =	vor.u32 $0x6, v2;
	_ =	sdelay $0x3  }
0xe4: {  	[tilespmem:v4+s22+$0x0] =	vst.idx.msk $0xffff, v3  }
0xe5: {  	v3 =	vld.idx.msk [tilespmem:v5+s22+$0x0], $0xffff  }
0xe6: {  	v4 =	vor.u32 $0x6, v1  }
0xe7: {  	v5 =	vor.u32 $0x7, v2;
	_ =	sdelay $0x3  }
0xe8: {  	[tilespmem:v4+s22+$0x0] =	vst.idx.msk $0xffff, v3  }
0xe9: {  	v3 =	vld.idx.msk [tilespmem:v5+s22+$0x0], $0xffff  }
0xea: {  	v4 =	vor.u32 $0x7, v1  }
0xeb: {  	v5 =	vor.u32 $0x8, v2;
	_ =	sdelay $0x3  }
0xec: {  	[tilespmem:v4+s22+$0x0] =	vst.idx.msk $0xffff, v3  }
0xed: {  	v3 =	vld.idx.msk [tilespmem:v5+s22+$0x0], $0xffff  }
0xee: {  	v4 =	vor.u32 $0x8, v1  }
0xef: {  	v5 =	vor.u32 $0x9, v2;
	_ =	sdelay $0x3  }
0xf0: {  	[tilespmem:v4+s22+$0x0] =	vst.idx.msk $0xffff, v3  }
0xf1: {  	v3 =	vld.idx.msk [tilespmem:v5+s22+$0x0], $0xffff  }
0xf2: {  	v4 =	vor.u32 $0x9, v1  }
0xf3: {  	v5 =	vor.u32 $0xA, v2;
	_ =	sdelay $0x3  }
0xf4: {  	[tilespmem:v4+s22+$0x0] =	vst.idx.msk $0xffff, v3  }
0xf5: {  	v3 =	vld.idx.msk [tilespmem:v5+s22+$0x0], $0xffff  }
0xf6: {  	v4 =	vor.u32 $0xA, v1  }
0xf7: {  	v5 =	vor.u32 $0xB, v2;
	_ =	sdelay $0x3  }
0xf8: {  	[tilespmem:v4+s22+$0x0] =	vst.idx.msk $0xffff, v3  }
0xf9: {  	v3 =	vld.idx.msk [tilespmem:v5+s22+$0x0], $0xffff  }
0xfa: {  	v4 =	vor.u32 $0xB, v1  }
0xfb: {  	v5 =	vor.u32 $0xC, v2;
	_ =	sdelay $0x3  }
0xfc: {  	[tilespmem:v4+s22+$0x0] =	vst.idx.msk $0xffff, v3  }
0xfd: {  	v3 =	vld.idx.msk [tilespmem:v5+s22+$0x0], $0xffff  }
0xfe: {  	v4 =	vor.u32 $0xC, v1  }
0xff: {  	v5 =	vor.u32 $0xD, v2;
	_ =	sdelay $0x3  }
0x100: {  	[tilespmem:v4+s22+$0x0] =	vst.idx.msk $0xffff, v3  }
0x101: {  	v3 =	vld.idx.msk [tilespmem:v5+s22+$0x0], $0xffff  }
0x102: {  	v4 =	vor.u32 $0xD, v1  }
0x103: {  	v5 =	vor.u32 $0xE, v2;
	_ =	sdelay $0x3  }
0x104: {  	[tilespmem:v4+s22+$0x0] =	vst.idx.msk $0xffff, v3  }
0x105: {  	v3 =	vld.idx.msk [tilespmem:v5+s22+$0x0], $0xffff  }
0x106: {  	v4 =	vor.u32 $0xE, v1  }
0x107: {  	v5 =	vor.u32 $0xF, v2;
	_ =	sdelay $0x3  }
0x108: {  	[tilespmem:v4+s22+$0x0] =	vst.idx.msk $0xffff, v3  }
0x109: {  	v3 =	vld.idx.msk [tilespmem:v5+s22+$0x0], $0xffff  }
0x10a: {  	v4 =	vor.u32 $0xF, v1  }
0x10b: {  	v5 =	vor.u32 $0x10, v2;
	_ =	sdelay $0x3  }
0x10c: {  	[tilespmem:v4+s22+$0x0] =	vst.idx.msk $0xffff, v3  }
0x10d: {  	v3 =	vld.idx.msk [tilespmem:v5+s22+$0x0], $0xffff  }
0x10e: {  	v4 =	vor.u32 $0x10, v1  }
0x10f: {  	v5 =	vor.u32 $0x11, v2;
	_ =	sdelay $0x3  }
0x110: {  	[tilespmem:v4+s22+$0x0] =	vst.idx.msk $0xffff, v3  }
0x111: {  	v3 =	vld.idx.msk [tilespmem:v5+s22+$0x0], $0xffff  }
0x112: {  	v4 =	vor.u32 $0x11, v1  }
0x113: {  	v5 =	vor.u32 $0x12, v2;
	_ =	sdelay $0x3  }
0x114: {  	[tilespmem:v4+s22+$0x0] =	vst.idx.msk $0xffff, v3  }
0x115: {  	v3 =	vld.idx.msk [tilespmem:v5+s22+$0x0], $0xffff  }
0x116: {  	v4 =	vor.u32 $0x12, v1  }
0x117: {  	v5 =	vor.u32 $0x13, v2;
	_ =	sdelay $0x3  }
0x118: {  	[tilespmem:v4+s22+$0x0] =	vst.idx.msk $0xffff, v3  }
0x119: {  	v3 =	vld.idx.msk [tilespmem:v5+s22+$0x0], $0xffff  }
0x11a: {  	v4 =	vor.u32 $0x13, v1  }
0x11b: {  	v5 =	vor.u32 $0x14, v2;
	_ =	sdelay $0x3  }
0x11c: {  	[tilespmem:v4+s22+$0x0] =	vst.idx.msk $0xffff, v3  }
0x11d: {  	v3 =	vld.idx.msk [tilespmem:v5+s22+$0x0], $0xffff  }
0x11e: {  	v4 =	vor.u32 $0x14, v1  }
0x11f: {  	v5 =	vor.u32 $0x15, v2;
	_ =	sdelay $0x3  }
0x120: {  	[tilespmem:v4+s22+$0x0] =	vst.idx.msk $0xffff, v3  }
0x121: {  	v3 =	vld.idx.msk [tilespmem:v5+s22+$0x0], $0xffff  }
0x122: {  	v4 =	vor.u32 $0x15, v1  }
0x123: {  	v5 =	vor.u32 $0x16, v2;
	_ =	sdelay $0x3  }
0x124: {  	[tilespmem:v4+s22+$0x0] =	vst.idx.msk $0xffff, v3  }
0x125: {  	v3 =	vld.idx.msk [tilespmem:v5+s22+$0x0], $0xffff  }
0x126: {  	v4 =	vor.u32 $0x16, v1  }
0x127: {  	v5 =	vor.u32 $0x17, v2;
	_ =	sdelay $0x3  }
0x128: {  	[tilespmem:v4+s22+$0x0] =	vst.idx.msk $0xffff, v3  }
0x129: {  	v3 =	vld.idx.msk [tilespmem:v5+s22+$0x0], $0xffff  }
0x12a: {  	v4 =	vor.u32 $0x17, v1  }
0x12b: {  	v5 =	vor.u32 $0x18, v2;
	_ =	sdelay $0x3  }
0x12c: {  	[tilespmem:v4+s22+$0x0] =	vst.idx.msk $0xffff, v3  }
0x12d: {  	v3 =	vld.idx.msk [tilespmem:v5+s22+$0x0], $0xffff  }
0x12e: {  	v4 =	vor.u32 $0x18, v1  }
0x12f: {  	v5 =	vor.u32 $0x19, v2;
	_ =	sdelay $0x3  }
0x130: {  	[tilespmem:v4+s22+$0x0] =	vst.idx.msk $0xffff, v3  }
0x131: {  	v3 =	vld.idx.msk [tilespmem:v5+s22+$0x0], $0xffff  }
0x132: {  	v4 =	vor.u32 $0x19, v1  }
0x133: {  	v5 =	vor.u32 $0x1A, v2;
	_ =	sdelay $0x3  }
0x134: {  	[tilespmem:v4+s22+$0x0] =	vst.idx.msk $0xffff, v3  }
0x135: {  	v3 =	vld.idx.msk [tilespmem:v5+s22+$0x0], $0xffff  }
0x136: {  	v4 =	vor.u32 $0x1A, v1  }
0x137: {  	v5 =	vor.u32 $0x1B, v2;
	_ =	sdelay $0x3  }
0x138: {  	[tilespmem:v4+s22+$0x0] =	vst.idx.msk $0xffff, v3  }
0x139: {  	v3 =	vld.idx.msk [tilespmem:v5+s22+$0x0], $0xffff  }
0x13a: {  	v4 =	vor.u32 $0x1B, v1  }
0x13b: {  	v5 =	vor.u32 $0x1C, v2;
	_ =	sdelay $0x3  }
0x13c: {  	[tilespmem:v4+s22+$0x0] =	vst.idx.msk $0xffff, v3  }
0x13d: {  	v3 =	vld.idx.msk [tilespmem:v5+s22+$0x0], $0xffff  }
0x13e: {  	v4 =	vor.u32 $0x1C, v1  }
0x13f: {  	v5 =	vor.u32 $0x1D, v2;
	_ =	sdelay $0x3  }
0x140: {  	[tilespmem:v4+s22+$0x0] =	vst.idx.msk $0xffff, v3  }
0x141: {  	v3 =	vld.idx.msk [tilespmem:v5+s22+$0x0], $0xffff  }
0x142: {  	v4 =	vor.u32 $0x1D, v1  }
0x143: {  	v5 =	vor.u32 $0x1E, v2;
	_ =	sdelay $0x3  }
0x144: {  	[tilespmem:v4+s22+$0x0] =	vst.idx.msk $0xffff, v3  }
0x145: {  	v3 =	vld.idx.msk [tilespmem:v5+s22+$0x0], $0xffff  }
0x146: {  	v4 =	vor.u32 $0x1E, v1  }
0x147: {  	v2 =	vor.u32 $0x1F, v2;
	_ =	sdelay $0x1  }
.Ltmp1:
0x148: {  	(pc) =	sbr.rel @p0 .LBB2_4-.Ltmp1, $4  }
0x149: {  	_ = 	snop  }
0x14a: {  	[tilespmem:v4+s22+$0x0] =	vst.idx.msk $0xffff, v3  }
0x14b: {  	v2 =	vld.idx.msk [tilespmem:v2+s22+$0x0], $0xffff  }
0x14c: {  	v1 =	vor.u32 $0x1F, v1  }
0x14d: {  	s0 =	smul.u32 $0xD0, s29;
	_ =	sdelay $0x1  }
0x14e: {  	s0 =	sadd.s32 s0, s11  }
0x14f: {  	s0 =	sshll.u32 s0, $0x4  }
0x150: {  	[tilespmem:v1+s22+$0x0] =	vst.idx.msk $0xffff, v2;
	s0 =	sadd.s32 s2, s0  }
0x151: {  	[hbm4b:s0+s3] =	stream.linear.scatter [tilespmem:s22], [sflag:$0x6], $0x3400, $0x38;
	[tilespmem:$0x1AA00] =	vst v63  }
0x152: {  	_ =	swait.ge [sflag:s26], $0x3400  }
0x153: {  	[sflag:s26] =	ssyncset.done $0x0  }
0x154: {  	[sflag:s26] =	ssyncadd.s32 $0xFFFFCC00  }
.LBB2_6:
0x155: {  	_ =	swait.ge [sflag:s21], $0x1A0  }
0x156: {  	[sflag:s21] =	ssyncset.done $0x0  }
0x157: {  	[sflag:s21] =	ssyncadd.s32 $0xFFFFFE60  }
0x158: {  	v1 =	vld [tilespmem:$0x800]  }
0x159: {  	v2 =	vld [tilespmem:$0x0]  }
0x15a: {  	v3 =	vld [tilespmem:$0x810]  }
0x15b: {  	v4 =	vld [tilespmem:$0x10]  }
0x15c: {  	v5 =	vld [tilespmem:$0x820]  }
0x15d: {  	v6 =	vld [tilespmem:$0x20]  }
0x15e: {  	v8 =	vld [tilespmem:$0x30];
	v1 =	vadd.s32 v1, v2  }
0x15f: {  	v2 =	vld [tilespmem:$0x830];
	v7 =	vand.u32 $0x3, v1  }
0x160: {  	v48 =	vld [tilespmem:$0x840];
	v3 =	vadd.s32 v3, v4;
	v1 =	vshrl.u32 v1, $0x2;
	[tilespmem:$0x400] =	vst v7  }
0x161: {  	v49 =	vld [tilespmem:$0x40];
	[tilespmem:$0x800] =	vst v1;
	v1 =	vand.u32 $0x3, v3  }
0x162: {  	v50 =	vld [tilespmem:$0x850];
	[tilespmem:$0x410] =	vst v1;
	v1 =	vshrl.u32 v3, $0x2;
	v3 =	vadd.s32 v5, v6  }
0x163: {  	v51 =	vld [tilespmem:$0x50];
	[tilespmem:$0x810] =	vst v1;
	v1 =	vand.u32 $0x3, v3  }
0x164: {  	v52 =	vld [tilespmem:$0x60];
	[tilespmem:$0x420] =	vst v1;
	v1 =	vshrl.u32 v3, $0x2;
	v2 =	vadd.s32 v2, v8  }
0x165: {  	v3 =	vld [tilespmem:$0x860];
	[tilespmem:$0x820] =	vst v1;
	v1 =	vand.u32 $0x3, v2  }
0x166: {  	v53 =	vld [tilespmem:$0x870];
	[tilespmem:$0x430] =	vst v1;
	v1 =	vshrl.u32 v2, $0x2;
	v2 =	vadd.s32 v48, v49  }
0x167: {  	v54 =	vld [tilespmem:$0x70];
	[tilespmem:$0x830] =	vst v1;
	v1 =	vand.u32 $0x3, v2  }
0x168: {  	v55 =	vld [tilespmem:$0x880];
	[tilespmem:$0x440] =	vst v1;
	v1 =	vshrl.u32 v2, $0x2;
	v2 =	vadd.s32 v50, v51  }
0x169: {  	v56 =	vld [tilespmem:$0x80];
	[tilespmem:$0x840] =	vst v1;
	v1 =	vand.u32 $0x3, v2  }
0x16a: {  	v57 =	vld [tilespmem:$0x90];
	[tilespmem:$0x450] =	vst v1;
	v1 =	vshrl.u32 v2, $0x2;
	v2 =	vadd.s32 v3, v52  }
0x16b: {  	v3 =	vld [tilespmem:$0x890];
	[tilespmem:$0x850] =	vst v1;
	v1 =	vand.u32 $0x3, v2  }
0x16c: {  	v58 =	vld [tilespmem:$0x8A0];
	[tilespmem:$0x460] =	vst v1;
	v1 =	vshrl.u32 v2, $0x2;
	v2 =	vadd.s32 v53, v54  }
0x16d: {  	v59 =	vld [tilespmem:$0xA0];
	[tilespmem:$0x860] =	vst v1;
	v1 =	vand.u32 $0x3, v2  }
0x16e: {  	v60 =	vld [tilespmem:$0x8B0];
	[tilespmem:$0x470] =	vst v1;
	v1 =	vshrl.u32 v2, $0x2;
	v2 =	vadd.s32 v55, v56  }
0x16f: {  	v61 =	vld [tilespmem:$0xB0];
	[tilespmem:$0x870] =	vst v1;
	v1 =	vand.u32 $0x3, v2  }
0x170: {  	v62 =	vld [tilespmem:$0xC0];
	[tilespmem:$0x480] =	vst v1;
	v1 =	vshrl.u32 v2, $0x2;
	v2 =	vadd.s32 v3, v57  }
0x171: {  	v3 =	vld [tilespmem:$0x8C0];
	[tilespmem:$0x880] =	vst v1;
	v1 =	vand.u32 $0x3, v2  }
0x172: {  	v63 =	vld [tilespmem:$0x8D0];
	[tilespmem:$0x490] =	vst v1;
	v1 =	vshrl.u32 v2, $0x2;
	v2 =	vadd.s32 v58, v59  }
0x173: {  	v12 =	vld [tilespmem:$0xD0];
	[tilespmem:$0x890] =	vst v1;
	v1 =	vand.u32 $0x3, v2  }
0x174: {  	v13 =	vld [tilespmem:$0x8E0];
	[tilespmem:$0x4A0] =	vst v1;
	v1 =	vshrl.u32 v2, $0x2;
	v2 =	vadd.s32 v60, v61  }
0x175: {  	v14 =	vld [tilespmem:$0xE0];
	[tilespmem:$0x8A0] =	vst v1;
	v1 =	vand.u32 $0x3, v2  }
0x176: {  	v15 =	vld [tilespmem:$0xF0];
	[tilespmem:$0x4B0] =	vst v1;
	v1 =	vshrl.u32 v2, $0x2;
	v2 =	vadd.s32 v3, v62  }
0x177: {  	v3 =	vld [tilespmem:$0x8F0];
	[tilespmem:$0x8B0] =	vst v1;
	v1 =	vand.u32 $0x3, v2  }
0x178: {  	v16 =	vld [tilespmem:$0x900];
	[tilespmem:$0x4C0] =	vst v1;
	v1 =	vshrl.u32 v2, $0x2;
	v2 =	vadd.s32 v63, v12  }
0x179: {  	v17 =	vld [tilespmem:$0x100];
	[tilespmem:$0x8C0] =	vst v1;
	v1 =	vand.u32 $0x3, v2  }
0x17a: {  	v18 =	vld [tilespmem:$0x910];
	[tilespmem:$0x4D0] =	vst v1;
	v1 =	vshrl.u32 v2, $0x2;
	v2 =	vadd.s32 v13, v14  }
0x17b: {  	v19 =	vld [tilespmem:$0x110];
	[tilespmem:$0x8D0] =	vst v1;
	v1 =	vand.u32 $0x3, v2  }
0x17c: {  	v20 =	vld [tilespmem:$0x120];
	[tilespmem:$0x4E0] =	vst v1;
	v1 =	vshrl.u32 v2, $0x2;
	v2 =	vadd.s32 v3, v15  }
0x17d: {  	v3 =	vld [tilespmem:$0x920];
	[tilespmem:$0x8E0] =	vst v1;
	v1 =	vand.u32 $0x3, v2  }
0x17e: {  	v21 =	vld [tilespmem:$0x930];
	[tilespmem:$0x4F0] =	vst v1;
	v1 =	vshrl.u32 v2, $0x2;
	v2 =	vadd.s32 v16, v17  }
0x17f: {  	v22 =	vld [tilespmem:$0x130];
	[tilespmem:$0x8F0] =	vst v1;
	v1 =	vand.u32 $0x3, v2  }
0x180: {  	v23 =	vld [tilespmem:$0x940];
	[tilespmem:$0x500] =	vst v1;
	v1 =	vshrl.u32 v2, $0x2;
	v2 =	vadd.s32 v18, v19  }
0x181: {  	v24 =	vld [tilespmem:$0x140];
	[tilespmem:$0x900] =	vst v1;
	v1 =	vand.u32 $0x3, v2  }
0x182: {  	v25 =	vld [tilespmem:$0x150];
	[tilespmem:$0x510] =	vst v1;
	v1 =	vshrl.u32 v2, $0x2;
	v2 =	vadd.s32 v3, v20  }
0x183: {  	v3 =	vld [tilespmem:$0x950];
	[tilespmem:$0x910] =	vst v1;
	v1 =	vand.u32 $0x3, v2  }
0x184: {  	v26 =	vld [tilespmem:$0x960];
	[tilespmem:$0x520] =	vst v1;
	v1 =	vshrl.u32 v2, $0x2;
	v2 =	vadd.s32 v21, v22  }
0x185: {  	v27 =	vld [tilespmem:$0x160];
	[tilespmem:$0x920] =	vst v1;
	v1 =	vand.u32 $0x3, v2  }
0x186: {  	v28 =	vld [tilespmem:$0x970];
	[tilespmem:$0x530] =	vst v1;
	v1 =	vshrl.u32 v2, $0x2;
	v2 =	vadd.s32 v23, v24  }
0x187: {  	v29 =	vld [tilespmem:$0x170];
	[tilespmem:$0x930] =	vst v1;
	v1 =	vand.u32 $0x3, v2  }
0x188: {  	v30 =	vld [tilespmem:$0x180];
	[tilespmem:$0x540] =	vst v1;
	v1 =	vshrl.u32 v2, $0x2;
	v2 =	vadd.s32 v3, v25  }
0x189: {  	v3 =	vld [tilespmem:$0x980];
	[tilespmem:$0x940] =	vst v1;
	v1 =	vand.u32 $0x3, v2  }
0x18a: {  	v31 =	vld [tilespmem:$0x990];
	[tilespmem:$0x550] =	vst v1;
	v1 =	vshrl.u32 v2, $0x2;
	v2 =	vadd.s32 v26, v27  }
0x18b: {  	v32 =	vld [tilespmem:$0x190];
	[tilespmem:$0x950] =	vst v1;
	v1 =	vand.u32 $0x3, v2  }
0x18c: {  	v2 =	vshrl.u32 v2, $0x2;
	[tilespmem:$0x560] =	vst v1;
	v1 =	vadd.s32 v28, v29  }
0x18d: {  	[tilespmem:$0x960] =	vst v2;
	v2 =	vand.u32 $0x3, v1  }
0x18e: {  	v1 =	vshrl.u32 v1, $0x2;
	[tilespmem:$0x570] =	vst v2;
	v2 =	vadd.s32 v3, v30  }
0x18f: {  	[tilespmem:$0x970] =	vst v1;
	v1 =	vand.u32 $0x3, v2  }
0x190: {  	[tilespmem:$0x580] =	vst v1;
	v1 =	vshrl.u32 v2, $0x2;
	v2 =	vadd.s32 v31, v32  }
0x191: {  	[tilespmem:$0x980] =	vst v1;
	v1 =	vand.u32 $0x3, v2  }
0x192: {  	p0 =	seq.s32 s29, $0x4F;
	[tilespmem:$0x590] =	vst v1;
	v1 =	vshrl.u32 v2, $0x2  }
0x193: {  	s0 =	smul.u32 @!p0 $0x340, s29;
	[tilespmem:$0x990] =	vst v1  }
0x194: {  	[tilespmem:s22], [sflag:$0x4] =	stream.indirect.gather [hbm4b:s6+s19], $0x80, s17, s19, $0xb8;
	[tilespmem:$0x1AA00] =	vst v63  }
0x195: {  	s0 =	sadd.s32 @!p0 s0, s12;
	_ =	swait.ge [sflag:s23], $0xD000  }
0x196: {  	s30 =	simm.s32 @!p0 $0x0;
	s0 =	sshrl.u32 @!p0 s0, $0x3;
	[sflag:s23] =	ssyncset.done $0x0  }
0x197: {  	s31 =	simm.s32 @!p0 $0x600;
	s0 =	sadd.s32 @!p0 s4, s0;
	[sflag:s23] =	ssyncadd.s32 $0xFFFF3000  }
0x198: {  	[tilespmem:s31], [sflag:$0x1] =	stream.linear.gather @!p0 [hbm4b:s0+s30], $0x1A0, $0x38;
	[tilespmem:$0x1AA00] =	vst v63  }
0x199: {  	s30 =	simm.s32 $0x200  }
0x19a: {  	v1 =	vld [tilespmem:s30+$0x0];
	_ =	sdelay $0x3  }
0x19b: {  	s0 =	simm.s32 $0x0  }
0x19c: {  	v2 =	vor.u32 s0, v0;
	v1 =	vshll.u32 v1, $0x5  }
0x19d: {  	v33 =	vshll.u32 v2, $0x7;
	v3 =	vand.u32 $0xFFFFFF80, v1  }
0x19e: {  	v1 =	vand.u32 $0x60, v1;
	v3 =	vadd.s32 v33, v3  }
0x19f: {  	v1 =	vor.u32 v1, v3;
	_ =	sdelay $0x4  }
0x1a0: {  	v34 =	vshll.u32 v2, $0x5;
	v3 =	vld.idx.msk [tilespmem:v1+s20+$0x0], $0xffff  }
0x1a1: {  	v2 =	vor.u32 $0x1, v1;
	_ =	sdelay $0x3  }
0x1a2: {  	[tilespmem:v34+s20+$0x0] =	vst.idx.msk $0xffff, v3  }
0x1a3: {  	v3 =	vor.u32 $0x1, v34;
	v2 =	vld.idx.msk [tilespmem:v2+s20+$0x0], $0xffff  }
0x1a4: {  	v35 =	vor.u32 $0x2, v1;
	_ =	sdelay $0x3  }
0x1a5: {  	[tilespmem:v3+s20+$0x0] =	vst.idx.msk $0xffff, v2  }
0x1a6: {  	v3 =	vor.u32 $0x2, v34;
	v2 =	vld.idx.msk [tilespmem:v35+s20+$0x0], $0xffff  }
0x1a7: {  	v36 =	vor.u32 $0x3, v1;
	_ =	sdelay $0x3  }
0x1a8: {  	[tilespmem:v3+s20+$0x0] =	vst.idx.msk $0xffff, v2  }
0x1a9: {  	v3 =	vor.u32 $0x3, v34;
	v2 =	vld.idx.msk [tilespmem:v36+s20+$0x0], $0xffff  }
0x1aa: {  	v37 =	vor.u32 $0x4, v1;
	_ =	sdelay $0x3  }
0x1ab: {  	[tilespmem:v3+s20+$0x0] =	vst.idx.msk $0xffff, v2  }
0x1ac: {  	v3 =	vor.u32 $0x4, v34;
	v2 =	vld.idx.msk [tilespmem:v37+s20+$0x0], $0xffff  }
0x1ad: {  	v38 =	vor.u32 $0x5, v1;
	_ =	sdelay $0x3  }
0x1ae: {  	[tilespmem:v3+s20+$0x0] =	vst.idx.msk $0xffff, v2  }
0x1af: {  	v3 =	vor.u32 $0x5, v34;
	v2 =	vld.idx.msk [tilespmem:v38+s20+$0x0], $0xffff  }
0x1b0: {  	v39 =	vor.u32 $0x6, v1;
	_ =	sdelay $0x3  }
0x1b1: {  	[tilespmem:v3+s20+$0x0] =	vst.idx.msk $0xffff, v2  }
0x1b2: {  	v3 =	vor.u32 $0x6, v34;
	v2 =	vld.idx.msk [tilespmem:v39+s20+$0x0], $0xffff  }
0x1b3: {  	v40 =	vor.u32 $0x7, v1;
	_ =	sdelay $0x3  }
0x1b4: {  	[tilespmem:v3+s20+$0x0] =	vst.idx.msk $0xffff, v2  }
0x1b5: {  	v3 =	vor.u32 $0x7, v34;
	v2 =	vld.idx.msk [tilespmem:v40+s20+$0x0], $0xffff  }
0x1b6: {  	v41 =	vor.u32 $0x8, v1;
	_ =	sdelay $0x3  }
0x1b7: {  	[tilespmem:v3+s20+$0x0] =	vst.idx.msk $0xffff, v2  }
0x1b8: {  	v3 =	vor.u32 $0x8, v34;
	v2 =	vld.idx.msk [tilespmem:v41+s20+$0x0], $0xffff  }
0x1b9: {  	v42 =	vor.u32 $0x9, v1;
	_ =	sdelay $0x3  }
0x1ba: {  	[tilespmem:v3+s20+$0x0] =	vst.idx.msk $0xffff, v2  }
0x1bb: {  	v3 =	vor.u32 $0x9, v34;
	v2 =	vld.idx.msk [tilespmem:v42+s20+$0x0], $0xffff  }
0x1bc: {  	v43 =	vor.u32 $0xA, v1;
	_ =	sdelay $0x3  }
0x1bd: {  	[tilespmem:v3+s20+$0x0] =	vst.idx.msk $0xffff, v2  }
0x1be: {  	v3 =	vor.u32 $0xA, v34;
	v2 =	vld.idx.msk [tilespmem:v43+s20+$0x0], $0xffff  }
0x1bf: {  	v44 =	vor.u32 $0xB, v1;
	_ =	sdelay $0x3  }
0x1c0: {  	[tilespmem:v3+s20+$0x0] =	vst.idx.msk $0xffff, v2  }
0x1c1: {  	v3 =	vor.u32 $0xB, v34;
	v2 =	vld.idx.msk [tilespmem:v44+s20+$0x0], $0xffff  }
0x1c2: {  	v45 =	vor.u32 $0xC, v1;
	_ =	sdelay $0x3  }
0x1c3: {  	[tilespmem:v3+s20+$0x0] =	vst.idx.msk $0xffff, v2  }
0x1c4: {  	v3 =	vor.u32 $0xC, v34;
	v2 =	vld.idx.msk [tilespmem:v45+s20+$0x0], $0xffff  }
0x1c5: {  	v46 =	vor.u32 $0xD, v1;
	_ =	sdelay $0x3  }
0x1c6: {  	[tilespmem:v3+s20+$0x0] =	vst.idx.msk $0xffff, v2  }
0x1c7: {  	v3 =	vor.u32 $0xD, v34;
	v2 =	vld.idx.msk [tilespmem:v46+s20+$0x0], $0xffff  }
0x1c8: {  	v47 =	vor.u32 $0xE, v1;
	_ =	sdelay $0x3  }
0x1c9: {  	[tilespmem:v3+s20+$0x0] =	vst.idx.msk $0xffff, v2  }
0x1ca: {  	v3 =	vor.u32 $0xE, v34;
	v2 =	vld.idx.msk [tilespmem:v47+s20+$0x0], $0xffff  }
0x1cb: {  	v48 =	vor.u32 $0xF, v1;
	_ =	sdelay $0x3  }
0x1cc: {  	[tilespmem:v3+s20+$0x0] =	vst.idx.msk $0xffff, v2  }
0x1cd: {  	v3 =	vor.u32 $0xF, v34;
	v2 =	vld.idx.msk [tilespmem:v48+s20+$0x0], $0xffff  }
0x1ce: {  	v49 =	vor.u32 $0x10, v1;
	_ =	sdelay $0x3  }
0x1cf: {  	[tilespmem:v3+s20+$0x0] =	vst.idx.msk $0xffff, v2  }
0x1d0: {  	v3 =	vor.u32 $0x10, v34;
	v2 =	vld.idx.msk [tilespmem:v49+s20+$0x0], $0xffff  }
0x1d1: {  	v50 =	vor.u32 $0x11, v1;
	_ =	sdelay $0x3  }
0x1d2: {  	[tilespmem:v3+s20+$0x0] =	vst.idx.msk $0xffff, v2  }
0x1d3: {  	v3 =	vor.u32 $0x11, v34;
	v2 =	vld.idx.msk [tilespmem:v50+s20+$0x0], $0xffff  }
0x1d4: {  	v51 =	vor.u32 $0x12, v1;
	_ =	sdelay $0x3  }
0x1d5: {  	[tilespmem:v3+s20+$0x0] =	vst.idx.msk $0xffff, v2  }
0x1d6: {  	v3 =	vor.u32 $0x12, v34;
	v2 =	vld.idx.msk [tilespmem:v51+s20+$0x0], $0xffff  }
0x1d7: {  	v52 =	vor.u32 $0x13, v1;
	_ =	sdelay $0x3  }
0x1d8: {  	[tilespmem:v3+s20+$0x0] =	vst.idx.msk $0xffff, v2  }
0x1d9: {  	v3 =	vor.u32 $0x13, v34;
	v2 =	vld.idx.msk [tilespmem:v52+s20+$0x0], $0xffff  }
0x1da: {  	v53 =	vor.u32 $0x14, v1;
	_ =	sdelay $0x3  }
0x1db: {  	[tilespmem:v3+s20+$0x0] =	vst.idx.msk $0xffff, v2  }
0x1dc: {  	v3 =	vor.u32 $0x14, v34;
	v2 =	vld.idx.msk [tilespmem:v53+s20+$0x0], $0xffff  }
0x1dd: {  	v54 =	vor.u32 $0x15, v1;
	_ =	sdelay $0x3  }
0x1de: {  	[tilespmem:v3+s20+$0x0] =	vst.idx.msk $0xffff, v2  }
0x1df: {  	v3 =	vor.u32 $0x15, v34;
	v2 =	vld.idx.msk [tilespmem:v54+s20+$0x0], $0xffff  }
0x1e0: {  	v55 =	vor.u32 $0x16, v1;
	_ =	sdelay $0x3  }
0x1e1: {  	[tilespmem:v3+s20+$0x0] =	vst.idx.msk $0xffff, v2  }
0x1e2: {  	v3 =	vor.u32 $0x16, v34;
	v2 =	vld.idx.msk [tilespmem:v55+s20+$0x0], $0xffff  }
0x1e3: {  	v56 =	vor.u32 $0x17, v1;
	_ =	sdelay $0x3  }
0x1e4: {  	[tilespmem:v3+s20+$0x0] =	vst.idx.msk $0xffff, v2  }
0x1e5: {  	v3 =	vor.u32 $0x17, v34;
	v2 =	vld.idx.msk [tilespmem:v56+s20+$0x0], $0xffff  }
0x1e6: {  	v57 =	vor.u32 $0x18, v1;
	_ =	sdelay $0x3  }
0x1e7: {  	[tilespmem:v3+s20+$0x0] =	vst.idx.msk $0xffff, v2  }
0x1e8: {  	v3 =	vor.u32 $0x18, v34;
	v2 =	vld.idx.msk [tilespmem:v57+s20+$0x0], $0xffff  }
0x1e9: {  	v58 =	vor.u32 $0x19, v1;
	_ =	sdelay $0x3  }
0x1ea: {  	[tilespmem:v3+s20+$0x0] =	vst.idx.msk $0xffff, v2  }
0x1eb: {  	v3 =	vor.u32 $0x19, v34;
	v2 =	vld.idx.msk [tilespmem:v58+s20+$0x0], $0xffff  }
0x1ec: {  	v59 =	vor.u32 $0x1A, v1;
	_ =	sdelay $0x3  }
0x1ed: {  	[tilespmem:v3+s20+$0x0] =	vst.idx.msk $0xffff, v2  }
0x1ee: {  	v3 =	vor.u32 $0x1A, v34;
	v2 =	vld.idx.msk [tilespmem:v59+s20+$0x0], $0xffff  }
0x1ef: {  	v60 =	vor.u32 $0x1B, v1;
	_ =	sdelay $0x3  }
0x1f0: {  	[tilespmem:v3+s20+$0x0] =	vst.idx.msk $0xffff, v2  }
0x1f1: {  	v3 =	vor.u32 $0x1B, v34;
	v2 =	vld.idx.msk [tilespmem:v60+s20+$0x0], $0xffff  }
0x1f2: {  	v61 =	vor.u32 $0x1C, v1;
	_ =	sdelay $0x3  }
0x1f3: {  	[tilespmem:v3+s20+$0x0] =	vst.idx.msk $0xffff, v2  }
0x1f4: {  	v3 =	vor.u32 $0x1C, v34;
	v2 =	vld.idx.msk [tilespmem:v61+s20+$0x0], $0xffff  }
0x1f5: {  	v62 =	vor.u32 $0x1D, v1;
	_ =	sdelay $0x3  }
0x1f6: {  	[tilespmem:v3+s20+$0x0] =	vst.idx.msk $0xffff, v2  }
0x1f7: {  	v3 =	vor.u32 $0x1D, v34;
	v2 =	vld.idx.msk [tilespmem:v62+s20+$0x0], $0xffff  }
0x1f8: {  	v63 =	vor.u32 $0x1E, v1;
	_ =	sdelay $0x3  }
0x1f9: {  	[tilespmem:v3+s20+$0x0] =	vst.idx.msk $0xffff, v2  }
0x1fa: {  	v3 =	vor.u32 $0x1E, v34;
	v2 =	vld.idx.msk [tilespmem:v63+s20+$0x0], $0xffff  }
0x1fb: {  	v1 =	vor.u32 $0x1F, v1;
	_ =	sdelay $0x3  }
0x1fc: {  	[tilespmem:v3+s20+$0x0] =	vst.idx.msk $0xffff, v2  }
0x1fd: {  	s31 =	simm.s32 $0x10;
	v2 =	vld.idx.msk [tilespmem:v1+s20+$0x0], $0xffff;
	v1 =	vor.u32 $0x1F, v34  }
.LBB2_7:
0x1fe: {  	_ =	sdelay $0x2  }
0x1ff: {  	p0 =	sne.s32 s31, $0x190  }
0x200: {  	s30 =	sadd.s32 $0x10, s30;
	s0 =	smov.u32 s31;
	s31 =	sadd.s32 $0x10, s31;
	[tilespmem:v1+s20+$0x0] =	vst.idx.msk $0xffff, v2  }
0x201: {  	v1 =	vld [tilespmem:s30+$0x0];
	_ =	sdelay $0x4  }
0x202: {  	v3 =	vor.u32 s0, v0;
	v1 =	vshll.u32 v1, $0x5  }
0x203: {  	v4 =	vshll.u32 v3, $0x7;
	v2 =	vand.u32 $0xFFFFFF80, v1  }
0x204: {  	v1 =	vand.u32 $0x60, v1;
	v2 =	vadd.s32 v4, v2  }
0x205: {  	v2 =	vor.u32 v1, v2;
	_ =	sdelay $0x4  }
0x206: {  	v4 =	vld.idx.msk [tilespmem:v2+s20+$0x0], $0xffff  }
0x207: {  	v1 =	vshll.u32 v3, $0x5  }
0x208: {  	v3 =	vor.u32 $0x1, v2;
	_ =	sdelay $0x3  }
0x209: {  	[tilespmem:v1+s20+$0x0] =	vst.idx.msk $0xffff, v4  }
0x20a: {  	v3 =	vld.idx.msk [tilespmem:v3+s20+$0x0], $0xffff  }
0x20b: {  	v4 =	vor.u32 $0x1, v1  }
0x20c: {  	v5 =	vor.u32 $0x2, v2;
	_ =	sdelay $0x3  }
0x20d: {  	[tilespmem:v4+s20+$0x0] =	vst.idx.msk $0xffff, v3  }
0x20e: {  	v3 =	vld.idx.msk [tilespmem:v5+s20+$0x0], $0xffff  }
0x20f: {  	v4 =	vor.u32 $0x2, v1  }
0x210: {  	v5 =	vor.u32 $0x3, v2;
	_ =	sdelay $0x3  }
0x211: {  	[tilespmem:v4+s20+$0x0] =	vst.idx.msk $0xffff, v3  }
0x212: {  	v3 =	vld.idx.msk [tilespmem:v5+s20+$0x0], $0xffff  }
0x213: {  	v4 =	vor.u32 $0x3, v1  }
0x214: {  	v5 =	vor.u32 $0x4, v2;
	_ =	sdelay $0x3  }
0x215: {  	[tilespmem:v4+s20+$0x0] =	vst.idx.msk $0xffff, v3  }
0x216: {  	v3 =	vld.idx.msk [tilespmem:v5+s20+$0x0], $0xffff  }
0x217: {  	v4 =	vor.u32 $0x4, v1  }
0x218: {  	v5 =	vor.u32 $0x5, v2;
	_ =	sdelay $0x3  }
0x219: {  	[tilespmem:v4+s20+$0x0] =	vst.idx.msk $0xffff, v3  }
0x21a: {  	v3 =	vld.idx.msk [tilespmem:v5+s20+$0x0], $0xffff  }
0x21b: {  	v4 =	vor.u32 $0x5, v1  }
0x21c: {  	v5 =	vor.u32 $0x6, v2;
	_ =	sdelay $0x3  }
0x21d: {  	[tilespmem:v4+s20+$0x0] =	vst.idx.msk $0xffff, v3  }
0x21e: {  	v3 =	vld.idx.msk [tilespmem:v5+s20+$0x0], $0xffff  }
0x21f: {  	v4 =	vor.u32 $0x6, v1  }
0x220: {  	v5 =	vor.u32 $0x7, v2;
	_ =	sdelay $0x3  }
0x221: {  	[tilespmem:v4+s20+$0x0] =	vst.idx.msk $0xffff, v3  }
0x222: {  	v3 =	vld.idx.msk [tilespmem:v5+s20+$0x0], $0xffff  }
0x223: {  	v4 =	vor.u32 $0x7, v1  }
0x224: {  	v5 =	vor.u32 $0x8, v2;
	_ =	sdelay $0x3  }
0x225: {  	[tilespmem:v4+s20+$0x0] =	vst.idx.msk $0xffff, v3  }
0x226: {  	v3 =	vld.idx.msk [tilespmem:v5+s20+$0x0], $0xffff  }
0x227: {  	v4 =	vor.u32 $0x8, v1  }
0x228: {  	v5 =	vor.u32 $0x9, v2;
	_ =	sdelay $0x3  }
0x229: {  	[tilespmem:v4+s20+$0x0] =	vst.idx.msk $0xffff, v3  }
0x22a: {  	v3 =	vld.idx.msk [tilespmem:v5+s20+$0x0], $0xffff  }
0x22b: {  	v4 =	vor.u32 $0x9, v1  }
0x22c: {  	v5 =	vor.u32 $0xA, v2;
	_ =	sdelay $0x3  }
0x22d: {  	[tilespmem:v4+s20+$0x0] =	vst.idx.msk $0xffff, v3  }
0x22e: {  	v3 =	vld.idx.msk [tilespmem:v5+s20+$0x0], $0xffff  }
0x22f: {  	v4 =	vor.u32 $0xA, v1  }
0x230: {  	v5 =	vor.u32 $0xB, v2;
	_ =	sdelay $0x3  }
0x231: {  	[tilespmem:v4+s20+$0x0] =	vst.idx.msk $0xffff, v3  }
0x232: {  	v3 =	vld.idx.msk [tilespmem:v5+s20+$0x0], $0xffff  }
0x233: {  	v4 =	vor.u32 $0xB, v1  }
0x234: {  	v5 =	vor.u32 $0xC, v2;
	_ =	sdelay $0x3  }
0x235: {  	[tilespmem:v4+s20+$0x0] =	vst.idx.msk $0xffff, v3  }
0x236: {  	v3 =	vld.idx.msk [tilespmem:v5+s20+$0x0], $0xffff  }
0x237: {  	v4 =	vor.u32 $0xC, v1  }
0x238: {  	v5 =	vor.u32 $0xD, v2;
	_ =	sdelay $0x3  }
0x239: {  	[tilespmem:v4+s20+$0x0] =	vst.idx.msk $0xffff, v3  }
0x23a: {  	v3 =	vld.idx.msk [tilespmem:v5+s20+$0x0], $0xffff  }
0x23b: {  	v4 =	vor.u32 $0xD, v1  }
0x23c: {  	v5 =	vor.u32 $0xE, v2;
	_ =	sdelay $0x3  }
0x23d: {  	[tilespmem:v4+s20+$0x0] =	vst.idx.msk $0xffff, v3  }
0x23e: {  	v3 =	vld.idx.msk [tilespmem:v5+s20+$0x0], $0xffff  }
0x23f: {  	v4 =	vor.u32 $0xE, v1  }
0x240: {  	v5 =	vor.u32 $0xF, v2;
	_ =	sdelay $0x3  }
0x241: {  	[tilespmem:v4+s20+$0x0] =	vst.idx.msk $0xffff, v3  }
0x242: {  	v3 =	vld.idx.msk [tilespmem:v5+s20+$0x0], $0xffff  }
0x243: {  	v4 =	vor.u32 $0xF, v1  }
0x244: {  	v5 =	vor.u32 $0x10, v2;
	_ =	sdelay $0x3  }
0x245: {  	[tilespmem:v4+s20+$0x0] =	vst.idx.msk $0xffff, v3  }
0x246: {  	v3 =	vld.idx.msk [tilespmem:v5+s20+$0x0], $0xffff  }
0x247: {  	v4 =	vor.u32 $0x10, v1  }
0x248: {  	v5 =	vor.u32 $0x11, v2;
	_ =	sdelay $0x3  }
0x249: {  	[tilespmem:v4+s20+$0x0] =	vst.idx.msk $0xffff, v3  }
0x24a: {  	v3 =	vld.idx.msk [tilespmem:v5+s20+$0x0], $0xffff  }
0x24b: {  	v4 =	vor.u32 $0x11, v1  }
0x24c: {  	v5 =	vor.u32 $0x12, v2;
	_ =	sdelay $0x3  }
0x24d: {  	[tilespmem:v4+s20+$0x0] =	vst.idx.msk $0xffff, v3  }
0x24e: {  	v3 =	vld.idx.msk [tilespmem:v5+s20+$0x0], $0xffff  }
0x24f: {  	v4 =	vor.u32 $0x12, v1  }
0x250: {  	v5 =	vor.u32 $0x13, v2;
	_ =	sdelay $0x3  }
0x251: {  	[tilespmem:v4+s20+$0x0] =	vst.idx.msk $0xffff, v3  }
0x252: {  	v3 =	vld.idx.msk [tilespmem:v5+s20+$0x0], $0xffff  }
0x253: {  	v4 =	vor.u32 $0x13, v1  }
0x254: {  	v5 =	vor.u32 $0x14, v2;
	_ =	sdelay $0x3  }
0x255: {  	[tilespmem:v4+s20+$0x0] =	vst.idx.msk $0xffff, v3  }
0x256: {  	v3 =	vld.idx.msk [tilespmem:v5+s20+$0x0], $0xffff  }
0x257: {  	v4 =	vor.u32 $0x14, v1  }
0x258: {  	v5 =	vor.u32 $0x15, v2;
	_ =	sdelay $0x3  }
0x259: {  	[tilespmem:v4+s20+$0x0] =	vst.idx.msk $0xffff, v3  }
0x25a: {  	v3 =	vld.idx.msk [tilespmem:v5+s20+$0x0], $0xffff  }
0x25b: {  	v4 =	vor.u32 $0x15, v1  }
0x25c: {  	v5 =	vor.u32 $0x16, v2;
	_ =	sdelay $0x3  }
0x25d: {  	[tilespmem:v4+s20+$0x0] =	vst.idx.msk $0xffff, v3  }
0x25e: {  	v3 =	vld.idx.msk [tilespmem:v5+s20+$0x0], $0xffff  }
0x25f: {  	v4 =	vor.u32 $0x16, v1  }
0x260: {  	v5 =	vor.u32 $0x17, v2;
	_ =	sdelay $0x3  }
0x261: {  	[tilespmem:v4+s20+$0x0] =	vst.idx.msk $0xffff, v3  }
0x262: {  	v3 =	vld.idx.msk [tilespmem:v5+s20+$0x0], $0xffff  }
0x263: {  	v4 =	vor.u32 $0x17, v1  }
0x264: {  	v5 =	vor.u32 $0x18, v2;
	_ =	sdelay $0x3  }
0x265: {  	[tilespmem:v4+s20+$0x0] =	vst.idx.msk $0xffff, v3  }
0x266: {  	v3 =	vld.idx.msk [tilespmem:v5+s20+$0x0], $0xffff  }
0x267: {  	v4 =	vor.u32 $0x18, v1  }
0x268: {  	v5 =	vor.u32 $0x19, v2;
	_ =	sdelay $0x3  }
0x269: {  	[tilespmem:v4+s20+$0x0] =	vst.idx.msk $0xffff, v3  }
0x26a: {  	v3 =	vld.idx.msk [tilespmem:v5+s20+$0x0], $0xffff  }
0x26b: {  	v4 =	vor.u32 $0x19, v1  }
0x26c: {  	v5 =	vor.u32 $0x1A, v2;
	_ =	sdelay $0x3  }
0x26d: {  	[tilespmem:v4+s20+$0x0] =	vst.idx.msk $0xffff, v3  }
0x26e: {  	v3 =	vld.idx.msk [tilespmem:v5+s20+$0x0], $0xffff  }
0x26f: {  	v4 =	vor.u32 $0x1A, v1  }
0x270: {  	v5 =	vor.u32 $0x1B, v2;
	_ =	sdelay $0x3  }
0x271: {  	[tilespmem:v4+s20+$0x0] =	vst.idx.msk $0xffff, v3  }
0x272: {  	v3 =	vld.idx.msk [tilespmem:v5+s20+$0x0], $0xffff  }
0x273: {  	v4 =	vor.u32 $0x1B, v1  }
0x274: {  	v5 =	vor.u32 $0x1C, v2;
	_ =	sdelay $0x3  }
0x275: {  	[tilespmem:v4+s20+$0x0] =	vst.idx.msk $0xffff, v3  }
0x276: {  	v3 =	vld.idx.msk [tilespmem:v5+s20+$0x0], $0xffff  }
0x277: {  	v4 =	vor.u32 $0x1C, v1  }
0x278: {  	v5 =	vor.u32 $0x1D, v2;
	_ =	sdelay $0x3  }
0x279: {  	[tilespmem:v4+s20+$0x0] =	vst.idx.msk $0xffff, v3  }
0x27a: {  	v3 =	vld.idx.msk [tilespmem:v5+s20+$0x0], $0xffff  }
0x27b: {  	v4 =	vor.u32 $0x1D, v1  }
0x27c: {  	v5 =	vor.u32 $0x1E, v2;
	_ =	sdelay $0x3  }
0x27d: {  	[tilespmem:v4+s20+$0x0] =	vst.idx.msk $0xffff, v3  }
0x27e: {  	v3 =	vld.idx.msk [tilespmem:v5+s20+$0x0], $0xffff  }
0x27f: {  	v4 =	vor.u32 $0x1E, v1  }
0x280: {  	v2 =	vor.u32 $0x1F, v2;
	_ =	sdelay $0x1  }
.Ltmp2:
0x281: {  	(pc) =	sbr.rel @p0 .LBB2_7-.Ltmp2, $4  }
0x282: {  	_ = 	snop  }
0x283: {  	[tilespmem:v4+s20+$0x0] =	vst.idx.msk $0xffff, v3  }
0x284: {  	v2 =	vld.idx.msk [tilespmem:v2+s20+$0x0], $0xffff  }
0x285: {  	v1 =	vor.u32 $0x1F, v1  }
0x286: {  	s0 =	smul.u32 $0xD0, s29;
	s29 =	sadd.s32 $0x1, s29  }
0x287: {  	p0 =	sne.s32 s29, $0x50  }
.Ltmp3:
0x288: {  	_ = 	snop;
	(pc) =	sbr.rel @p0 .LBB2_2-.Ltmp3, $4  }
0x289: {  	s0 =	sadd.s32 s7, s0  }
0x28a: {  	s0 =	sshll.u32 s0, $0x4  }
0x28b: {  	[tilespmem:v1+s20+$0x0] =	vst.idx.msk $0xffff, v2;
	s0 =	sadd.s32 s2, s0  }
0x28c: {  	[hbm4b:s0+s3] =	stream.linear.scatter [tilespmem:s20], [sflag:$0x5], $0x3400, $0x38;
	[tilespmem:$0x1AA00] =	vst v63  }
0x28d: {  	_ =	swait.ge [sflag:s24], $0xD000  }
0x28e: {  	[sflag:s24] =	ssyncset.done $0x0  }
0x28f: {  	s29 =	simm.s32 $0x400;
	[sflag:s24] =	ssyncadd.s32 $0xFFFF3000  }
0x290: {  	v1 =	vld [tilespmem:s29+$0x0];
	_ =	sdelay $0x3  }
0x291: {  	s0 =	simm.s32 $0x0  }
0x292: {  	v2 =	vor.u32 s0, v0;
	v1 =	vshll.u32 v1, $0x5  }
0x293: {  	v4 =	vshll.u32 v2, $0x7;
	v3 =	vand.u32 $0xFFFFFF80, v1  }
0x294: {  	v1 =	vand.u32 $0x60, v1;
	v3 =	vadd.s32 v4, v3  }
0x295: {  	v1 =	vor.u32 v1, v3;
	_ =	sdelay $0x4  }
0x296: {  	v35 =	vshll.u32 v2, $0x5;
	v3 =	vld.idx.msk [tilespmem:v1+s22+$0x0], $0xffff  }
0x297: {  	v2 =	vor.u32 $0x1, v1;
	_ =	sdelay $0x3  }
0x298: {  	[tilespmem:v35+s22+$0x0] =	vst.idx.msk $0xffff, v3  }
0x299: {  	v3 =	vor.u32 $0x1, v35;
	v2 =	vld.idx.msk [tilespmem:v2+s22+$0x0], $0xffff  }
0x29a: {  	v5 =	vor.u32 $0x2, v1;
	_ =	sdelay $0x3  }
0x29b: {  	[tilespmem:v3+s22+$0x0] =	vst.idx.msk $0xffff, v2  }
0x29c: {  	v3 =	vor.u32 $0x2, v35;
	v2 =	vld.idx.msk [tilespmem:v5+s22+$0x0], $0xffff  }
0x29d: {  	v36 =	vor.u32 $0x3, v1;
	_ =	sdelay $0x3  }
0x29e: {  	[tilespmem:v3+s22+$0x0] =	vst.idx.msk $0xffff, v2  }
0x29f: {  	v3 =	vor.u32 $0x3, v35;
	v2 =	vld.idx.msk [tilespmem:v36+s22+$0x0], $0xffff  }
0x2a0: {  	v37 =	vor.u32 $0x4, v1;
	_ =	sdelay $0x3  }
0x2a1: {  	[tilespmem:v3+s22+$0x0] =	vst.idx.msk $0xffff, v2  }
0x2a2: {  	v3 =	vor.u32 $0x4, v35;
	v2 =	vld.idx.msk [tilespmem:v37+s22+$0x0], $0xffff  }
0x2a3: {  	v38 =	vor.u32 $0x5, v1;
	_ =	sdelay $0x3  }
0x2a4: {  	[tilespmem:v3+s22+$0x0] =	vst.idx.msk $0xffff, v2  }
0x2a5: {  	v3 =	vor.u32 $0x5, v35;
	v2 =	vld.idx.msk [tilespmem:v38+s22+$0x0], $0xffff  }
0x2a6: {  	v39 =	vor.u32 $0x6, v1;
	_ =	sdelay $0x3  }
0x2a7: {  	[tilespmem:v3+s22+$0x0] =	vst.idx.msk $0xffff, v2  }
0x2a8: {  	v3 =	vor.u32 $0x6, v35;
	v2 =	vld.idx.msk [tilespmem:v39+s22+$0x0], $0xffff  }
0x2a9: {  	v40 =	vor.u32 $0x7, v1;
	_ =	sdelay $0x3  }
0x2aa: {  	[tilespmem:v3+s22+$0x0] =	vst.idx.msk $0xffff, v2  }
0x2ab: {  	v3 =	vor.u32 $0x7, v35;
	v2 =	vld.idx.msk [tilespmem:v40+s22+$0x0], $0xffff  }
0x2ac: {  	v41 =	vor.u32 $0x8, v1;
	_ =	sdelay $0x3  }
0x2ad: {  	[tilespmem:v3+s22+$0x0] =	vst.idx.msk $0xffff, v2  }
0x2ae: {  	v3 =	vor.u32 $0x8, v35;
	v2 =	vld.idx.msk [tilespmem:v41+s22+$0x0], $0xffff  }
0x2af: {  	v42 =	vor.u32 $0x9, v1;
	_ =	sdelay $0x3  }
0x2b0: {  	[tilespmem:v3+s22+$0x0] =	vst.idx.msk $0xffff, v2  }
0x2b1: {  	v3 =	vor.u32 $0x9, v35;
	v2 =	vld.idx.msk [tilespmem:v42+s22+$0x0], $0xffff  }
0x2b2: {  	v43 =	vor.u32 $0xA, v1;
	_ =	sdelay $0x3  }
0x2b3: {  	[tilespmem:v3+s22+$0x0] =	vst.idx.msk $0xffff, v2  }
0x2b4: {  	v3 =	vor.u32 $0xA, v35;
	v2 =	vld.idx.msk [tilespmem:v43+s22+$0x0], $0xffff  }
0x2b5: {  	v44 =	vor.u32 $0xB, v1;
	_ =	sdelay $0x3  }
0x2b6: {  	[tilespmem:v3+s22+$0x0] =	vst.idx.msk $0xffff, v2  }
0x2b7: {  	v3 =	vor.u32 $0xB, v35;
	v2 =	vld.idx.msk [tilespmem:v44+s22+$0x0], $0xffff  }
0x2b8: {  	v45 =	vor.u32 $0xC, v1;
	_ =	sdelay $0x3  }
0x2b9: {  	[tilespmem:v3+s22+$0x0] =	vst.idx.msk $0xffff, v2  }
0x2ba: {  	v3 =	vor.u32 $0xC, v35;
	v2 =	vld.idx.msk [tilespmem:v45+s22+$0x0], $0xffff  }
0x2bb: {  	v46 =	vor.u32 $0xD, v1;
	_ =	sdelay $0x3  }
0x2bc: {  	[tilespmem:v3+s22+$0x0] =	vst.idx.msk $0xffff, v2  }
0x2bd: {  	v3 =	vor.u32 $0xD, v35;
	v2 =	vld.idx.msk [tilespmem:v46+s22+$0x0], $0xffff  }
0x2be: {  	v47 =	vor.u32 $0xE, v1;
	_ =	sdelay $0x3  }
0x2bf: {  	[tilespmem:v3+s22+$0x0] =	vst.idx.msk $0xffff, v2  }
0x2c0: {  	v3 =	vor.u32 $0xE, v35;
	v2 =	vld.idx.msk [tilespmem:v47+s22+$0x0], $0xffff  }
0x2c1: {  	v48 =	vor.u32 $0xF, v1;
	_ =	sdelay $0x3  }
0x2c2: {  	[tilespmem:v3+s22+$0x0] =	vst.idx.msk $0xffff, v2  }
0x2c3: {  	v3 =	vor.u32 $0xF, v35;
	v2 =	vld.idx.msk [tilespmem:v48+s22+$0x0], $0xffff  }
0x2c4: {  	v49 =	vor.u32 $0x10, v1;
	_ =	sdelay $0x3  }
0x2c5: {  	[tilespmem:v3+s22+$0x0] =	vst.idx.msk $0xffff, v2  }
0x2c6: {  	v3 =	vor.u32 $0x10, v35;
	v2 =	vld.idx.msk [tilespmem:v49+s22+$0x0], $0xffff  }
0x2c7: {  	v50 =	vor.u32 $0x11, v1;
	_ =	sdelay $0x3  }
0x2c8: {  	[tilespmem:v3+s22+$0x0] =	vst.idx.msk $0xffff, v2  }
0x2c9: {  	v3 =	vor.u32 $0x11, v35;
	v2 =	vld.idx.msk [tilespmem:v50+s22+$0x0], $0xffff  }
0x2ca: {  	v51 =	vor.u32 $0x12, v1;
	_ =	sdelay $0x3  }
0x2cb: {  	[tilespmem:v3+s22+$0x0] =	vst.idx.msk $0xffff, v2  }
0x2cc: {  	v3 =	vor.u32 $0x12, v35;
	v2 =	vld.idx.msk [tilespmem:v51+s22+$0x0], $0xffff  }
0x2cd: {  	v52 =	vor.u32 $0x13, v1;
	_ =	sdelay $0x3  }
0x2ce: {  	[tilespmem:v3+s22+$0x0] =	vst.idx.msk $0xffff, v2  }
0x2cf: {  	v3 =	vor.u32 $0x13, v35;
	v2 =	vld.idx.msk [tilespmem:v52+s22+$0x0], $0xffff  }
0x2d0: {  	v53 =	vor.u32 $0x14, v1;
	_ =	sdelay $0x3  }
0x2d1: {  	[tilespmem:v3+s22+$0x0] =	vst.idx.msk $0xffff, v2  }
0x2d2: {  	v3 =	vor.u32 $0x14, v35;
	v2 =	vld.idx.msk [tilespmem:v53+s22+$0x0], $0xffff  }
0x2d3: {  	v54 =	vor.u32 $0x15, v1;
	_ =	sdelay $0x3  }
0x2d4: {  	[tilespmem:v3+s22+$0x0] =	vst.idx.msk $0xffff, v2  }
0x2d5: {  	v3 =	vor.u32 $0x15, v35;
	v2 =	vld.idx.msk [tilespmem:v54+s22+$0x0], $0xffff  }
0x2d6: {  	v55 =	vor.u32 $0x16, v1;
	_ =	sdelay $0x3  }
0x2d7: {  	[tilespmem:v3+s22+$0x0] =	vst.idx.msk $0xffff, v2  }
0x2d8: {  	v3 =	vor.u32 $0x16, v35;
	v2 =	vld.idx.msk [tilespmem:v55+s22+$0x0], $0xffff  }
0x2d9: {  	v56 =	vor.u32 $0x17, v1;
	_ =	sdelay $0x3  }
0x2da: {  	[tilespmem:v3+s22+$0x0] =	vst.idx.msk $0xffff, v2  }
0x2db: {  	v3 =	vor.u32 $0x17, v35;
	v2 =	vld.idx.msk [tilespmem:v56+s22+$0x0], $0xffff  }
0x2dc: {  	v57 =	vor.u32 $0x18, v1;
	_ =	sdelay $0x3  }
0x2dd: {  	[tilespmem:v3+s22+$0x0] =	vst.idx.msk $0xffff, v2  }
0x2de: {  	v3 =	vor.u32 $0x18, v35;
	v2 =	vld.idx.msk [tilespmem:v57+s22+$0x0], $0xffff  }
0x2df: {  	v58 =	vor.u32 $0x19, v1;
	_ =	sdelay $0x3  }
0x2e0: {  	[tilespmem:v3+s22+$0x0] =	vst.idx.msk $0xffff, v2  }
0x2e1: {  	v3 =	vor.u32 $0x19, v35;
	v2 =	vld.idx.msk [tilespmem:v58+s22+$0x0], $0xffff  }
0x2e2: {  	v59 =	vor.u32 $0x1A, v1;
	_ =	sdelay $0x3  }
0x2e3: {  	[tilespmem:v3+s22+$0x0] =	vst.idx.msk $0xffff, v2  }
0x2e4: {  	v3 =	vor.u32 $0x1A, v35;
	v2 =	vld.idx.msk [tilespmem:v59+s22+$0x0], $0xffff  }
0x2e5: {  	v60 =	vor.u32 $0x1B, v1;
	_ =	sdelay $0x3  }
0x2e6: {  	[tilespmem:v3+s22+$0x0] =	vst.idx.msk $0xffff, v2  }
0x2e7: {  	v3 =	vor.u32 $0x1B, v35;
	v2 =	vld.idx.msk [tilespmem:v60+s22+$0x0], $0xffff  }
0x2e8: {  	v61 =	vor.u32 $0x1C, v1;
	_ =	sdelay $0x3  }
0x2e9: {  	[tilespmem:v3+s22+$0x0] =	vst.idx.msk $0xffff, v2  }
0x2ea: {  	v3 =	vor.u32 $0x1C, v35;
	v2 =	vld.idx.msk [tilespmem:v61+s22+$0x0], $0xffff  }
0x2eb: {  	v62 =	vor.u32 $0x1D, v1;
	_ =	sdelay $0x3  }
0x2ec: {  	[tilespmem:v3+s22+$0x0] =	vst.idx.msk $0xffff, v2  }
0x2ed: {  	v3 =	vor.u32 $0x1D, v35;
	v2 =	vld.idx.msk [tilespmem:v62+s22+$0x0], $0xffff  }
0x2ee: {  	v63 =	vor.u32 $0x1E, v1;
	_ =	sdelay $0x3  }
0x2ef: {  	[tilespmem:v3+s22+$0x0] =	vst.idx.msk $0xffff, v2  }
0x2f0: {  	v3 =	vor.u32 $0x1E, v35;
	v2 =	vld.idx.msk [tilespmem:v63+s22+$0x0], $0xffff  }
0x2f1: {  	v1 =	vor.u32 $0x1F, v1;
	_ =	sdelay $0x3  }
0x2f2: {  	[tilespmem:v3+s22+$0x0] =	vst.idx.msk $0xffff, v2  }
0x2f3: {  	s30 =	simm.s32 $0x10;
	v2 =	vld.idx.msk [tilespmem:v1+s22+$0x0], $0xffff;
	v1 =	vor.u32 $0x1F, v35  }
.LBB2_10:
0x2f4: {  	_ =	sdelay $0x2  }
0x2f5: {  	p0 =	sne.s32 s30, $0x190  }
0x2f6: {  	s29 =	sadd.s32 $0x10, s29;
	s0 =	smov.u32 s30;
	s30 =	sadd.s32 $0x10, s30;
	[tilespmem:v1+s22+$0x0] =	vst.idx.msk $0xffff, v2  }
0x2f7: {  	v1 =	vld [tilespmem:s29+$0x0];
	_ =	sdelay $0x4  }
0x2f8: {  	v3 =	vor.u32 s0, v0;
	v1 =	vshll.u32 v1, $0x5  }
0x2f9: {  	v4 =	vshll.u32 v3, $0x7;
	v2 =	vand.u32 $0xFFFFFF80, v1  }
0x2fa: {  	v1 =	vand.u32 $0x60, v1;
	v2 =	vadd.s32 v4, v2  }
0x2fb: {  	v2 =	vor.u32 v1, v2;
	_ =	sdelay $0x4  }
0x2fc: {  	v4 =	vld.idx.msk [tilespmem:v2+s22+$0x0], $0xffff  }
0x2fd: {  	v1 =	vshll.u32 v3, $0x5  }
0x2fe: {  	v3 =	vor.u32 $0x1, v2;
	_ =	sdelay $0x3  }
0x2ff: {  	[tilespmem:v1+s22+$0x0] =	vst.idx.msk $0xffff, v4  }
0x300: {  	v3 =	vld.idx.msk [tilespmem:v3+s22+$0x0], $0xffff  }
0x301: {  	v4 =	vor.u32 $0x1, v1  }
0x302: {  	v5 =	vor.u32 $0x2, v2;
	_ =	sdelay $0x3  }
0x303: {  	[tilespmem:v4+s22+$0x0] =	vst.idx.msk $0xffff, v3  }
0x304: {  	v3 =	vld.idx.msk [tilespmem:v5+s22+$0x0], $0xffff  }
0x305: {  	v4 =	vor.u32 $0x2, v1  }
0x306: {  	v5 =	vor.u32 $0x3, v2;
	_ =	sdelay $0x3  }
0x307: {  	[tilespmem:v4+s22+$0x0] =	vst.idx.msk $0xffff, v3  }
0x308: {  	v3 =	vld.idx.msk [tilespmem:v5+s22+$0x0], $0xffff  }
0x309: {  	v4 =	vor.u32 $0x3, v1  }
0x30a: {  	v5 =	vor.u32 $0x4, v2;
	_ =	sdelay $0x3  }
0x30b: {  	[tilespmem:v4+s22+$0x0] =	vst.idx.msk $0xffff, v3  }
0x30c: {  	v3 =	vld.idx.msk [tilespmem:v5+s22+$0x0], $0xffff  }
0x30d: {  	v4 =	vor.u32 $0x4, v1  }
0x30e: {  	v5 =	vor.u32 $0x5, v2;
	_ =	sdelay $0x3  }
0x30f: {  	[tilespmem:v4+s22+$0x0] =	vst.idx.msk $0xffff, v3  }
0x310: {  	v3 =	vld.idx.msk [tilespmem:v5+s22+$0x0], $0xffff  }
0x311: {  	v4 =	vor.u32 $0x5, v1  }
0x312: {  	v5 =	vor.u32 $0x6, v2;
	_ =	sdelay $0x3  }
0x313: {  	[tilespmem:v4+s22+$0x0] =	vst.idx.msk $0xffff, v3  }
0x314: {  	v3 =	vld.idx.msk [tilespmem:v5+s22+$0x0], $0xffff  }
0x315: {  	v4 =	vor.u32 $0x6, v1  }
0x316: {  	v5 =	vor.u32 $0x7, v2;
	_ =	sdelay $0x3  }
0x317: {  	[tilespmem:v4+s22+$0x0] =	vst.idx.msk $0xffff, v3  }
0x318: {  	v3 =	vld.idx.msk [tilespmem:v5+s22+$0x0], $0xffff  }
0x319: {  	v4 =	vor.u32 $0x7, v1  }
0x31a: {  	v5 =	vor.u32 $0x8, v2;
	_ =	sdelay $0x3  }
0x31b: {  	[tilespmem:v4+s22+$0x0] =	vst.idx.msk $0xffff, v3  }
0x31c: {  	v3 =	vld.idx.msk [tilespmem:v5+s22+$0x0], $0xffff  }
0x31d: {  	v4 =	vor.u32 $0x8, v1  }
0x31e: {  	v5 =	vor.u32 $0x9, v2;
	_ =	sdelay $0x3  }
0x31f: {  	[tilespmem:v4+s22+$0x0] =	vst.idx.msk $0xffff, v3  }
0x320: {  	v3 =	vld.idx.msk [tilespmem:v5+s22+$0x0], $0xffff  }
0x321: {  	v4 =	vor.u32 $0x9, v1  }
0x322: {  	v5 =	vor.u32 $0xA, v2;
	_ =	sdelay $0x3  }
0x323: {  	[tilespmem:v4+s22+$0x0] =	vst.idx.msk $0xffff, v3  }
0x324: {  	v3 =	vld.idx.msk [tilespmem:v5+s22+$0x0], $0xffff  }
0x325: {  	v4 =	vor.u32 $0xA, v1  }
0x326: {  	v5 =	vor.u32 $0xB, v2;
	_ =	sdelay $0x3  }
0x327: {  	[tilespmem:v4+s22+$0x0] =	vst.idx.msk $0xffff, v3  }
0x328: {  	v3 =	vld.idx.msk [tilespmem:v5+s22+$0x0], $0xffff  }
0x329: {  	v4 =	vor.u32 $0xB, v1  }
0x32a: {  	v5 =	vor.u32 $0xC, v2;
	_ =	sdelay $0x3  }
0x32b: {  	[tilespmem:v4+s22+$0x0] =	vst.idx.msk $0xffff, v3  }
0x32c: {  	v3 =	vld.idx.msk [tilespmem:v5+s22+$0x0], $0xffff  }
0x32d: {  	v4 =	vor.u32 $0xC, v1  }
0x32e: {  	v5 =	vor.u32 $0xD, v2;
	_ =	sdelay $0x3  }
0x32f: {  	[tilespmem:v4+s22+$0x0] =	vst.idx.msk $0xffff, v3  }
0x330: {  	v3 =	vld.idx.msk [tilespmem:v5+s22+$0x0], $0xffff  }
0x331: {  	v4 =	vor.u32 $0xD, v1  }
0x332: {  	v5 =	vor.u32 $0xE, v2;
	_ =	sdelay $0x3  }
0x333: {  	[tilespmem:v4+s22+$0x0] =	vst.idx.msk $0xffff, v3  }
0x334: {  	v3 =	vld.idx.msk [tilespmem:v5+s22+$0x0], $0xffff  }
0x335: {  	v4 =	vor.u32 $0xE, v1  }
0x336: {  	v5 =	vor.u32 $0xF, v2;
	_ =	sdelay $0x3  }
0x337: {  	[tilespmem:v4+s22+$0x0] =	vst.idx.msk $0xffff, v3  }
0x338: {  	v3 =	vld.idx.msk [tilespmem:v5+s22+$0x0], $0xffff  }
0x339: {  	v4 =	vor.u32 $0xF, v1  }
0x33a: {  	v5 =	vor.u32 $0x10, v2;
	_ =	sdelay $0x3  }
0x33b: {  	[tilespmem:v4+s22+$0x0] =	vst.idx.msk $0xffff, v3  }
0x33c: {  	v3 =	vld.idx.msk [tilespmem:v5+s22+$0x0], $0xffff  }
0x33d: {  	v4 =	vor.u32 $0x10, v1  }
0x33e: {  	v5 =	vor.u32 $0x11, v2;
	_ =	sdelay $0x3  }
0x33f: {  	[tilespmem:v4+s22+$0x0] =	vst.idx.msk $0xffff, v3  }
0x340: {  	v3 =	vld.idx.msk [tilespmem:v5+s22+$0x0], $0xffff  }
0x341: {  	v4 =	vor.u32 $0x11, v1  }
0x342: {  	v5 =	vor.u32 $0x12, v2;
	_ =	sdelay $0x3  }
0x343: {  	[tilespmem:v4+s22+$0x0] =	vst.idx.msk $0xffff, v3  }
0x344: {  	v3 =	vld.idx.msk [tilespmem:v5+s22+$0x0], $0xffff  }
0x345: {  	v4 =	vor.u32 $0x12, v1  }
0x346: {  	v5 =	vor.u32 $0x13, v2;
	_ =	sdelay $0x3  }
0x347: {  	[tilespmem:v4+s22+$0x0] =	vst.idx.msk $0xffff, v3  }
0x348: {  	v3 =	vld.idx.msk [tilespmem:v5+s22+$0x0], $0xffff  }
0x349: {  	v4 =	vor.u32 $0x13, v1  }
0x34a: {  	v5 =	vor.u32 $0x14, v2;
	_ =	sdelay $0x3  }
0x34b: {  	[tilespmem:v4+s22+$0x0] =	vst.idx.msk $0xffff, v3  }
0x34c: {  	v3 =	vld.idx.msk [tilespmem:v5+s22+$0x0], $0xffff  }
0x34d: {  	v4 =	vor.u32 $0x14, v1  }
0x34e: {  	v5 =	vor.u32 $0x15, v2;
	_ =	sdelay $0x3  }
0x34f: {  	[tilespmem:v4+s22+$0x0] =	vst.idx.msk $0xffff, v3  }
0x350: {  	v3 =	vld.idx.msk [tilespmem:v5+s22+$0x0], $0xffff  }
0x351: {  	v4 =	vor.u32 $0x15, v1  }
0x352: {  	v5 =	vor.u32 $0x16, v2;
	_ =	sdelay $0x3  }
0x353: {  	[tilespmem:v4+s22+$0x0] =	vst.idx.msk $0xffff, v3  }
0x354: {  	v3 =	vld.idx.msk [tilespmem:v5+s22+$0x0], $0xffff  }
0x355: {  	v4 =	vor.u32 $0x16, v1  }
0x356: {  	v5 =	vor.u32 $0x17, v2;
	_ =	sdelay $0x3  }
0x357: {  	[tilespmem:v4+s22+$0x0] =	vst.idx.msk $0xffff, v3  }
0x358: {  	v3 =	vld.idx.msk [tilespmem:v5+s22+$0x0], $0xffff  }
0x359: {  	v4 =	vor.u32 $0x17, v1  }
0x35a: {  	v5 =	vor.u32 $0x18, v2;
	_ =	sdelay $0x3  }
0x35b: {  	[tilespmem:v4+s22+$0x0] =	vst.idx.msk $0xffff, v3  }
0x35c: {  	v3 =	vld.idx.msk [tilespmem:v5+s22+$0x0], $0xffff  }
0x35d: {  	v4 =	vor.u32 $0x18, v1  }
0x35e: {  	v5 =	vor.u32 $0x19, v2;
	_ =	sdelay $0x3  }
0x35f: {  	[tilespmem:v4+s22+$0x0] =	vst.idx.msk $0xffff, v3  }
0x360: {  	v3 =	vld.idx.msk [tilespmem:v5+s22+$0x0], $0xffff  }
0x361: {  	v4 =	vor.u32 $0x19, v1  }
0x362: {  	v5 =	vor.u32 $0x1A, v2;
	_ =	sdelay $0x3  }
0x363: {  	[tilespmem:v4+s22+$0x0] =	vst.idx.msk $0xffff, v3  }
0x364: {  	v3 =	vld.idx.msk [tilespmem:v5+s22+$0x0], $0xffff  }
0x365: {  	v4 =	vor.u32 $0x1A, v1  }
0x366: {  	v5 =	vor.u32 $0x1B, v2;
	_ =	sdelay $0x3  }
0x367: {  	[tilespmem:v4+s22+$0x0] =	vst.idx.msk $0xffff, v3  }
0x368: {  	v3 =	vld.idx.msk [tilespmem:v5+s22+$0x0], $0xffff  }
0x369: {  	v4 =	vor.u32 $0x1B, v1  }
0x36a: {  	v5 =	vor.u32 $0x1C, v2;
	_ =	sdelay $0x3  }
0x36b: {  	[tilespmem:v4+s22+$0x0] =	vst.idx.msk $0xffff, v3  }
0x36c: {  	v3 =	vld.idx.msk [tilespmem:v5+s22+$0x0], $0xffff  }
0x36d: {  	v4 =	vor.u32 $0x1C, v1  }
0x36e: {  	v5 =	vor.u32 $0x1D, v2;
	_ =	sdelay $0x3  }
0x36f: {  	[tilespmem:v4+s22+$0x0] =	vst.idx.msk $0xffff, v3  }
0x370: {  	v3 =	vld.idx.msk [tilespmem:v5+s22+$0x0], $0xffff  }
0x371: {  	v4 =	vor.u32 $0x1D, v1  }
0x372: {  	v5 =	vor.u32 $0x1E, v2;
	_ =	sdelay $0x3  }
0x373: {  	[tilespmem:v4+s22+$0x0] =	vst.idx.msk $0xffff, v3  }
0x374: {  	v3 =	vld.idx.msk [tilespmem:v5+s22+$0x0], $0xffff  }
0x375: {  	v4 =	vor.u32 $0x1E, v1  }
0x376: {  	v2 =	vor.u32 $0x1F, v2;
	_ =	sdelay $0x1  }
.Ltmp4:
0x377: {  	(pc) =	sbr.rel @p0 .LBB2_10-.Ltmp4, $4  }
0x378: {  	_ = 	snop  }
0x379: {  	[tilespmem:v4+s22+$0x0] =	vst.idx.msk $0xffff, v3  }
0x37a: {  	v2 =	vld.idx.msk [tilespmem:v2+s22+$0x0], $0xffff  }
0x37b: {  	v1 =	vor.u32 $0x1F, v1  }
0x37c: {  	_ =	sdelay $0x3  }
0x37d: {  	s28 =	sadd.s32 $0x1, s28;
	[tilespmem:v1+s22+$0x0] =	vst.idx.msk $0xffff, v2  }
0x37e: {  	[hbm4b:s13+s3] =	stream.linear.scatter [tilespmem:s22], [sflag:$0x6], $0x3400, $0x38;
	[tilespmem:$0x1AA00] =	vst v63  }
0x37f: {  	p0 =	sne.s32 s28, s14;
	_ =	swait.ge [sflag:s25], $0x3400  }
.Ltmp5:
0x380: {  	[sflag:s25] =	ssyncset.done $0x0;
	(pc) =	sbr.rel @p0 .LBB2_1-.Ltmp5, $4  }
0x381: {  	[sflag:s25] =	ssyncadd.s32 $0xFFFFCC00  }
0x382: {  	_ =	swait.ge [sflag:s26], $0x3400  }
0x383: {  	[sflag:s26] =	ssyncset.done $0x0  }
0x384: {  	[sflag:s26] =	ssyncadd.s32 $0xFFFFCC00  }
0x385: {  	_ =	sfence.sel $0x180000  }
0x386: {  	[bflag:$0x0] =	sbarrier.arrive $0xFFFF  }
0x387: {  	_ =	strace $0x90000047  }
0x388: {  	[bflag:$0x2] =	sbarrier.arrive $0xFFFF  }
0x389: {  	p0 =	sne.s32 s1, $0x0;
	s0 =	rddreg [dreg:$0x2]  }
0x38a: {  	s0 =	sadd.s32 @!p0 $0x100000, s0  }
0x38b: {  	[sflag:s0] =	ssyncadd.tile.s32 @!p0 $0x1;
	_ =	shalt  }
.Lfunc_end2:
_tile_overlayer_lowered:
.L_overlay_start_2:
0x38c: {  	(tag) =	ssettag $0x2  }
0x38d: {  	s0 =	rddreg [dreg:$0x0];
	s2 =	stileid.u32  }
0x38e: {  	s1 =	rddreg [dreg:$0x1];
	p0 =	sne.s32 s2, $0x0  }
0x38f: {  	s3 =	rddreg [dreg:$0x2];
	[bflag:$0x3] =	sbarrier.arrive $0xFFFF;
	s2 =	simm.s32 @!p0 $0x1C07  }
0x390: {  	[timem:s3], [sflag:s2] =	dma.local @!p0 [hbm:s0], s1  }
0x391: {  	s0 =	simm.s32 @!p0 $0x7  }
0x392: {  	_ =	swait.ge @!p0 [sflag:s0], s1  }
0x393: {  	s1 =	ssub.s32 @!p0 $0x0, s1;
	[sflag:s0] =	ssyncset.done @!p0 $0x0  }
0x394: {  	[sflag:s0] =	ssyncadd.s32 @!p0 s1  }
0x395: {  	[bflag:$0x3] =	sbarrier.arrive $0xFFFF  }
0x396: {  	_ =	shalt  }

// kernel: sparse-core-data-format-call.cloned.1.call-start
scs
called_computation_lowered:
.L_overlay_start_0:
0x0: {  	s2 =	sld [smem:$0x3FD9]  }
0x1: {  	s3 =	sld [smem:$0x3FFE];
	_ =	sdelay $0x1  }
0x2: {  	s1 =	srdreg.scid  }
0x3: {  	s0 =	sand.u32 $0x1, s1  }
0x4: {  	s18 =	sshll.u32 s0, $0xA;
	s2 =	sadd.s32 s3, s2  }
0x5: {  	s2 =	sadd.s32 s2, s18  }
0x6: {  	[smem:$0x3FC6] =	sst s2  }
0x7: {  	_ = 	snop  }
0x8: {  	s2 =	sld [smem:$0x3FD0];
	(tm) =	ssettm $0x1  }
0x9: {  	s19 =	sld [smem:$0x3FFB];
	_ =	sdelay $0x3  }
0xa: {  	_ =	strace s19  }
0xb: {  	s3 =	sld [smem:$0x3FFC];
	_ =	sdelay $0x3  }
0xc: {  	_ =	strace s3  }
0xd: {  	s3 =	sld [smem:$0x3FFD];
	_ =	sdelay $0x3  }
0xe: {  	_ =	strace s3  }
0xf: {  	_ =	strace $0x8FFFFFFF  }
0x10: {  	s20 =	sld [smem:$0x3FDB];
	_ =	sdelay $0x1  }
0x11: {  	s4 =	simm.s32 $_scs_section_size  }
0x12: {  	s5 =	simm.s32 $_size__tile_overlayer_lowered;
	s6 =	simm.s32 $_tile_overlayer_lowered  }
0x13: {  	s23 =	simm.s32 $0x1BFF;
	s22 =	sshll.u32 s6, $0x1;
	s3 =	sadd.s32 s4, s20  }
0x14: {  	s7 =	simm.s32 $0x0;
	s21 =	sshll.u32 s5, $0x1;
	s5 =	sadd.s32 s22, s3  }
0x15: {  	[timem:s7], [sflag:s23] =	dma.local [hbm:s5], s21  }
0x16: {  	_ =	swait.ge [sflag:s23], s21  }
0x17: {  	s4 =	ssub.s32 $0x0, s21;
	[sflag:s23] =	ssyncset.done $0x0  }
0x18: {  	[sflag:s23] =	ssyncadd.s32 s4;
	_ =	sdelay $0x1  }
0x19: {  	s24 =	simm.s32 $0x1B8B  }
0x1a: {  	_ =	swait.ge [sflag:s24], $0x1  }
0x1b: {  	[sflag:s24] =	ssyncset.done $0x0  }
0x1c: {  	s26 =	simm.s32 $0x1B8E;
	s25 =	sld [smem:$0x3FFE];
	[sflag:s24] =	ssyncadd.s32 $0xFFFFFFFF  }
0x1d: {  	s27 =	simm.s32 $execute0_lowered;
	[smem:$0x3FD2] =	sst s26  }
0x1e: {  	s5 =	sshll.u32 s27, $0x1;
	_ =	strace $0x80000049;
	[dreg:$0x1] =	wrdreg $0xFFFFFFFF  }
0x1f: {  	s28 =	simm.s32 $_size_execute0_lowered;
	s3 =	sadd.s32 s3, s5;
	[dreg:$0x0] =	wrdreg $0x0  }
0x20: {  	s5 =	sshll.u32 s28, $0x1;
	[dreg:$0x2] =	wrdreg s3  }
0x21: {  	[dreg:$0x3] =	wrdreg s5  }
0x22: {  	[dreg:$0x4] =	wrdreg $0xC0  }
0x23: {  	_ =	task [dreg:s7], $0x5FFFF  }
0x24: {  	[dreg:$0x1] =	wrdreg $0xFFFFFFFF  }
0x25: {  	[dreg:$0x0] =	wrdreg $0x60  }
0x26: {  	[dreg:$0x2] =	wrdreg s25  }
0x27: {  	[dreg:$0x3] =	wrdreg s2  }
0x28: {  	[dreg:$0x4] =	wrdreg $0x9  }
0x29: {  	_ =	task.clear_ibuf [dreg:s7], $0x5FFFF;
	_ =	strace $0x90000049  }
0x2a: {  	s29 =	simm.s32 $0x9;
	_ =	strace $0x8000004B  }
0x2b: {  	_ =	swait.ge [sflag:s29], $0x1  }
0x2c: {  	[sflag:s29] =	ssyncadd.s32 $0xFFFFFFFF  }
0x2d: {  	_ =	strace $0x9000004B  }
0x2e: {  	_ =	sfence  }
0x2f: {  	s30 =	sld [smem:$0x0];
	_ =	sdelay $0x2  }
0x30: {  	s31 =	sshll.u32 s1, $0xD;
	s1 =	sshrl.u32 s1, $0x2  }
0x31: {  	s3 =	sand.u32 $0x4000, s31;
	s1 =	sadd.s32 s1, s30  }
0x32: {  	s0 =	sor.u32 s3, s0;
	s1 =	sshll.u32 s1, $0x11  }
0x33: {  	s0 =	sor.u32 s1, s0  }
0x34: {  	s0 =	sadd.s32 $0x8F2B, s0  }
0x35: {  	[sflag:s0] =	ssyncadd.remote.s32 $0x1  }
0x36: {  	_ =	sfence.sel $0xFFFF  }
0x37: {  	[dreg:$0x0] =	wrdreg $0xFFFFFFFF;
	(pc) =	sbr.abs _section_cstart, $3  }
0x38: {  	[dreg:$0x1] =	wrdreg $0xFFFFFFFF  }
0x39: {  	_ =	task.clear_ibuf [dreg:s7], $0x2FFFF;
	_ =	strace $0x9FFFFFFF  }
0x3a: {  	(tm) =	ssettm $0x7FFFFFFF  }
0x3b: {  	_ =	shalt  }
tec
execute0_lowered:
.L_overlay_start_1:
0x0: {  	(tag) =	ssettag $0x1  }
0x1: {  	s0 =	srdreg.scid;
	s6 =	rddreg [dreg:$0x0]  }
0x2: {  	s3 =	rddreg [dreg:$0x1];
	s1 =	sshll.u32 s0, $0x4  }
0x3: {  	s5 =	simm.s32 $0x1;
	s0 =	stileid.u32;
	s1 =	sand.u32 $0x10, s1  }
0x4: {  	s31 =	simm.s32 $0x2;
	s16 =	simm.s32 $0x0;
	s1 =	sor.u32 s0, s1  }
0x5: {  	s8 =	simm.s32 $0x8000;
	s18 =	simm.s32 $0x0;
	s2 =	sshll.u32 s1, $0x7  }
0x6: {  	s17 =	simm.s32 $0x0;
	s9 =	simm.s32 $0x0;
	s4 =	ssub.s32 $0x1000, s2  }
0x7: {  	s10 =	simm.s32 $0x0;
	s11 =	simm.s32 $0x0;
	s30 =	sand.u32 $0xF80, s4  }
0x8: {  	s12 =	simm.s32 $0x0;
	s13 =	simm.s32 $0x0;
	p0 =	sne.s32 s30, $0x0  }
.Ltmp0:
0x9: {  	s7 =	sshrl.u32 s4, $0xC;
	s5 =	simm.s32 @!p0 $0x0;
	(pc) =	sbr.rel .LBB1_1-.Ltmp0, $4  }
0xa: {  	s15 =	simm.s32 $0x0;
	s1 =	rddreg [dreg:$0x2];
	s5 =	sadd.s32 s5, s7  }
0xb: {  	_ =	strace $0x8000004A;
	s4 =	simm.s32 $0x1;
	s5 =	smul.u32 $0x8C, s5  }
0xc: {  	s6 =	sadd.s32 $0x1200, s6;
	s14 =	smov.u32 s2;
	[sflag:s4] =	ssyncpa.u1 $0x0  }
0xd: {  	[sflag:s31] =	ssyncpa.u1 $0x0;
	p0 =	por $0x0, $0x0;
	s7 =	sor.u32 $0x1, s5  }
.LBB1_4:
0xe: {  	s23 =	sshra.s32 s23, $0x2;
	s30 =	sshll.u32 s9, $0xC  }
0xf: {  	p1 =	sgt.s32 s10, $0x13;
	s24 =	smov.u32 s10;
	s25 =	sshra.s32 s10, $0x1F  }
0x10: {  	s26 =	sshll.u32 s11, $0x3;
	s28 =	smov.u32 s11;
	s29 =	sshra.s32 s11, $0x1F  }
0x11: {  	s22 =	sadd.s32 s23, s22;
	s24 =	simm.s32 @!p1 $0x13;
	s25 =	sand.u32 s25, s10  }
0x12: {  	s23 =	sand.u32 $0xFFFF8000, s30;
	s27 =	sand.u32 $0xFFFFFC00, s26;
	p1 =	sgt.s32 s9, $0x2C0  }
0x13: {  	s31 =	sand.u32 s29, s11;
	s29 =	sshll.u32 s9, $0x7;
	s30 =	sshra.s32 s9, $0x1F  }
0x14: {  	[tilespmem:s21+$0x2040 ss:$0x81] =	vst.msk $0xffff, v4;
	s24 =	ssub.s32 s24, s25;
	s23 =	sadd.s32 s27, s23;
	s27 =	smov.u32 s9  }
0x15: {  	[tilespmem:s21+$0x2850 ss:$0x81] =	vst.msk $0xffff, v3;
	s29 =	sand.u32 $0x380, s29;
	s25 =	sadd.s32 $0xFFFFFFED, s24;
	s27 =	simm.s32 @!p1 $0x2C0  }
0x16: {  	v5 =	vld [tilespmem:s20+$0xFFFFFFD0];
	[tilespmem:s21+$0x3060 ss:$0x81] =	vst.msk $0xffff, v2;
	p1 =	sgt.s32 s11, $0xF80;
	s23 =	sshrl.u32 s23, $0xC;
	s24 =	ssub.s32 $0x14, s24  }
0x17: {  	v58 =	vld [tilespmem:s20+$0xFFFFFFE0];
	[tilespmem:s21+$0x0 ss:$0x81] =	vst.msk $0xffff, v1;
	s28 =	simm.s32 @!p1 $0xF80;
	p1 =	sgt.s32 s25, $0x0;
	s21 =	smulhi.u32 $0x4EC4ED, s23  }
0x18: {  	v59 =	vld [tilespmem:s20+$0xFFFFFFF0];
	s25 =	ssub.s32 s28, s31;
	s28 =	sand.u32 s30, s9;
	s24 =	simm.s32 @p1 $0x0  }
0x19: {  	v60 =	vld [tilespmem:s20+$0x0];
	s27 =	ssub.s32 s27, s28;
	s31 =	sadd.s32 $0xFFFFF080, s25;
	s25 =	ssub.s32 $0x1000, s25  }
0x1a: {  	v61 =	vld [tilespmem:s20+$0x10];
	[tilespmem:s22+$0x3870 ss:$0x81] =	vst.msk $0xffff, v0;
	s21 =	smul.u32 $0x340, s21;
	s28 =	sand.u32 $0x7, s11;
	p1 =	sgt.s32 s31, $0x7F  }
0x1b: {  	v62 =	vld [tilespmem:s20+$0x20];
	[tilespmem:s22+$0x810 ss:$0x81] =	vst.msk $0xffff, v5;
	s30 =	sadd.s32 $0xFFFFFD40, s27;
	s31 =	sand.u32 $0x78, s11;
	s25 =	simm.s32 @p1 $0x0  }
0x1c: {  	v63 =	vld [tilespmem:s20+$0xFFFFFFC0];
	[tilespmem:s22+$0x1020 ss:$0x81] =	vst.msk $0xffff, v58;
	p1 =	sgt.s32 s30, $0x7F;
	s30 =	sand.u32 $0xC00, s26;
	s24 =	smul.u32 s25, s24  }
0x1d: {  	[tilespmem:s22+$0x1830 ss:$0x81] =	vst.msk $0xffff, v59;
	s26 =	ssub.s32 $0x340, s27;
	s20 =	sor.u32 s31, s30;
	s31 =	smul.u32 $0x68000, s10  }
0x1e: {  	[tilespmem:s22+$0x2040 ss:$0x81] =	vst.msk $0xffff, v60;
	s21 =	ssub.s32 s23, s21;
	s26 =	simm.s32 @p1 $0x0;
	s20 =	sor.u32 s29, s20  }
0x1f: {  	[tilespmem:s22+$0x2850 ss:$0x81] =	vst.msk $0xffff, v61;
	s26 =	smul.u32 s26, s24;
	s20 =	sshrl.u32 s20, $0x3;
	s27 =	sadd.s32 s3, s31  }
0x20: {  	[tilespmem:s22+$0x3060 ss:$0x81] =	vst.msk $0xffff, v62;
	s21 =	sshll.u32 s21, $0x9;
	s29 =	sshll.u32 s28, $0x12;
	s20 =	sadd.s32 s20, s27  }
0x21: {  	[tilespmem:s22+$0x0 ss:$0x81] =	vst.msk $0xffff, v63;
	s31 =	sor.u32 $0x400, s29;
	s30 =	sand.u32 $0x3FFFFFFF, s26;
	s20 =	sadd.s32 s21, s20  }
0x22: {  	[hbm4b:s20+s31] =	stream.strided.scatter [tilespmem:s19], [sflag:$0x2], s30, s8, s31, $0x20;
	[tilespmem:$0x10100] =	vst v63  }
.LBB1_5:
0x23: {  	p1 =	slt.u32 s15, $0x2  }
0x24: {  	p2 =	sgt.s32 @!p1 s18, $0x13  }
0x25: {  	s19 =	smov.u32 s18;
	s20 =	sshra.s32 @!p1 s18, $0x1F;
	p2 =	por !p2, p1  }
0x26: {  	s18 =	sand.u32 @!p1 s20, s18;
	s19 =	simm.s32 @p2 $0x13  }
0x27: {  	p3 =	sgt.s32 @!p1 s16, $0x2C0;
	s18 =	ssub.s32 @!p1 s19, s18  }
0x28: {  	p4 =	sgt.s32 @!p1 s17, $0xF80;
	s21 =	sshra.s32 @!p1 s17, $0x1F;
	s19 =	sadd.s32 @!p1 $0xFFFFFFED, s18  }
0x29: {  	s20 =	smov.u32 s16;
	p2 =	sgt.s32 @!p1 s19, $0x0;
	s19 =	sshra.s32 @!p1 s16, $0x1F  }
0x2a: {  	p4 =	por !p4, p1;
	s16 =	sand.u32 @!p1 s19, s16;
	s19 =	smov.u32 s17  }
0x2b: {  	p3 =	por !p3, p1;
	s17 =	sand.u32 @!p1 s21, s17;
	s19 =	simm.s32 @p4 $0xF80  }
0x2c: {  	s20 =	simm.s32 @p3 $0x2C0;
	s18 =	ssub.s32 @!p1 $0x14, s18;
	s17 =	ssub.s32 @!p1 s19, s17  }
0x2d: {  	p2 =	por !p2, p1;
	s16 =	ssub.s32 @!p1 s20, s16;
	s20 =	sadd.s32 @!p1 $0xFFFFF080, s17  }
0x2e: {  	s18 =	simm.s32 @!p2 $0x0;
	p3 =	sgt.s32 @!p1 s20, $0x7F  }
0x2f: {  	s19 =	sadd.s32 @!p1 $0xFFFFFD40, s16;
	s17 =	ssub.s32 @!p1 $0x1000, s17;
	p3 =	por !p3, p1  }
0x30: {  	p2 =	sgt.s32 @!p1 s19, $0x7F;
	s19 =	sadd.s32 $0x80, s12;
	s17 =	simm.s32 @!p3 $0x0  }
0x31: {  	p3 =	sgt.s32 s19, $0x33F;
	s17 =	smul.u32 @!p1 s17, s18;
	s18 =	simm.s32 $0x1  }
0x32: {  	s16 =	ssub.s32 @!p1 $0x340, s16;
	p2 =	por !p2, p1;
	s18 =	simm.s32 @!p3 $0x0  }
0x33: {  	s21 =	smov.u32 s14;
	s16 =	simm.s32 @!p2 $0x0;
	s20 =	sadd.s32 s18, s13  }
0x34: {  	s16 =	smul.u32 @!p1 s16, s17;
	s17 =	sadd.s32 $0x1000, s14;
	p2 =	sgt.s32 s20, $0x13  }
0x35: {  	p0 =	por !p0, !p0;
	s22 =	simm.s32 @!p1 $0x2;
	s21 =	smov.u32 @p2 s17  }
0x36: {  	s19 =	simm.s32 @p3 $0x0;
	s20 =	simm.s32 @p2 $0x0;
	p2 =	sgt.s32 s21, $0xFFF  }
0x37: {  	s18 =	smov.u32 s10;
	s21 =	smov.u32 @p2 s2;
	p2 =	sne.s32 s15, s7  }
.Ltmp1:
0x38: {  	s10 =	smov.u32 s13;
	s16 =	sand.u32 @!p1 $0x3FFFFFFF, s16;
	(pc) =	sbr.rel @!p2 .LBB1_6-.Ltmp1, $4  }
0x39: {  	s17 =	smov.u32 s11;
	s11 =	smov.u32 s14;
	_ =	swait.ge @!p1 [sflag:s22], s16  }
0x3a: {  	s23 =	ssub.s32 @!p1 $0x0, s16;
	s16 =	smov.u32 s9;
	s9 =	smov.u32 s12  }
0x3b: {  	s12 =	smov.u32 s19;
	s13 =	smov.u32 s20;
	[sflag:s22] =	ssyncset.done @!p1 $0x0  }
0x3c: {  	s15 =	sadd.s32 $0x1, s15;
	[sflag:s22] =	ssyncadd.s32 @!p1 s23;
	s14 =	smov.u32 s21  }
.LBB1_1:
0x3d: {  	p1 =	sge.u32 s15, s5  }
0x3e: {  	s19 =	sshrl.u32 @!p1 s13, $0x3  }
0x3f: {  	s20 =	sshll.u32 @!p1 s12, $0x3;
	s19 =	smul.u32 @!p1 $0x1C00, s19  }
0x40: {  	s21 =	sshll.u32 @!p1 s13, $0x7;
	s20 =	sand.u32 @!p1 $0xFFFFFC00, s20  }
0x41: {  	s19 =	sadd.s32 @!p1 s19, s20;
	s20 =	sand.u32 @!p1 $0x380, s21  }
0x42: {  	s19 =	sor.u32 @!p1 s20, s19  }
0x43: {  	s20 =	sshrl.u32 @!p1 s19, $0x7  }
0x44: {  	s20 =	smulhi.u32 @!p1 $0x24924925, s20;
	_ =	sdelay $0x1  }
0x45: {  	s21 =	smulhi.u32 @!p1 $0xAAAAAAB, s20;
	_ =	sdelay $0x1  }
0x46: {  	s22 =	sand.u32 @!p1 $0x7F, s12;
	s21 =	smul.u32 @!p1 $0x18, s21  }
0x47: {  	s31 =	sadd.s32 $0xFFFFFFFF, s15;
	s19 =	sor.u32 @!p1 s22, s19;
	s22 =	smul.u32 @!p1 $0x380, s20  }
0x48: {  	s23 =	sxor.u32 @!p1 $0xFFFFFFFF, s15;
	s20 =	ssub.s32 @!p1 s20, s21;
	s21 =	smul.u32 @!p1 $0xA80, s14  }
0x49: {  	s23 =	sshll.u32 @!p1 s23, $0xE;
	s19 =	ssub.s32 @!p1 s19, s22;
	s20 =	smul.u32 @!p1 $0x70, s20  }
0x4a: {  	s22 =	sand.u32 @!p1 $0x4000, s23;
	s23 =	sand.u32 @!p1 $0x7, s19;
	s21 =	sadd.s32 @!p1 s6, s21  }
0x4b: {  	s19 =	sshrl.u32 @!p1 s19, $0x3;
	s20 =	sadd.s32 @!p1 s20, s21;
	s21 =	sshll.u32 @!p1 s23, $0x12  }
0x4c: {  	s19 =	sadd.s32 @!p1 s19, s20;
	s20 =	sor.u32 @!p1 $0x80, s21;
	s21 =	simm.s32 @!p1 $0x5400  }
0x4d: {  	[tilespmem:s22], [sflag:$0x1] =	stream.strided.gather @!p1 [hbm4b:s19+s20], $0x4000, s21, s20, $0x38;
	[tilespmem:$0x10100] =	vst v63  }
0x4e: {  	p1 =	sge.u32 s31, s5  }
.Ltmp2:
0x4f: {  	_ = 	snop;
	(pc) =	sbr.rel @p1 .LBB1_5-.Ltmp2, $1  }
0x50: {  	_ =	sdelay $0x3  }
0x51: {  	s19 =	simm.s32 $0x1  }
0x52: {  	_ =	swait.ge [sflag:s4], $0x4000;
	s19 =	simm.s32 @!p0 $0x0  }
0x53: {  	[sflag:s4] =	ssyncset.done $0x0;
	s20 =	sshll.u32 s19, $0xE  }
0x54: {  	[sflag:s4] =	ssyncadd.s32 $0xFFFFC000;
	s20 =	sor.u32 $0x40, s20  }
0x55: {  	s19 =	smul.u32 $0x10200, s19;
	v0 =	vld [tilespmem:s20+$0x30]  }
0x56: {  	v1 =	vld [tilespmem:s20+$0xFFFFFFD0]  }
0x57: {  	s19 =	sshrl.u32 s19, $0x2;
	v5 =	vld [tilespmem:s20+$0xFFFFFFE0]  }
0x58: {  	v6 =	vld [tilespmem:s20+$0xFFFFFFF0];
	s22 =	sor.u32 $0x8000, s19  }
0x59: {  	s31 =	sand.u32 $0x1, s15;
	v4 =	vld [tilespmem:s20+$0x0];
	s21 =	sadd.s32 $0x0, s22  }
0x5a: {  	v3 =	vld [tilespmem:s20+$0x10];
	s19 =	smul.u32 $0x10200, s31;
	[tilespmem:s21+$0x3870 ss:$0x81] =	vst.msk $0xffff, v0  }
0x5b: {  	v2 =	vld [tilespmem:s20+$0x20];
	[tilespmem:s21+$0x810 ss:$0x81] =	vst.msk $0xffff, v1  }
0x5c: {  	s19 =	sshrl.u32 s19, $0x2;
	v1 =	vld [tilespmem:s20+$0xFFFFFFC0];
	[tilespmem:s21+$0x1020 ss:$0x81] =	vst.msk $0xffff, v5;
	s20 =	sadd.s32 $0x80, s20  }
0x5d: {  	s23 =	simm.s32 $0x4;
	s24 =	simm.s32 $0x8;
	s19 =	sor.u32 $0x8000, s19;
	[tilespmem:s21+$0x1830 ss:$0x81] =	vst.msk $0xffff, v6;
	v0 =	vld [tilespmem:s20+$0x30]  }
.LBB1_3:
0x5e: {  	p1 =	sne.s32 s24, $0x1FC;
	v5 =	vld [tilespmem:s20+$0xFFFFFFD0];
	[tilespmem:s21+$0x2040 ss:$0x81] =	vst.msk $0xffff, v4  }
0x5f: {  	v6 =	vld [tilespmem:s20+$0xFFFFFFE0];
	[tilespmem:s21+$0x2850 ss:$0x81] =	vst.msk $0xffff, v3  }
0x60: {  	s25 =	sshra.s32 s23, $0x2;
	s23 =	smov.u32 s24;
	v7 =	vld [tilespmem:s20+$0xFFFFFFF0];
	[tilespmem:s21+$0x3060 ss:$0x81] =	vst.msk $0xffff, v2  }
.Ltmp3:
0x61: {  	v4 =	vld [tilespmem:s20+$0x0];
	[tilespmem:s21+$0x0 ss:$0x81] =	vst.msk $0xffff, v1;
	s21 =	sadd.s32 s25, s22;
	(pc) =	sbr.rel @p1 .LBB1_3-.Ltmp3, $4  }
0x62: {  	v3 =	vld [tilespmem:s20+$0x10];
	[tilespmem:s21+$0x3870 ss:$0x81] =	vst.msk $0xffff, v0  }
0x63: {  	[tilespmem:s21+$0x810 ss:$0x81] =	vst.msk $0xffff, v5;
	v2 =	vld [tilespmem:s20+$0x20]  }
0x64: {  	v1 =	vld [tilespmem:s20+$0xFFFFFFC0];
	[tilespmem:s21+$0x1020 ss:$0x81] =	vst.msk $0xffff, v6;
	s20 =	sadd.s32 $0x80, s20  }
0x65: {  	s24 =	sadd.s32 $0x4, s24;
	v0 =	vld [tilespmem:s20+$0x30];
	[tilespmem:s21+$0x1830 ss:$0x81] =	vst.msk $0xffff, v7  }
.Ltmp4:
0x66: {  	_ = 	snop;
	(pc) =	sbr.rel .LBB1_4-.Ltmp4, $1  }
0x67: {  	_ =	sdelay $0x3  }
.LBB1_6:
0x68: {  	_ =	sfence.sel $0x180000  }
0x69: {  	s2 =	simm.s32 $0x1;
	[bflag:$0x0] =	sbarrier.arrive $0xFFFF  }
0x6a: {  	s31 =	simm.s32 $0x2;
	[sflag:s2] =	ssyncpa.u1 $0x1  }
0x6b: {  	[sflag:s31] =	ssyncpa.u1 $0x1  }
0x6c: {  	p0 =	sne.s32 s0, $0x0;
	_ =	strace $0x9000004A  }
0x6d: {  	s0 =	sadd.s32 @!p0 $0x100000, s1;
	[bflag:$0x2] =	sbarrier.arrive $0xFFFF  }
0x6e: {  	[sflag:s0] =	ssyncadd.tile.s32 @!p0 $0x1;
	_ =	shalt  }
.Lfunc_end1:
_tile_overlayer_lowered:
.L_overlay_start_2:
0x6f: {  	(tag) =	ssettag $0x2  }
0x70: {  	s0 =	rddreg [dreg:$0x0];
	s2 =	stileid.u32  }
0x71: {  	s1 =	rddreg [dreg:$0x1];
	p0 =	sne.s32 s2, $0x0  }
0x72: {  	s3 =	rddreg [dreg:$0x2];
	[bflag:$0x3] =	sbarrier.arrive $0xFFFF;
	s2 =	simm.s32 @!p0 $0x1C01  }
0x73: {  	[timem:s3], [sflag:s2] =	dma.local @!p0 [hbm:s0], s1  }
0x74: {  	s0 =	simm.s32 @!p0 $0x1  }
0x75: {  	_ =	swait.ge @!p0 [sflag:s0], s1  }
0x76: {  	s1 =	ssub.s32 @!p0 $0x0, s1;
	[sflag:s0] =	ssyncset.done @!p0 $0x0  }
0x77: {  	[sflag:s0] =	ssyncadd.s32 @!p0 s1  }
0x78: {  	[bflag:$0x3] =	sbarrier.arrive $0xFFFF  }
0x79: {  	_ =	shalt  }

</sc_bundles>
